<compile_context>
chip_gen: v7x
topology: tpu7x:2x2x1
jax: 0.10.2.dev20260603
libtpu: 0.0.44.dev20260713+nightly
codegen_flags: <defaults>
</compile_context>

<pallas_src>
import jax
import jax.numpy as jnp
from jax import lax
from jax.experimental import pallas as pl
from jax.experimental.pallas import tpu as pltpu
from jax.experimental.pallas import tpu_sc as plsc

B = 4096
F = 26
V = 100000
D = 32
ND = 13
OUT = F * D + ND

_info = plsc.get_sparse_core_info()
NC, NS, NL = _info.num_cores, _info.num_subcores, _info.num_lanes
NW = NC * NS


def _body(sparse_flat, dense_t, tables_e, out_t, idx0, idx1, r0, r1, dv,
          g0, g1, wsem):
    wid = lax.axis_index("s") * NC + lax.axis_index("c")

    idxs = (idx0, idx1)
    rows = (r0, r1)
    gsems = (g0, g1)
    gcp = [None, None]
    wcp = [None, None]

    pltpu.sync_copy(sparse_flat.at[pl.ds(0, B)], idxs[0])
    gcp[0] = pltpu.async_copy(tables_e.at[0, wid].at[idxs[0]], rows[0], gsems[0])
    for s in range(1, F + 1):
        b = s % 2
        if s < F:
            pltpu.sync_copy(sparse_flat.at[pl.ds(s * B, B)], idxs[b])
            if wcp[b] is not None:
                wcp[b].wait()
            gcp[b] = pltpu.async_copy(
                tables_e.at[s, wid].at[idxs[b]], rows[b], gsems[b]
            )
        pb = (s - 1) % 2
        gcp[pb].wait()
        wcp[pb] = pltpu.async_copy(rows[pb], out_t.at[(s - 1) * D + wid], wsem)

    @pl.when(wid < ND)
    def _():
        pltpu.sync_copy(dense_t.at[wid], dv)
        pltpu.sync_copy(dv, out_t.at[F * D + wid])

    for cp in wcp:
        if cp is not None:
            cp.wait()


def kernel(dense_x, sparse_x, tables):
    tables_e = jnp.pad(jnp.transpose(tables.astype(jnp.float32), (0, 2, 1)), ((0, 0), (0, 0), (0, 95)))
    sparse_flat = sparse_x.astype(jnp.int32).T.reshape(F * B)
    dense_t = dense_x.astype(jnp.float32).T

    k = pl.kernel(
        _body,
        out_type=jax.ShapeDtypeStruct((OUT, B), jnp.float32),
        mesh=plsc.VectorSubcoreMesh(core_axis_name="c", subcore_axis_name="s"),
        scratch_types=[
            pltpu.VMEM((B,), jnp.int32),
            pltpu.VMEM((B,), jnp.int32),
            pltpu.VMEM((B,), jnp.float32),
            pltpu.VMEM((B,), jnp.float32),
            pltpu.VMEM((B,), jnp.float32),
            pltpu.SemaphoreType.DMA,
            pltpu.SemaphoreType.DMA,
            pltpu.SemaphoreType.DMA,
        ],
        compiler_params=pltpu.CompilerParams(use_tc_tiling_on_sc=False),
    )
    out_t = k(sparse_flat, dense_t, tables_e)
    return out_t.T

# --- scband reference (transcript-rebuilt; emitter-appended) ---
"""Pipeline reference for scband-feature-embedding-layer-73495480369629 (READ-ONLY COPY).

The authoritative reference and input builder live on the scoring server;
editing this copy changes nothing except your own understanding.
"""

import jax, jax.numpy as jnp
import numpy as np

B = 4096
F = 26
V = 100000
D = 32
ND = 13

def setup_inputs(seed: int = 0) -> dict:
    key = jax.random.key(seed)
    k1, k2, k3 = jax.random.split(key, 3)
    dense_x = jax.random.normal(k1, (B, ND), dtype=jnp.float32)
    sparse_x = jax.random.randint(k2, (B, F), 0, V)
    # One embedding table per sparse field, stacked: [F, V+1, D].
    # Row V is the padding row (padding_idx=V in torch), zeroed at init.
    tables = jax.random.normal(k3, (F, V + 1, D), dtype=jnp.float32) * 0.01
    tables = tables.at[:, V, :].set(0.0)
    return {"dense_x": dense_x, "sparse_x": sparse_x, "tables": tables}

def reference(dense_x, sparse_x, tables):
    # Faithful translation: per-field embedding lookup, then concat with dense feats.
    nf = tables.shape[0]
    vectors = []
    for i in range(nf):
        vectors.append(jnp.take(tables[i], sparse_x[:, i], axis=0))
    vectors.append(dense_x)
    return jnp.concatenate(vectors, axis=1)

if __name__ == "__main__":
    import jax
    _d = setup_inputs()
    print(jax.jit(kernel)(*tuple(_d.values())))

</pallas_src>

<mosaic_0001>
#map = affine_map<(d0, d1) -> (0)>
#map1 = affine_map<(d0, d1) -> (0, 0)>
#map2 = affine_map<(d0, d1) -> (0, 0, 0)>
module attributes {stable_mosaic.version = 14 : i64} {
  func.func @_body(%arg0: i32, %arg1: i32, %arg2: memref<106496xi32, #tpu.memory_space<hbm>>, %arg3: memref<13x4096xf32, #tpu.memory_space<hbm>>, %arg4: memref<26x32x100096xf32, #tpu.memory_space<hbm>>, %arg5: memref<845x4096xf32, #tpu.memory_space<hbm>>, %arg6: memref<4096xi32, #tpu.memory_space<vmem>>, %arg7: memref<4096xi32, #tpu.memory_space<vmem>>, %arg8: memref<4096xf32, #tpu.memory_space<vmem>>, %arg9: memref<4096xf32, #tpu.memory_space<vmem>>, %arg10: memref<4096xf32, #tpu.memory_space<vmem>>, %arg11: memref<!tpu.dma_semaphore, #tpu.memory_space<semaphore_mem>>, %arg12: memref<!tpu.dma_semaphore, #tpu.memory_space<semaphore_mem>>, %arg13: memref<!tpu.dma_semaphore, #tpu.memory_space<semaphore_mem>>) attributes {dimension_semantics = [#tpu.dimension_semantics<core_parallel>, #tpu.dimension_semantics<subcore_parallel>], iteration_bounds = array<i64: 2, 16>, scalar_prefetch = 0 : i64, scratch_operands = 8 : i64, tpu.core_type = #tpu.core_type<sc_vector_subcore>, window_params = [{transform_indices = #map}, {transform_indices = #map1}, {transform_indices = #map2}, {transform_indices = #map1}]} {
    %mul3A = arith.constant 2 : i32
    %mul3A_0 = arith.muli %arg1, %mul3A : i32
    %add3A = arith.addi %mul3A_0, %arg0 : i32
    "tpu.region"() ({
      %run_scoped3A = tpu.sem_alloc : memref<!tpu.dma_semaphore, #tpu.memory_space<semaphore_mem>>
      %dma_start3A_677 = arith.constant 0 : i32
      %dma_start3A_678 = tpu.memref_slice %arg2[%dma_start3A_677] : memref<106496xi32, #tpu.memory_space<hbm>> -> memref<4096xi32, #tpu.memory_space<hbm>>
      %dma_start3A_679 = arith.constant 0 : i32
      %dma_start3A_680 = tpu.memref_slice %arg2[%dma_start3A_679] : memref<106496xi32, #tpu.memory_space<hbm>> -> memref<4096xi32, #tpu.memory_space<hbm>>
      tpu.enqueue_dma source(%dma_start3A_680 : memref<4096xi32, #tpu.memory_space<hbm>>) target(%arg6 : memref<4096xi32, #tpu.memory_space<vmem>>) target_semaphore(%run_scoped3A : memref<!tpu.dma_semaphore, #tpu.memory_space<semaphore_mem>>)
      %dma_wait3A_681 = arith.constant 0 : i32
      %dma_wait3A_682 = tpu.memref_slice %arg2[%dma_wait3A_681] : memref<106496xi32, #tpu.memory_space<hbm>> -> memref<4096xi32, #tpu.memory_space<hbm>>
      %dma_wait3A_683 = arith.constant 0 : i32
      %dma_wait3A_684 = tpu.memref_slice %arg2[%dma_wait3A_683] : memref<106496xi32, #tpu.memory_space<hbm>> -> memref<4096xi32, #tpu.memory_space<hbm>>
      tpu.wait_dma2 semaphore(%run_scoped3A : memref<!tpu.dma_semaphore, #tpu.memory_space<semaphore_mem>>) src(%dma_wait3A_684 : memref<4096xi32, #tpu.memory_space<hbm>>) dst(%arg6 : memref<4096xi32, #tpu.memory_space<vmem>>)
      tpu.yield
    }) : () -> ()
    %dma_start3A = arith.constant 0 : i32
    %dma_start3A_1 = arith.constant 0 : i32
    %dma_start3A_2 = tpu.memref_slice %arg4[%dma_start3A, %add3A, %dma_start3A_1] : memref<26x32x100096xf32, #tpu.memory_space<hbm>> -> memref<1x1x100096xf32, #tpu.memory_space<hbm>>
    %dma_start3A_3 = tpu.memref_squeeze %dma_start3A_2 : memref<1x1x100096xf32, #tpu.memory_space<hbm>> -> memref<100096xf32, #tpu.memory_space<hbm>>
    %dma_start3A_4 = arith.constant 0 : i32
    %dma_start3A_5 = tpu.memref_slice %dma_start3A_3[%dma_start3A_4] : memref<100096xf32, #tpu.memory_space<hbm>> -> memref<100096xf32, #tpu.memory_space<hbm>>
    tpu.enqueue_indirect_dma source(%dma_start3A_5 : memref<100096xf32, #tpu.memory_space<hbm>>) target(%arg8 : memref<4096xf32, #tpu.memory_space<vmem>>) offsets(%arg6 : memref<4096xi32, #tpu.memory_space<vmem>>) semaphore(%arg11 : memref<!tpu.dma_semaphore, #tpu.memory_space<semaphore_mem>>)
    "tpu.region"() ({
      %run_scoped3A = tpu.sem_alloc : memref<!tpu.dma_semaphore, #tpu.memory_space<semaphore_mem>>
      %dma_start3A_677 = arith.constant 4096 : i32
      %dma_start3A_678 = tpu.memref_slice %arg2[%dma_start3A_677] : memref<106496xi32, #tpu.memory_space<hbm>> -> memref<4096xi32, #tpu.memory_space<hbm>>
      %dma_start3A_679 = arith.constant 4096 : i32
      %dma_start3A_680 = tpu.memref_slice %arg2[%dma_start3A_679] : memref<106496xi32, #tpu.memory_space<hbm>> -> memref<4096xi32, #tpu.memory_space<hbm>>
      tpu.enqueue_dma source(%dma_start3A_680 : memref<4096xi32, #tpu.memory_space<hbm>>) target(%arg7 : memref<4096xi32, #tpu.memory_space<vmem>>) target_semaphore(%run_scoped3A : memref<!tpu.dma_semaphore, #tpu.memory_space<semaphore_mem>>)
      %dma_wait3A_681 = arith.constant 4096 : i32
      %dma_wait3A_682 = tpu.memref_slice %arg2[%dma_wait3A_681] : memref<106496xi32, #tpu.memory_space<hbm>> -> memref<4096xi32, #tpu.memory_space<hbm>>
      %dma_wait3A_683 = arith.constant 4096 : i32
      %dma_wait3A_684 = tpu.memref_slice %arg2[%dma_wait3A_683] : memref<106496xi32, #tpu.memory_space<hbm>> -> memref<4096xi32, #tpu.memory_space<hbm>>
      tpu.wait_dma2 semaphore(%run_scoped3A : memref<!tpu.dma_semaphore, #tpu.memory_space<semaphore_mem>>) src(%dma_wait3A_684 : memref<4096xi32, #tpu.memory_space<hbm>>) dst(%arg7 : memref<4096xi32, #tpu.memory_space<vmem>>)
      tpu.yield
    }) : () -> ()
    %dma_start3A_6 = arith.constant 1 : i32
    %dma_start3A_7 = arith.constant 0 : i32
    %dma_start3A_8 = tpu.memref_slice %arg4[%dma_start3A_6, %add3A, %dma_start3A_7] : memref<26x32x100096xf32, #tpu.memory_space<hbm>> -> memref<1x1x100096xf32, #tpu.memory_space<hbm>>
    %dma_start3A_9 = tpu.memref_squeeze %dma_start3A_8 : memref<1x1x100096xf32, #tpu.memory_space<hbm>> -> memref<100096xf32, #tpu.memory_space<hbm>>
    %dma_start3A_10 = arith.constant 0 : i32
    %dma_start3A_11 = tpu.memref_slice %dma_start3A_9[%dma_start3A_10] : memref<100096xf32, #tpu.memory_space<hbm>> -> memref<100096xf32, #tpu.memory_space<hbm>>
    tpu.enqueue_indirect_dma source(%dma_start3A_11 : memref<100096xf32, #tpu.memory_space<hbm>>) target(%arg9 : memref<4096xf32, #tpu.memory_space<vmem>>) offsets(%arg7 : memref<4096xi32, #tpu.memory_space<vmem>>) semaphore(%arg12 : memref<!tpu.dma_semaphore, #tpu.memory_space<semaphore_mem>>)
    %dma_wait3A = arith.constant 0 : i32
    %dma_wait3A_12 = arith.constant 0 : i32
    %dma_wait3A_13 = tpu.memref_slice %arg4[%dma_wait3A, %add3A, %dma_wait3A_12] : memref<26x32x100096xf32, #tpu.memory_space<hbm>> -> memref<1x1x100096xf32, #tpu.memory_space<hbm>>
    %dma_wait3A_14 = tpu.memref_squeeze %dma_wait3A_13 : memref<1x1x100096xf32, #tpu.memory_space<hbm>> -> memref<100096xf32, #tpu.memory_space<hbm>>
    %dma_wait3A_15 = arith.constant 0 : i32
    %dma_wait3A_16 = tpu.memref_slice %dma_wait3A_14[%dma_wait3A_15] : memref<100096xf32, #tpu.memory_space<hbm>> -> memref<100096xf32, #tpu.memory_space<hbm>>
    tpu.wait_indirect_dma semaphore(%arg11 : memref<!tpu.dma_semaphore, #tpu.memory_space<semaphore_mem>>) src(%dma_wait3A_16 : memref<100096xf32, #tpu.memory_space<hbm>>) dst(%arg8 : memref<4096xf32, #tpu.memory_space<vmem>>)
    %add3A_17 = arith.constant 0 : i32
    %add3A_18 = arith.addi %add3A_17, %add3A : i32
    %dma_start3A_19 = arith.constant 0 : i32
    %dma_start3A_20 = tpu.memref_slice %arg5[%add3A_18, %dma_start3A_19] : memref<845x4096xf32, #tpu.memory_space<hbm>> -> memref<1x4096xf32, #tpu.memory_space<hbm>>
    %dma_start3A_21 = tpu.memref_squeeze %dma_start3A_20 : memref<1x4096xf32, #tpu.memory_space<hbm>> -> memref<4096xf32, #tpu.memory_space<hbm>>
    %dma_start3A_22 = arith.constant 0 : i32
    %dma_start3A_23 = tpu.memref_slice %arg5[%add3A_18, %dma_start3A_22] : memref<845x4096xf32, #tpu.memory_space<hbm>> -> memref<1x4096xf32, #tpu.memory_space<hbm>>
    %dma_start3A_24 = tpu.memref_squeeze %dma_start3A_23 : memref<1x4096xf32, #tpu.memory_space<hbm>> -> memref<4096xf32, #tpu.memory_space<hbm>>
    tpu.enqueue_dma source(%arg8 : memref<4096xf32, #tpu.memory_space<vmem>>) target(%dma_start3A_24 : memref<4096xf32, #tpu.memory_space<hbm>>) target_semaphore(%arg13 : memref<!tpu.dma_semaphore, #tpu.memory_space<semaphore_mem>>)
    "tpu.region"() ({
      %run_scoped3A = tpu.sem_alloc : memref<!tpu.dma_semaphore, #tpu.memory_space<semaphore_mem>>
      %dma_start3A_677 = arith.constant 8192 : i32
      %dma_start3A_678 = tpu.memref_slice %arg2[%dma_start3A_677] : memref<106496xi32, #tpu.memory_space<hbm>> -> memref<4096xi32, #tpu.memory_space<hbm>>
      %dma_start3A_679 = arith.constant 8192 : i32
      %dma_start3A_680 = tpu.memref_slice %arg2[%dma_start3A_679] : memref<106496xi32, #tpu.memory_space<hbm>> -> memref<4096xi32, #tpu.memory_space<hbm>>
      tpu.enqueue_dma source(%dma_start3A_680 : memref<4096xi32, #tpu.memory_space<hbm>>) target(%arg6 : memref<4096xi32, #tpu.memory_space<vmem>>) target_semaphore(%run_scoped3A : memref<!tpu.dma_semaphore, #tpu.memory_space<semaphore_mem>>)
      %dma_wait3A_681 = arith.constant 8192 : i32
      %dma_wait3A_682 = tpu.memref_slice %arg2[%dma_wait3A_681] : memref<106496xi32, #tpu.memory_space<hbm>> -> memref<4096xi32, #tpu.memory_space<hbm>>
      %dma_wait3A_683 = arith.constant 8192 : i32
      %dma_wait3A_684 = tpu.memref_slice %arg2[%dma_wait3A_683] : memref<106496xi32, #tpu.memory_space<hbm>> -> memref<4096xi32, #tpu.memory_space<hbm>>
      tpu.wait_dma2 semaphore(%run_scoped3A : memref<!tpu.dma_semaphore, #tpu.memory_space<semaphore_mem>>) src(%dma_wait3A_684 : memref<4096xi32, #tpu.memory_space<hbm>>) dst(%arg6 : memref<4096xi32, #tpu.memory_space<vmem>>)
      tpu.yield
    }) : () -> ()
    %dma_wait3A_25 = arith.constant 0 : i32
    %dma_wait3A_26 = tpu.memref_slice %arg5[%add3A_18, %dma_wait3A_25] : memref<845x4096xf32, #tpu.memory_space<hbm>> -> memref<1x4096xf32, #tpu.memory_space<hbm>>
    %dma_wait3A_27 = tpu.memref_squeeze %dma_wait3A_26 : memref<1x4096xf32, #tpu.memory_space<hbm>> -> memref<4096xf32, #tpu.memory_space<hbm>>
    %dma_wait3A_28 = arith.constant 0 : i32
    %dma_wait3A_29 = tpu.memref_slice %arg5[%add3A_18, %dma_wait3A_28] : memref<845x4096xf32, #tpu.memory_space<hbm>> -> memref<1x4096xf32, #tpu.memory_space<hbm>>
    %dma_wait3A_30 = tpu.memref_squeeze %dma_wait3A_29 : memref<1x4096xf32, #tpu.memory_space<hbm>> -> memref<4096xf32, #tpu.memory_space<hbm>>
    tpu.wait_dma2 semaphore(%arg13 : memref<!tpu.dma_semaphore, #tpu.memory_space<semaphore_mem>>) src(%arg8 : memref<4096xf32, #tpu.memory_space<vmem>>) dst(%dma_wait3A_30 : memref<4096xf32, #tpu.memory_space<hbm>>)
    %dma_start3A_31 = arith.constant 2 : i32
    %dma_start3A_32 = arith.constant 0 : i32
    %dma_start3A_33 = tpu.memref_slice %arg4[%dma_start3A_31, %add3A, %dma_start3A_32] : memref<26x32x100096xf32, #tpu.memory_space<hbm>> -> memref<1x1x100096xf32, #tpu.memory_space<hbm>>
    %dma_start3A_34 = tpu.memref_squeeze %dma_start3A_33 : memref<1x1x100096xf32, #tpu.memory_space<hbm>> -> memref<100096xf32, #tpu.memory_space<hbm>>
    %dma_start3A_35 = arith.constant 0 : i32
    %dma_start3A_36 = tpu.memref_slice %dma_start3A_34[%dma_start3A_35] : memref<100096xf32, #tpu.memory_space<hbm>> -> memref<100096xf32, #tpu.memory_space<hbm>>
    tpu.enqueue_indirect_dma source(%dma_start3A_36 : memref<100096xf32, #tpu.memory_space<hbm>>) target(%arg8 : memref<4096xf32, #tpu.memory_space<vmem>>) offsets(%arg6 : memref<4096xi32, #tpu.memory_space<vmem>>) semaphore(%arg11 : memref<!tpu.dma_semaphore, #tpu.memory_space<semaphore_mem>>)
    %dma_wait3A_37 = arith.constant 1 : i32
    %dma_wait3A_38 = arith.constant 0 : i32
    %dma_wait3A_39 = tpu.memref_slice %arg4[%dma_wait3A_37, %add3A, %dma_wait3A_38] : memref<26x32x100096xf32, #tpu.memory_space<hbm>> -> memref<1x1x100096xf32, #tpu.memory_space<hbm>>
    %dma_wait3A_40 = tpu.memref_squeeze %dma_wait3A_39 : memref<1x1x100096xf32, #tpu.memory_space<hbm>> -> memref<100096xf32, #tpu.memory_space<hbm>>
    %dma_wait3A_41 = arith.constant 0 : i32
    %dma_wait3A_42 = tpu.memref_slice %dma_wait3A_40[%dma_wait3A_41] : memref<100096xf32, #tpu.memory_space<hbm>> -> memref<100096xf32, #tpu.memory_space<hbm>>
    tpu.wait_indirect_dma semaphore(%arg12 : memref<!tpu.dma_semaphore, #tpu.memory_space<semaphore_mem>>) src(%dma_wait3A_42 : memref<100096xf32, #tpu.memory_space<hbm>>) dst(%arg9 : memref<4096xf32, #tpu.memory_space<vmem>>)
    %add3A_43 = arith.constant 32 : i32
    %add3A_44 = arith.addi %add3A_43, %add3A : i32
    %dma_start3A_45 = arith.constant 0 : i32
    %dma_start3A_46 = tpu.memref_slice %arg5[%add3A_44, %dma_start3A_45] : memref<845x4096xf32, #tpu.memory_space<hbm>> -> memref<1x4096xf32, #tpu.memory_space<hbm>>
    %dma_start3A_47 = tpu.memref_squeeze %dma_start3A_46 : memref<1x4096xf32, #tpu.memory_space<hbm>> -> memref<4096xf32, #tpu.memory_space<hbm>>
    %dma_start3A_48 = arith.constant 0 : i32
    %dma_start3A_49 = tpu.memref_slice %arg5[%add3A_44, %dma_start3A_48] : memref<845x4096xf32, #tpu.memory_space<hbm>> -> memref<1x4096xf32, #tpu.memory_space<hbm>>
    %dma_start3A_50 = tpu.memref_squeeze %dma_start3A_49 : memref<1x4096xf32, #tpu.memory_space<hbm>> -> memref<4096xf32, #tpu.memory_space<hbm>>
    tpu.enqueue_dma source(%arg9 : memref<4096xf32, #tpu.memory_space<vmem>>) target(%dma_start3A_50 : memref<4096xf32, #tpu.memory_space<hbm>>) target_semaphore(%arg13 : memref<!tpu.dma_semaphore, #tpu.memory_space<semaphore_mem>>)
    "tpu.region"() ({
      %run_scoped3A = tpu.sem_alloc : memref<!tpu.dma_semaphore, #tpu.memory_space<semaphore_mem>>
      %dma_start3A_677 = arith.constant 12288 : i32
      %dma_start3A_678 = tpu.memref_slice %arg2[%dma_start3A_677] : memref<106496xi32, #tpu.memory_space<hbm>> -> memref<4096xi32, #tpu.memory_space<hbm>>
      %dma_start3A_679 = arith.constant 12288 : i32
      %dma_start3A_680 = tpu.memref_slice %arg2[%dma_start3A_679] : memref<106496xi32, #tpu.memory_space<hbm>> -> memref<4096xi32, #tpu.memory_space<hbm>>
      tpu.enqueue_dma source(%dma_start3A_680 : memref<4096xi32, #tpu.memory_space<hbm>>) target(%arg7 : memref<4096xi32, #tpu.memory_space<vmem>>) target_semaphore(%run_scoped3A : memref<!tpu.dma_semaphore, #tpu.memory_space<semaphore_mem>>)
      %dma_wait3A_681 = arith.constant 12288 : i32
      %dma_wait3A_682 = tpu.memref_slice %arg2[%dma_wait3A_681] : memref<106496xi32, #tpu.memory_space<hbm>> -> memref<4096xi32, #tpu.memory_space<hbm>>
      %dma_wait3A_683 = arith.constant 12288 : i32
      %dma_wait3A_684 = tpu.memref_slice %arg2[%dma_wait3A_683] : memref<106496xi32, #tpu.memory_space<hbm>> -> memref<4096xi32, #tpu.memory_space<hbm>>
      tpu.wait_dma2 semaphore(%run_scoped3A : memref<!tpu.dma_semaphore, #tpu.memory_space<semaphore_mem>>) src(%dma_wait3A_684 : memref<4096xi32, #tpu.memory_space<hbm>>) dst(%arg7 : memref<4096xi32, #tpu.memory_space<vmem>>)
      tpu.yield
    }) : () -> ()
    %dma_wait3A_51 = arith.constant 0 : i32
    %dma_wait3A_52 = tpu.memref_slice %arg5[%add3A_44, %dma_wait3A_51] : memref<845x4096xf32, #tpu.memory_space<hbm>> -> memref<1x4096xf32, #tpu.memory_space<hbm>>
    %dma_wait3A_53 = tpu.memref_squeeze %dma_wait3A_52 : memref<1x4096xf32, #tpu.memory_space<hbm>> -> memref<4096xf32, #tpu.memory_space<hbm>>
    %dma_wait3A_54 = arith.constant 0 : i32
    %dma_wait3A_55 = tpu.memref_slice %arg5[%add3A_44, %dma_wait3A_54] : memref<845x4096xf32, #tpu.memory_space<hbm>> -> memref<1x4096xf32, #tpu.memory_space<hbm>>
    %dma_wait3A_56 = tpu.memref_squeeze %dma_wait3A_55 : memref<1x4096xf32, #tpu.memory_space<hbm>> -> memref<4096xf32, #tpu.memory_space<hbm>>
    tpu.wait_dma2 semaphore(%arg13 : memref<!tpu.dma_semaphore, #tpu.memory_space<semaphore_mem>>) src(%arg9 : memref<4096xf32, #tpu.memory_space<vmem>>) dst(%dma_wait3A_56 : memref<4096xf32, #tpu.memory_space<hbm>>)
    %dma_start3A_57 = arith.constant 3 : i32
    %dma_start3A_58 = arith.constant 0 : i32
    %dma_start3A_59 = tpu.memref_slice %arg4[%dma_start3A_57, %add3A, %dma_start3A_58] : memref<26x32x100096xf32, #tpu.memory_space<hbm>> -> memref<1x1x100096xf32, #tpu.memory_space<hbm>>
    %dma_start3A_60 = tpu.memref_squeeze %dma_start3A_59 : memref<1x1x100096xf32, #tpu.memory_space<hbm>> -> memref<100096xf32, #tpu.memory_space<hbm>>
    %dma_start3A_61 = arith.constant 0 : i32
    %dma_start3A_62 = tpu.memref_slice %dma_start3A_60[%dma_start3A_61] : memref<100096xf32, #tpu.memory_space<hbm>> -> memref<100096xf32, #tpu.memory_space<hbm>>
    tpu.enqueue_indirect_dma source(%dma_start3A_62 : memref<100096xf32, #tpu.memory_space<hbm>>) target(%arg9 : memref<4096xf32, #tpu.memory_space<vmem>>) offsets(%arg7 : memref<4096xi32, #tpu.memory_space<vmem>>) semaphore(%arg12 : memref<!tpu.dma_semaphore, #tpu.memory_space<semaphore_mem>>)
    %dma_wait3A_63 = arith.constant 2 : i32
    %dma_wait3A_64 = arith.constant 0 : i32
    %dma_wait3A_65 = tpu.memref_slice %arg4[%dma_wait3A_63, %add3A, %dma_wait3A_64] : memref<26x32x100096xf32, #tpu.memory_space<hbm>> -> memref<1x1x100096xf32, #tpu.memory_space<hbm>>
    %dma_wait3A_66 = tpu.memref_squeeze %dma_wait3A_65 : memref<1x1x100096xf32, #tpu.memory_space<hbm>> -> memref<100096xf32, #tpu.memory_space<hbm>>
    %dma_wait3A_67 = arith.constant 0 : i32
    %dma_wait3A_68 = tpu.memref_slice %dma_wait3A_66[%dma_wait3A_67] : memref<100096xf32, #tpu.memory_space<hbm>> -> memref<100096xf32, #tpu.memory_space<hbm>>
    tpu.wait_indirect_dma semaphore(%arg11 : memref<!tpu.dma_semaphore, #tpu.memory_space<semaphore_mem>>) src(%dma_wait3A_68 : memref<100096xf32, #tpu.memory_space<hbm>>) dst(%arg8 : memref<4096xf32, #tpu.memory_space<vmem>>)
    %add3A_69 = arith.constant 64 : i32
    %add3A_70 = arith.addi %add3A_69, %add3A : i32
    %dma_start3A_71 = arith.constant 0 : i32
    %dma_start3A_72 = tpu.memref_slice %arg5[%add3A_70, %dma_start3A_71] : memref<845x4096xf32, #tpu.memory_space<hbm>> -> memref<1x4096xf32, #tpu.memory_space<hbm>>
    %dma_start3A_73 = tpu.memref_squeeze %dma_start3A_72 : memref<1x4096xf32, #tpu.memory_space<hbm>> -> memref<4096xf32, #tpu.memory_space<hbm>>
    %dma_start3A_74 = arith.constant 0 : i32
    %dma_start3A_75 = tpu.memref_slice %arg5[%add3A_70, %dma_start3A_74] : memref<845x4096xf32, #tpu.memory_space<hbm>> -> memref<1x4096xf32, #tpu.memory_space<hbm>>
    %dma_start3A_76 = tpu.memref_squeeze %dma_start3A_75 : memref<1x4096xf32, #tpu.memory_space<hbm>> -> memref<4096xf32, #tpu.memory_space<hbm>>
    tpu.enqueue_dma source(%arg8 : memref<4096xf32, #tpu.memory_space<vmem>>) target(%dma_start3A_76 : memref<4096xf32, #tpu.memory_space<hbm>>) target_semaphore(%arg13 : memref<!tpu.dma_semaphore, #tpu.memory_space<semaphore_mem>>)
    "tpu.region"() ({
      %run_scoped3A = tpu.sem_alloc : memref<!tpu.dma_semaphore, #tpu.memory_space<semaphore_mem>>
      %dma_start3A_677 = arith.constant 16384 : i32
      %dma_start3A_678 = tpu.memref_slice %arg2[%dma_start3A_677] : memref<106496xi32, #tpu.memory_space<hbm>> -> memref<4096xi32, #tpu.memory_space<hbm>>
      %dma_start3A_679 = arith.constant 16384 : i32
      %dma_start3A_680 = tpu.memref_slice %arg2[%dma_start3A_679] : memref<106496xi32, #tpu.memory_space<hbm>> -> memref<4096xi32, #tpu.memory_space<hbm>>
      tpu.enqueue_dma source(%dma_start3A_680 : memref<4096xi32, #tpu.memory_space<hbm>>) target(%arg6 : memref<4096xi32, #tpu.memory_space<vmem>>) target_semaphore(%run_scoped3A : memref<!tpu.dma_semaphore, #tpu.memory_space<semaphore_mem>>)
      %dma_wait3A_681 = arith.constant 16384 : i32
      %dma_wait3A_682 = tpu.memref_slice %arg2[%dma_wait3A_681] : memref<106496xi32, #tpu.memory_space<hbm>> -> memref<4096xi32, #tpu.memory_space<hbm>>
      %dma_wait3A_683 = arith.constant 16384 : i32
      %dma_wait3A_684 = tpu.memref_slice %arg2[%dma_wait3A_683] : memref<106496xi32, #tpu.memory_space<hbm>> -> memref<4096xi32, #tpu.memory_space<hbm>>
      tpu.wait_dma2 semaphore(%run_scoped3A : memref<!tpu.dma_semaphore, #tpu.memory_space<semaphore_mem>>) src(%dma_wait3A_684 : memref<4096xi32, #tpu.memory_space<hbm>>) dst(%arg6 : memref<4096xi32, #tpu.memory_space<vmem>>)
      tpu.yield
    }) : () -> ()
    %dma_wait3A_77 = arith.constant 0 : i32
    %dma_wait3A_78 = tpu.memref_slice %arg5[%add3A_70, %dma_wait3A_77] : memref<845x4096xf32, #tpu.memory_space<hbm>> -> memref<1x4096xf32, #tpu.memory_space<hbm>>
    %dma_wait3A_79 = tpu.memref_squeeze %dma_wait3A_78 : memref<1x4096xf32, #tpu.memory_space<hbm>> -> memref<4096xf32, #tpu.memory_space<hbm>>
    %dma_wait3A_80 = arith.constant 0 : i32
    %dma_wait3A_81 = tpu.memref_slice %arg5[%add3A_70, %dma_wait3A_80] : memref<845x4096xf32, #tpu.memory_space<hbm>> -> memref<1x4096xf32, #tpu.memory_space<hbm>>
    %dma_wait3A_82 = tpu.memref_squeeze %dma_wait3A_81 : memref<1x4096xf32, #tpu.memory_space<hbm>> -> memref<4096xf32, #tpu.memory_space<hbm>>
    tpu.wait_dma2 semaphore(%arg13 : memref<!tpu.dma_semaphore, #tpu.memory_space<semaphore_mem>>) src(%arg8 : memref<4096xf32, #tpu.memory_space<vmem>>) dst(%dma_wait3A_82 : memref<4096xf32, #tpu.memory_space<hbm>>)
    %dma_start3A_83 = arith.constant 4 : i32
    %dma_start3A_84 = arith.constant 0 : i32
    %dma_start3A_85 = tpu.memref_slice %arg4[%dma_start3A_83, %add3A, %dma_start3A_84] : memref<26x32x100096xf32, #tpu.memory_space<hbm>> -> memref<1x1x100096xf32, #tpu.memory_space<hbm>>
    %dma_start3A_86 = tpu.memref_squeeze %dma_start3A_85 : memref<1x1x100096xf32, #tpu.memory_space<hbm>> -> memref<100096xf32, #tpu.memory_space<hbm>>
    %dma_start3A_87 = arith.constant 0 : i32
    %dma_start3A_88 = tpu.memref_slice %dma_start3A_86[%dma_start3A_87] : memref<100096xf32, #tpu.memory_space<hbm>> -> memref<100096xf32, #tpu.memory_space<hbm>>
    tpu.enqueue_indirect_dma source(%dma_start3A_88 : memref<100096xf32, #tpu.memory_space<hbm>>) target(%arg8 : memref<4096xf32, #tpu.memory_space<vmem>>) offsets(%arg6 : memref<4096xi32, #tpu.memory_space<vmem>>) semaphore(%arg11 : memref<!tpu.dma_semaphore, #tpu.memory_space<semaphore_mem>>)
    %dma_wait3A_89 = arith.constant 3 : i32
    %dma_wait3A_90 = arith.constant 0 : i32
    %dma_wait3A_91 = tpu.memref_slice %arg4[%dma_wait3A_89, %add3A, %dma_wait3A_90] : memref<26x32x100096xf32, #tpu.memory_space<hbm>> -> memref<1x1x100096xf32, #tpu.memory_space<hbm>>
    %dma_wait3A_92 = tpu.memref_squeeze %dma_wait3A_91 : memref<1x1x100096xf32, #tpu.memory_space<hbm>> -> memref<100096xf32, #tpu.memory_space<hbm>>
    %dma_wait3A_93 = arith.constant 0 : i32
    %dma_wait3A_94 = tpu.memref_slice %dma_wait3A_92[%dma_wait3A_93] : memref<100096xf32, #tpu.memory_space<hbm>> -> memref<100096xf32, #tpu.memory_space<hbm>>
    tpu.wait_indirect_dma semaphore(%arg12 : memref<!tpu.dma_semaphore, #tpu.memory_space<semaphore_mem>>) src(%dma_wait3A_94 : memref<100096xf32, #tpu.memory_space<hbm>>) dst(%arg9 : memref<4096xf32, #tpu.memory_space<vmem>>)
    %add3A_95 = arith.constant 96 : i32
    %add3A_96 = arith.addi %add3A_95, %add3A : i32
    %dma_start3A_97 = arith.constant 0 : i32
    %dma_start3A_98 = tpu.memref_slice %arg5[%add3A_96, %dma_start3A_97] : memref<845x4096xf32, #tpu.memory_space<hbm>> -> memref<1x4096xf32, #tpu.memory_space<hbm>>
    %dma_start3A_99 = tpu.memref_squeeze %dma_start3A_98 : memref<1x4096xf32, #tpu.memory_space<hbm>> -> memref<4096xf32, #tpu.memory_space<hbm>>
    %dma_start3A_100 = arith.constant 0 : i32
    %dma_start3A_101 = tpu.memref_slice %arg5[%add3A_96, %dma_start3A_100] : memref<845x4096xf32, #tpu.memory_space<hbm>> -> memref<1x4096xf32, #tpu.memory_space<hbm>>
    %dma_start3A_102 = tpu.memref_squeeze %dma_start3A_101 : memref<1x4096xf32, #tpu.memory_space<hbm>> -> memref<4096xf32, #tpu.memory_space<hbm>>
    tpu.enqueue_dma source(%arg9 : memref<4096xf32, #tpu.memory_space<vmem>>) target(%dma_start3A_102 : memref<4096xf32, #tpu.memory_space<hbm>>) target_semaphore(%arg13 : memref<!tpu.dma_semaphore, #tpu.memory_space<semaphore_mem>>)
    "tpu.region"() ({
      %run_scoped3A = tpu.sem_alloc : memref<!tpu.dma_semaphore, #tpu.memory_space<semaphore_mem>>
      %dma_start3A_677 = arith.constant 20480 : i32
      %dma_start3A_678 = tpu.memref_slice %arg2[%dma_start3A_677] : memref<106496xi32, #tpu.memory_space<hbm>> -> memref<4096xi32, #tpu.memory_space<hbm>>
      %dma_start3A_679 = arith.constant 20480 : i32
      %dma_start3A_680 = tpu.memref_slice %arg2[%dma_start3A_679] : memref<106496xi32, #tpu.memory_space<hbm>> -> memref<4096xi32, #tpu.memory_space<hbm>>
      tpu.enqueue_dma source(%dma_start3A_680 : memref<4096xi32, #tpu.memory_space<hbm>>) target(%arg7 : memref<4096xi32, #tpu.memory_space<vmem>>) target_semaphore(%run_scoped3A : memref<!tpu.dma_semaphore, #tpu.memory_space<semaphore_mem>>)
      %dma_wait3A_681 = arith.constant 20480 : i32
      %dma_wait3A_682 = tpu.memref_slice %arg2[%dma_wait3A_681] : memref<106496xi32, #tpu.memory_space<hbm>> -> memref<4096xi32, #tpu.memory_space<hbm>>
      %dma_wait3A_683 = arith.constant 20480 : i32
      %dma_wait3A_684 = tpu.memref_slice %arg2[%dma_wait3A_683] : memref<106496xi32, #tpu.memory_space<hbm>> -> memref<4096xi32, #tpu.memory_space<hbm>>
      tpu.wait_dma2 semaphore(%run_scoped3A : memref<!tpu.dma_semaphore, #tpu.memory_space<semaphore_mem>>) src(%dma_wait3A_684 : memref<4096xi32, #tpu.memory_space<hbm>>) dst(%arg7 : memref<4096xi32, #tpu.memory_space<vmem>>)
      tpu.yield
    }) : () -> ()
    %dma_wait3A_103 = arith.constant 0 : i32
    %dma_wait3A_104 = tpu.memref_slice %arg5[%add3A_96, %dma_wait3A_103] : memref<845x4096xf32, #tpu.memory_space<hbm>> -> memref<1x4096xf32, #tpu.memory_space<hbm>>
    %dma_wait3A_105 = tpu.memref_squeeze %dma_wait3A_104 : memref<1x4096xf32, #tpu.memory_space<hbm>> -> memref<4096xf32, #tpu.memory_space<hbm>>
    %dma_wait3A_106 = arith.constant 0 : i32
    %dma_wait3A_107 = tpu.memref_slice %arg5[%add3A_96, %dma_wait3A_106] : memref<845x4096xf32, #tpu.memory_space<hbm>> -> memref<1x4096xf32, #tpu.memory_space<hbm>>
    %dma_wait3A_108 = tpu.memref_squeeze %dma_wait3A_107 : memref<1x4096xf32, #tpu.memory_space<hbm>> -> memref<4096xf32, #tpu.memory_space<hbm>>
    tpu.wait_dma2 semaphore(%arg13 : memref<!tpu.dma_semaphore, #tpu.memory_space<semaphore_mem>>) src(%arg9 : memref<4096xf32, #tpu.memory_space<vmem>>) dst(%dma_wait3A_108 : memref<4096xf32, #tpu.memory_space<hbm>>)
    %dma_start3A_109 = arith.constant 5 : i32
    %dma_start3A_110 = arith.constant 0 : i32
    %dma_start3A_111 = tpu.memref_slice %arg4[%dma_start3A_109, %add3A, %dma_start3A_110] : memref<26x32x100096xf32, #tpu.memory_space<hbm>> -> memref<1x1x100096xf32, #tpu.memory_space<hbm>>
    %dma_start3A_112 = tpu.memref_squeeze %dma_start3A_111 : memref<1x1x100096xf32, #tpu.memory_space<hbm>> -> memref<100096xf32, #tpu.memory_space<hbm>>
    %dma_start3A_113 = arith.constant 0 : i32
    %dma_start3A_114 = tpu.memref_slice %dma_start3A_112[%dma_start3A_113] : memref<100096xf32, #tpu.memory_space<hbm>> -> memref<100096xf32, #tpu.memory_space<hbm>>
    tpu.enqueue_indirect_dma source(%dma_start3A_114 : memref<100096xf32, #tpu.memory_space<hbm>>) target(%arg9 : memref<4096xf32, #tpu.memory_space<vmem>>) offsets(%arg7 : memref<4096xi32, #tpu.memory_space<vmem>>) semaphore(%arg12 : memref<!tpu.dma_semaphore, #tpu.memory_space<semaphore_mem>>)
    %dma_wait3A_115 = arith.constant 4 : i32
    %dma_wait3A_116 = arith.constant 0 : i32
    %dma_wait3A_117 = tpu.memref_slice %arg4[%dma_wait3A_115, %add3A, %dma_wait3A_116] : memref<26x32x100096xf32, #tpu.memory_space<hbm>> -> memref<1x1x100096xf32, #tpu.memory_space<hbm>>
    %dma_wait3A_118 = tpu.memref_squeeze %dma_wait3A_117 : memref<1x1x100096xf32, #tpu.memory_space<hbm>> -> memref<100096xf32, #tpu.memory_space<hbm>>
    %dma_wait3A_119 = arith.constant 0 : i32
    %dma_wait3A_120 = tpu.memref_slice %dma_wait3A_118[%dma_wait3A_119] : memref<100096xf32, #tpu.memory_space<hbm>> -> memref<100096xf32, #tpu.memory_space<hbm>>
    tpu.wait_indirect_dma semaphore(%arg11 : memref<!tpu.dma_semaphore, #tpu.memory_space<semaphore_mem>>) src(%dma_wait3A_120 : memref<100096xf32, #tpu.memory_space<hbm>>) dst(%arg8 : memref<4096xf32, #tpu.memory_space<vmem>>)
    %add3A_121 = arith.constant 128 : i32
    %add3A_122 = arith.addi %add3A_121, %add3A : i32
    %dma_start3A_123 = arith.constant 0 : i32
    %dma_start3A_124 = tpu.memref_slice %arg5[%add3A_122, %dma_start3A_123] : memref<845x4096xf32, #tpu.memory_space<hbm>> -> memref<1x4096xf32, #tpu.memory_space<hbm>>
    %dma_start3A_125 = tpu.memref_squeeze %dma_start3A_124 : memref<1x4096xf32, #tpu.memory_space<hbm>> -> memref<4096xf32, #tpu.memory_space<hbm>>
    %dma_start3A_126 = arith.constant 0 : i32
    %dma_start3A_127 = tpu.memref_slice %arg5[%add3A_122, %dma_start3A_126] : memref<845x4096xf32, #tpu.memory_space<hbm>> -> memref<1x4096xf32, #tpu.memory_space<hbm>>
    %dma_start3A_128 = tpu.memref_squeeze %dma_start3A_127 : memref<1x4096xf32, #tpu.memory_space<hbm>> -> memref<4096xf32, #tpu.memory_space<hbm>>
    tpu.enqueue_dma source(%arg8 : memref<4096xf32, #tpu.memory_space<vmem>>) target(%dma_start3A_128 : memref<4096xf32, #tpu.memory_space<hbm>>) target_semaphore(%arg13 : memref<!tpu.dma_semaphore, #tpu.memory_space<semaphore_mem>>)
    "tpu.region"() ({
      %run_scoped3A = tpu.sem_alloc : memref<!tpu.dma_semaphore, #tpu.memory_space<semaphore_mem>>
      %dma_start3A_677 = arith.constant 24576 : i32
      %dma_start3A_678 = tpu.memref_slice %arg2[%dma_start3A_677] : memref<106496xi32, #tpu.memory_space<hbm>> -> memref<4096xi32, #tpu.memory_space<hbm>>
      %dma_start3A_679 = arith.constant 24576 : i32
      %dma_start3A_680 = tpu.memref_slice %arg2[%dma_start3A_679] : memref<106496xi32, #tpu.memory_space<hbm>> -> memref<4096xi32, #tpu.memory_space<hbm>>
      tpu.enqueue_dma source(%dma_start3A_680 : memref<4096xi32, #tpu.memory_space<hbm>>) target(%arg6 : memref<4096xi32, #tpu.memory_space<vmem>>) target_semaphore(%run_scoped3A : memref<!tpu.dma_semaphore, #tpu.memory_space<semaphore_mem>>)
      %dma_wait3A_681 = arith.constant 24576 : i32
      %dma_wait3A_682 = tpu.memref_slice %arg2[%dma_wait3A_681] : memref<106496xi32, #tpu.memory_space<hbm>> -> memref<4096xi32, #tpu.memory_space<hbm>>
      %dma_wait3A_683 = arith.constant 24576 : i32
      %dma_wait3A_684 = tpu.memref_slice %arg2[%dma_wait3A_683] : memref<106496xi32, #tpu.memory_space<hbm>> -> memref<4096xi32, #tpu.memory_space<hbm>>
      tpu.wait_dma2 semaphore(%run_scoped3A : memref<!tpu.dma_semaphore, #tpu.memory_space<semaphore_mem>>) src(%dma_wait3A_684 : memref<4096xi32, #tpu.memory_space<hbm>>) dst(%arg6 : memref<4096xi32, #tpu.memory_space<vmem>>)
      tpu.yield
    }) : () -> ()
    %dma_wait3A_129 = arith.constant 0 : i32
    %dma_wait3A_130 = tpu.memref_slice %arg5[%add3A_122, %dma_wait3A_129] : memref<845x4096xf32, #tpu.memory_space<hbm>> -> memref<1x4096xf32, #tpu.memory_space<hbm>>
    %dma_wait3A_131 = tpu.memref_squeeze %dma_wait3A_130 : memref<1x4096xf32, #tpu.memory_space<hbm>> -> memref<4096xf32, #tpu.memory_space<hbm>>
    %dma_wait3A_132 = arith.constant 0 : i32
    %dma_wait3A_133 = tpu.memref_slice %arg5[%add3A_122, %dma_wait3A_132] : memref<845x4096xf32, #tpu.memory_space<hbm>> -> memref<1x4096xf32, #tpu.memory_space<hbm>>
    %dma_wait3A_134 = tpu.memref_squeeze %dma_wait3A_133 : memref<1x4096xf32, #tpu.memory_space<hbm>> -> memref<4096xf32, #tpu.memory_space<hbm>>
    tpu.wait_dma2 semaphore(%arg13 : memref<!tpu.dma_semaphore, #tpu.memory_space<semaphore_mem>>) src(%arg8 : memref<4096xf32, #tpu.memory_space<vmem>>) dst(%dma_wait3A_134 : memref<4096xf32, #tpu.memory_space<hbm>>)
    %dma_start3A_135 = arith.constant 6 : i32
    %dma_start3A_136 = arith.constant 0 : i32
    %dma_start3A_137 = tpu.memref_slice %arg4[%dma_start3A_135, %add3A, %dma_start3A_136] : memref<26x32x100096xf32, #tpu.memory_space<hbm>> -> memref<1x1x100096xf32, #tpu.memory_space<hbm>>
    %dma_start3A_138 = tpu.memref_squeeze %dma_start3A_137 : memref<1x1x100096xf32, #tpu.memory_space<hbm>> -> memref<100096xf32, #tpu.memory_space<hbm>>
    %dma_start3A_139 = arith.constant 0 : i32
    %dma_start3A_140 = tpu.memref_slice %dma_start3A_138[%dma_start3A_139] : memref<100096xf32, #tpu.memory_space<hbm>> -> memref<100096xf32, #tpu.memory_space<hbm>>
    tpu.enqueue_indirect_dma source(%dma_start3A_140 : memref<100096xf32, #tpu.memory_space<hbm>>) target(%arg8 : memref<4096xf32, #tpu.memory_space<vmem>>) offsets(%arg6 : memref<4096xi32, #tpu.memory_space<vmem>>) semaphore(%arg11 : memref<!tpu.dma_semaphore, #tpu.memory_space<semaphore_mem>>)
    %dma_wait3A_141 = arith.constant 5 : i32
    %dma_wait3A_142 = arith.constant 0 : i32
    %dma_wait3A_143 = tpu.memref_slice %arg4[%dma_wait3A_141, %add3A, %dma_wait3A_142] : memref<26x32x100096xf32, #tpu.memory_space<hbm>> -> memref<1x1x100096xf32, #tpu.memory_space<hbm>>
    %dma_wait3A_144 = tpu.memref_squeeze %dma_wait3A_143 : memref<1x1x100096xf32, #tpu.memory_space<hbm>> -> memref<100096xf32, #tpu.memory_space<hbm>>
    %dma_wait3A_145 = arith.constant 0 : i32
    %dma_wait3A_146 = tpu.memref_slice %dma_wait3A_144[%dma_wait3A_145] : memref<100096xf32, #tpu.memory_space<hbm>> -> memref<100096xf32, #tpu.memory_space<hbm>>
    tpu.wait_indirect_dma semaphore(%arg12 : memref<!tpu.dma_semaphore, #tpu.memory_space<semaphore_mem>>) src(%dma_wait3A_146 : memref<100096xf32, #tpu.memory_space<hbm>>) dst(%arg9 : memref<4096xf32, #tpu.memory_space<vmem>>)
    %add3A_147 = arith.constant 160 : i32
    %add3A_148 = arith.addi %add3A_147, %add3A : i32
    %dma_start3A_149 = arith.constant 0 : i32
    %dma_start3A_150 = tpu.memref_slice %arg5[%add3A_148, %dma_start3A_149] : memref<845x4096xf32, #tpu.memory_space<hbm>> -> memref<1x4096xf32, #tpu.memory_space<hbm>>
    %dma_start3A_151 = tpu.memref_squeeze %dma_start3A_150 : memref<1x4096xf32, #tpu.memory_space<hbm>> -> memref<4096xf32, #tpu.memory_space<hbm>>
    %dma_start3A_152 = arith.constant 0 : i32
    %dma_start3A_153 = tpu.memref_slice %arg5[%add3A_148, %dma_start3A_152] : memref<845x4096xf32, #tpu.memory_space<hbm>> -> memref<1x4096xf32, #tpu.memory_space<hbm>>
    %dma_start3A_154 = tpu.memref_squeeze %dma_start3A_153 : memref<1x4096xf32, #tpu.memory_space<hbm>> -> memref<4096xf32, #tpu.memory_space<hbm>>
    tpu.enqueue_dma source(%arg9 : memref<4096xf32, #tpu.memory_space<vmem>>) target(%dma_start3A_154 : memref<4096xf32, #tpu.memory_space<hbm>>) target_semaphore(%arg13 : memref<!tpu.dma_semaphore, #tpu.memory_space<semaphore_mem>>)
    "tpu.region"() ({
      %run_scoped3A = tpu.sem_alloc : memref<!tpu.dma_semaphore, #tpu.memory_space<semaphore_mem>>
      %dma_start3A_677 = arith.constant 28672 : i32
      %dma_start3A_678 = tpu.memref_slice %arg2[%dma_start3A_677] : memref<106496xi32, #tpu.memory_space<hbm>> -> memref<4096xi32, #tpu.memory_space<hbm>>
      %dma_start3A_679 = arith.constant 28672 : i32
      %dma_start3A_680 = tpu.memref_slice %arg2[%dma_start3A_679] : memref<106496xi32, #tpu.memory_space<hbm>> -> memref<4096xi32, #tpu.memory_space<hbm>>
      tpu.enqueue_dma source(%dma_start3A_680 : memref<4096xi32, #tpu.memory_space<hbm>>) target(%arg7 : memref<4096xi32, #tpu.memory_space<vmem>>) target_semaphore(%run_scoped3A : memref<!tpu.dma_semaphore, #tpu.memory_space<semaphore_mem>>)
      %dma_wait3A_681 = arith.constant 28672 : i32
      %dma_wait3A_682 = tpu.memref_slice %arg2[%dma_wait3A_681] : memref<106496xi32, #tpu.memory_space<hbm>> -> memref<4096xi32, #tpu.memory_space<hbm>>
      %dma_wait3A_683 = arith.constant 28672 : i32
      %dma_wait3A_684 = tpu.memref_slice %arg2[%dma_wait3A_683] : memref<106496xi32, #tpu.memory_space<hbm>> -> memref<4096xi32, #tpu.memory_space<hbm>>
      tpu.wait_dma2 semaphore(%run_scoped3A : memref<!tpu.dma_semaphore, #tpu.memory_space<semaphore_mem>>) src(%dma_wait3A_684 : memref<4096xi32, #tpu.memory_space<hbm>>) dst(%arg7 : memref<4096xi32, #tpu.memory_space<vmem>>)
      tpu.yield
    }) : () -> ()
    %dma_wait3A_155 = arith.constant 0 : i32
    %dma_wait3A_156 = tpu.memref_slice %arg5[%add3A_148, %dma_wait3A_155] : memref<845x4096xf32, #tpu.memory_space<hbm>> -> memref<1x4096xf32, #tpu.memory_space<hbm>>
    %dma_wait3A_157 = tpu.memref_squeeze %dma_wait3A_156 : memref<1x4096xf32, #tpu.memory_space<hbm>> -> memref<4096xf32, #tpu.memory_space<hbm>>
    %dma_wait3A_158 = arith.constant 0 : i32
    %dma_wait3A_159 = tpu.memref_slice %arg5[%add3A_148, %dma_wait3A_158] : memref<845x4096xf32, #tpu.memory_space<hbm>> -> memref<1x4096xf32, #tpu.memory_space<hbm>>
    %dma_wait3A_160 = tpu.memref_squeeze %dma_wait3A_159 : memref<1x4096xf32, #tpu.memory_space<hbm>> -> memref<4096xf32, #tpu.memory_space<hbm>>
    tpu.wait_dma2 semaphore(%arg13 : memref<!tpu.dma_semaphore, #tpu.memory_space<semaphore_mem>>) src(%arg9 : memref<4096xf32, #tpu.memory_space<vmem>>) dst(%dma_wait3A_160 : memref<4096xf32, #tpu.memory_space<hbm>>)
    %dma_start3A_161 = arith.constant 7 : i32
    %dma_start3A_162 = arith.constant 0 : i32
    %dma_start3A_163 = tpu.memref_slice %arg4[%dma_start3A_161, %add3A, %dma_start3A_162] : memref<26x32x100096xf32, #tpu.memory_space<hbm>> -> memref<1x1x100096xf32, #tpu.memory_space<hbm>>
    %dma_start3A_164 = tpu.memref_squeeze %dma_start3A_163 : memref<1x1x100096xf32, #tpu.memory_space<hbm>> -> memref<100096xf32, #tpu.memory_space<hbm>>
    %dma_start3A_165 = arith.constant 0 : i32
    %dma_start3A_166 = tpu.memref_slice %dma_start3A_164[%dma_start3A_165] : memref<100096xf32, #tpu.memory_space<hbm>> -> memref<100096xf32, #tpu.memory_space<hbm>>
    tpu.enqueue_indirect_dma source(%dma_start3A_166 : memref<100096xf32, #tpu.memory_space<hbm>>) target(%arg9 : memref<4096xf32, #tpu.memory_space<vmem>>) offsets(%arg7 : memref<4096xi32, #tpu.memory_space<vmem>>) semaphore(%arg12 : memref<!tpu.dma_semaphore, #tpu.memory_space<semaphore_mem>>)
    %dma_wait3A_167 = arith.constant 6 : i32
    %dma_wait3A_168 = arith.constant 0 : i32
    %dma_wait3A_169 = tpu.memref_slice %arg4[%dma_wait3A_167, %add3A, %dma_wait3A_168] : memref<26x32x100096xf32, #tpu.memory_space<hbm>> -> memref<1x1x100096xf32, #tpu.memory_space<hbm>>
    %dma_wait3A_170 = tpu.memref_squeeze %dma_wait3A_169 : memref<1x1x100096xf32, #tpu.memory_space<hbm>> -> memref<100096xf32, #tpu.memory_space<hbm>>
    %dma_wait3A_171 = arith.constant 0 : i32
    %dma_wait3A_172 = tpu.memref_slice %dma_wait3A_170[%dma_wait3A_171] : memref<100096xf32, #tpu.memory_space<hbm>> -> memref<100096xf32, #tpu.memory_space<hbm>>
    tpu.wait_indirect_dma semaphore(%arg11 : memref<!tpu.dma_semaphore, #tpu.memory_space<semaphore_mem>>) src(%dma_wait3A_172 : memref<100096xf32, #tpu.memory_space<hbm>>) dst(%arg8 : memref<4096xf32, #tpu.memory_space<vmem>>)
    %add3A_173 = arith.constant 192 : i32
    %add3A_174 = arith.addi %add3A_173, %add3A : i32
    %dma_start3A_175 = arith.constant 0 : i32
    %dma_start3A_176 = tpu.memref_slice %arg5[%add3A_174, %dma_start3A_175] : memref<845x4096xf32, #tpu.memory_space<hbm>> -> memref<1x4096xf32, #tpu.memory_space<hbm>>
    %dma_start3A_177 = tpu.memref_squeeze %dma_start3A_176 : memref<1x4096xf32, #tpu.memory_space<hbm>> -> memref<4096xf32, #tpu.memory_space<hbm>>
    %dma_start3A_178 = arith.constant 0 : i32
    %dma_start3A_179 = tpu.memref_slice %arg5[%add3A_174, %dma_start3A_178] : memref<845x4096xf32, #tpu.memory_space<hbm>> -> memref<1x4096xf32, #tpu.memory_space<hbm>>
    %dma_start3A_180 = tpu.memref_squeeze %dma_start3A_179 : memref<1x4096xf32, #tpu.memory_space<hbm>> -> memref<4096xf32, #tpu.memory_space<hbm>>
    tpu.enqueue_dma source(%arg8 : memref<4096xf32, #tpu.memory_space<vmem>>) target(%dma_start3A_180 : memref<4096xf32, #tpu.memory_space<hbm>>) target_semaphore(%arg13 : memref<!tpu.dma_semaphore, #tpu.memory_space<semaphore_mem>>)
    "tpu.region"() ({
      %run_scoped3A = tpu.sem_alloc : memref<!tpu.dma_semaphore, #tpu.memory_space<semaphore_mem>>
      %dma_start3A_677 = arith.constant 32768 : i32
      %dma_start3A_678 = tpu.memref_slice %arg2[%dma_start3A_677] : memref<106496xi32, #tpu.memory_space<hbm>> -> memref<4096xi32, #tpu.memory_space<hbm>>
      %dma_start3A_679 = arith.constant 32768 : i32
      %dma_start3A_680 = tpu.memref_slice %arg2[%dma_start3A_679] : memref<106496xi32, #tpu.memory_space<hbm>> -> memref<4096xi32, #tpu.memory_space<hbm>>
      tpu.enqueue_dma source(%dma_start3A_680 : memref<4096xi32, #tpu.memory_space<hbm>>) target(%arg6 : memref<4096xi32, #tpu.memory_space<vmem>>) target_semaphore(%run_scoped3A : memref<!tpu.dma_semaphore, #tpu.memory_space<semaphore_mem>>)
      %dma_wait3A_681 = arith.constant 32768 : i32
      %dma_wait3A_682 = tpu.memref_slice %arg2[%dma_wait3A_681] : memref<106496xi32, #tpu.memory_space<hbm>> -> memref<4096xi32, #tpu.memory_space<hbm>>
      %dma_wait3A_683 = arith.constant 32768 : i32
      %dma_wait3A_684 = tpu.memref_slice %arg2[%dma_wait3A_683] : memref<106496xi32, #tpu.memory_space<hbm>> -> memref<4096xi32, #tpu.memory_space<hbm>>
      tpu.wait_dma2 semaphore(%run_scoped3A : memref<!tpu.dma_semaphore, #tpu.memory_space<semaphore_mem>>) src(%dma_wait3A_684 : memref<4096xi32, #tpu.memory_space<hbm>>) dst(%arg6 : memref<4096xi32, #tpu.memory_space<vmem>>)
      tpu.yield
    }) : () -> ()
    %dma_wait3A_181 = arith.constant 0 : i32
    %dma_wait3A_182 = tpu.memref_slice %arg5[%add3A_174, %dma_wait3A_181] : memref<845x4096xf32, #tpu.memory_space<hbm>> -> memref<1x4096xf32, #tpu.memory_space<hbm>>
    %dma_wait3A_183 = tpu.memref_squeeze %dma_wait3A_182 : memref<1x4096xf32, #tpu.memory_space<hbm>> -> memref<4096xf32, #tpu.memory_space<hbm>>
    %dma_wait3A_184 = arith.constant 0 : i32
    %dma_wait3A_185 = tpu.memref_slice %arg5[%add3A_174, %dma_wait3A_184] : memref<845x4096xf32, #tpu.memory_space<hbm>> -> memref<1x4096xf32, #tpu.memory_space<hbm>>
    %dma_wait3A_186 = tpu.memref_squeeze %dma_wait3A_185 : memref<1x4096xf32, #tpu.memory_space<hbm>> -> memref<4096xf32, #tpu.memory_space<hbm>>
    tpu.wait_dma2 semaphore(%arg13 : memref<!tpu.dma_semaphore, #tpu.memory_space<semaphore_mem>>) src(%arg8 : memref<4096xf32, #tpu.memory_space<vmem>>) dst(%dma_wait3A_186 : memref<4096xf32, #tpu.memory_space<hbm>>)
    %dma_start3A_187 = arith.constant 8 : i32
    %dma_start3A_188 = arith.constant 0 : i32
    %dma_start3A_189 = tpu.memref_slice %arg4[%dma_start3A_187, %add3A, %dma_start3A_188] : memref<26x32x100096xf32, #tpu.memory_space<hbm>> -> memref<1x1x100096xf32, #tpu.memory_space<hbm>>
    %dma_start3A_190 = tpu.memref_squeeze %dma_start3A_189 : memref<1x1x100096xf32, #tpu.memory_space<hbm>> -> memref<100096xf32, #tpu.memory_space<hbm>>
    %dma_start3A_191 = arith.constant 0 : i32
    %dma_start3A_192 = tpu.memref_slice %dma_start3A_190[%dma_start3A_191] : memref<100096xf32, #tpu.memory_space<hbm>> -> memref<100096xf32, #tpu.memory_space<hbm>>
    tpu.enqueue_indirect_dma source(%dma_start3A_192 : memref<100096xf32, #tpu.memory_space<hbm>>) target(%arg8 : memref<4096xf32, #tpu.memory_space<vmem>>) offsets(%arg6 : memref<4096xi32, #tpu.memory_space<vmem>>) semaphore(%arg11 : memref<!tpu.dma_semaphore, #tpu.memory_space<semaphore_mem>>)
    %dma_wait3A_193 = arith.constant 7 : i32
    %dma_wait3A_194 = arith.constant 0 : i32
    %dma_wait3A_195 = tpu.memref_slice %arg4[%dma_wait3A_193, %add3A, %dma_wait3A_194] : memref<26x32x100096xf32, #tpu.memory_space<hbm>> -> memref<1x1x100096xf32, #tpu.memory_space<hbm>>
    %dma_wait3A_196 = tpu.memref_squeeze %dma_wait3A_195 : memref<1x1x100096xf32, #tpu.memory_space<hbm>> -> memref<100096xf32, #tpu.memory_space<hbm>>
    %dma_wait3A_197 = arith.constant 0 : i32
    %dma_wait3A_198 = tpu.memref_slice %dma_wait3A_196[%dma_wait3A_197] : memref<100096xf32, #tpu.memory_space<hbm>> -> memref<100096xf32, #tpu.memory_space<hbm>>
    tpu.wait_indirect_dma semaphore(%arg12 : memref<!tpu.dma_semaphore, #tpu.memory_space<semaphore_mem>>) src(%dma_wait3A_198 : memref<100096xf32, #tpu.memory_space<hbm>>) dst(%arg9 : memref<4096xf32, #tpu.memory_space<vmem>>)
    %add3A_199 = arith.constant 224 : i32
    %add3A_200 = arith.addi %add3A_199, %add3A : i32
    %dma_start3A_201 = arith.constant 0 : i32
    %dma_start3A_202 = tpu.memref_slice %arg5[%add3A_200, %dma_start3A_201] : memref<845x4096xf32, #tpu.memory_space<hbm>> -> memref<1x4096xf32, #tpu.memory_space<hbm>>
    %dma_start3A_203 = tpu.memref_squeeze %dma_start3A_202 : memref<1x4096xf32, #tpu.memory_space<hbm>> -> memref<4096xf32, #tpu.memory_space<hbm>>
    %dma_start3A_204 = arith.constant 0 : i32
    %dma_start3A_205 = tpu.memref_slice %arg5[%add3A_200, %dma_start3A_204] : memref<845x4096xf32, #tpu.memory_space<hbm>> -> memref<1x4096xf32, #tpu.memory_space<hbm>>
    %dma_start3A_206 = tpu.memref_squeeze %dma_start3A_205 : memref<1x4096xf32, #tpu.memory_space<hbm>> -> memref<4096xf32, #tpu.memory_space<hbm>>
    tpu.enqueue_dma source(%arg9 : memref<4096xf32, #tpu.memory_space<vmem>>) target(%dma_start3A_206 : memref<4096xf32, #tpu.memory_space<hbm>>) target_semaphore(%arg13 : memref<!tpu.dma_semaphore, #tpu.memory_space<semaphore_mem>>)
    "tpu.region"() ({
      %run_scoped3A = tpu.sem_alloc : memref<!tpu.dma_semaphore, #tpu.memory_space<semaphore_mem>>
      %dma_start3A_677 = arith.constant 36864 : i32
      %dma_start3A_678 = tpu.memref_slice %arg2[%dma_start3A_677] : memref<106496xi32, #tpu.memory_space<hbm>> -> memref<4096xi32, #tpu.memory_space<hbm>>
      %dma_start3A_679 = arith.constant 36864 : i32
      %dma_start3A_680 = tpu.memref_slice %arg2[%dma_start3A_679] : memref<106496xi32, #tpu.memory_space<hbm>> -> memref<4096xi32, #tpu.memory_space<hbm>>
      tpu.enqueue_dma source(%dma_start3A_680 : memref<4096xi32, #tpu.memory_space<hbm>>) target(%arg7 : memref<4096xi32, #tpu.memory_space<vmem>>) target_semaphore(%run_scoped3A : memref<!tpu.dma_semaphore, #tpu.memory_space<semaphore_mem>>)
      %dma_wait3A_681 = arith.constant 36864 : i32
      %dma_wait3A_682 = tpu.memref_slice %arg2[%dma_wait3A_681] : memref<106496xi32, #tpu.memory_space<hbm>> -> memref<4096xi32, #tpu.memory_space<hbm>>
      %dma_wait3A_683 = arith.constant 36864 : i32
      %dma_wait3A_684 = tpu.memref_slice %arg2[%dma_wait3A_683] : memref<106496xi32, #tpu.memory_space<hbm>> -> memref<4096xi32, #tpu.memory_space<hbm>>
      tpu.wait_dma2 semaphore(%run_scoped3A : memref<!tpu.dma_semaphore, #tpu.memory_space<semaphore_mem>>) src(%dma_wait3A_684 : memref<4096xi32, #tpu.memory_space<hbm>>) dst(%arg7 : memref<4096xi32, #tpu.memory_space<vmem>>)
      tpu.yield
    }) : () -> ()
    %dma_wait3A_207 = arith.constant 0 : i32
    %dma_wait3A_208 = tpu.memref_slice %arg5[%add3A_200, %dma_wait3A_207] : memref<845x4096xf32, #tpu.memory_space<hbm>> -> memref<1x4096xf32, #tpu.memory_space<hbm>>
    %dma_wait3A_209 = tpu.memref_squeeze %dma_wait3A_208 : memref<1x4096xf32, #tpu.memory_space<hbm>> -> memref<4096xf32, #tpu.memory_space<hbm>>
    %dma_wait3A_210 = arith.constant 0 : i32
    %dma_wait3A_211 = tpu.memref_slice %arg5[%add3A_200, %dma_wait3A_210] : memref<845x4096xf32, #tpu.memory_space<hbm>> -> memref<1x4096xf32, #tpu.memory_space<hbm>>
    %dma_wait3A_212 = tpu.memref_squeeze %dma_wait3A_211 : memref<1x4096xf32, #tpu.memory_space<hbm>> -> memref<4096xf32, #tpu.memory_space<hbm>>
    tpu.wait_dma2 semaphore(%arg13 : memref<!tpu.dma_semaphore, #tpu.memory_space<semaphore_mem>>) src(%arg9 : memref<4096xf32, #tpu.memory_space<vmem>>) dst(%dma_wait3A_212 : memref<4096xf32, #tpu.memory_space<hbm>>)
    %dma_start3A_213 = arith.constant 9 : i32
    %dma_start3A_214 = arith.constant 0 : i32
    %dma_start3A_215 = tpu.memref_slice %arg4[%dma_start3A_213, %add3A, %dma_start3A_214] : memref<26x32x100096xf32, #tpu.memory_space<hbm>> -> memref<1x1x100096xf32, #tpu.memory_space<hbm>>
    %dma_start3A_216 = tpu.memref_squeeze %dma_start3A_215 : memref<1x1x100096xf32, #tpu.memory_space<hbm>> -> memref<100096xf32, #tpu.memory_space<hbm>>
    %dma_start3A_217 = arith.constant 0 : i32
    %dma_start3A_218 = tpu.memref_slice %dma_start3A_216[%dma_start3A_217] : memref<100096xf32, #tpu.memory_space<hbm>> -> memref<100096xf32, #tpu.memory_space<hbm>>
    tpu.enqueue_indirect_dma source(%dma_start3A_218 : memref<100096xf32, #tpu.memory_space<hbm>>) target(%arg9 : memref<4096xf32, #tpu.memory_space<vmem>>) offsets(%arg7 : memref<4096xi32, #tpu.memory_space<vmem>>) semaphore(%arg12 : memref<!tpu.dma_semaphore, #tpu.memory_space<semaphore_mem>>)
    %dma_wait3A_219 = arith.constant 8 : i32
    %dma_wait3A_220 = arith.constant 0 : i32
    %dma_wait3A_221 = tpu.memref_slice %arg4[%dma_wait3A_219, %add3A, %dma_wait3A_220] : memref<26x32x100096xf32, #tpu.memory_space<hbm>> -> memref<1x1x100096xf32, #tpu.memory_space<hbm>>
    %dma_wait3A_222 = tpu.memref_squeeze %dma_wait3A_221 : memref<1x1x100096xf32, #tpu.memory_space<hbm>> -> memref<100096xf32, #tpu.memory_space<hbm>>
    %dma_wait3A_223 = arith.constant 0 : i32
    %dma_wait3A_224 = tpu.memref_slice %dma_wait3A_222[%dma_wait3A_223] : memref<100096xf32, #tpu.memory_space<hbm>> -> memref<100096xf32, #tpu.memory_space<hbm>>
    tpu.wait_indirect_dma semaphore(%arg11 : memref<!tpu.dma_semaphore, #tpu.memory_space<semaphore_mem>>) src(%dma_wait3A_224 : memref<100096xf32, #tpu.memory_space<hbm>>) dst(%arg8 : memref<4096xf32, #tpu.memory_space<vmem>>)
    %add3A_225 = arith.constant 256 : i32
    %add3A_226 = arith.addi %add3A_225, %add3A : i32
    %dma_start3A_227 = arith.constant 0 : i32
    %dma_start3A_228 = tpu.memref_slice %arg5[%add3A_226, %dma_start3A_227] : memref<845x4096xf32, #tpu.memory_space<hbm>> -> memref<1x4096xf32, #tpu.memory_space<hbm>>
    %dma_start3A_229 = tpu.memref_squeeze %dma_start3A_228 : memref<1x4096xf32, #tpu.memory_space<hbm>> -> memref<4096xf32, #tpu.memory_space<hbm>>
    %dma_start3A_230 = arith.constant 0 : i32
    %dma_start3A_231 = tpu.memref_slice %arg5[%add3A_226, %dma_start3A_230] : memref<845x4096xf32, #tpu.memory_space<hbm>> -> memref<1x4096xf32, #tpu.memory_space<hbm>>
    %dma_start3A_232 = tpu.memref_squeeze %dma_start3A_231 : memref<1x4096xf32, #tpu.memory_space<hbm>> -> memref<4096xf32, #tpu.memory_space<hbm>>
    tpu.enqueue_dma source(%arg8 : memref<4096xf32, #tpu.memory_space<vmem>>) target(%dma_start3A_232 : memref<4096xf32, #tpu.memory_space<hbm>>) target_semaphore(%arg13 : memref<!tpu.dma_semaphore, #tpu.memory_space<semaphore_mem>>)
    "tpu.region"() ({
      %run_scoped3A = tpu.sem_alloc : memref<!tpu.dma_semaphore, #tpu.memory_space<semaphore_mem>>
      %dma_start3A_677 = arith.constant 40960 : i32
      %dma_start3A_678 = tpu.memref_slice %arg2[%dma_start3A_677] : memref<106496xi32, #tpu.memory_space<hbm>> -> memref<4096xi32, #tpu.memory_space<hbm>>
      %dma_start3A_679 = arith.constant 40960 : i32
      %dma_start3A_680 = tpu.memref_slice %arg2[%dma_start3A_679] : memref<106496xi32, #tpu.memory_space<hbm>> -> memref<4096xi32, #tpu.memory_space<hbm>>
      tpu.enqueue_dma source(%dma_start3A_680 : memref<4096xi32, #tpu.memory_space<hbm>>) target(%arg6 : memref<4096xi32, #tpu.memory_space<vmem>>) target_semaphore(%run_scoped3A : memref<!tpu.dma_semaphore, #tpu.memory_space<semaphore_mem>>)
      %dma_wait3A_681 = arith.constant 40960 : i32
      %dma_wait3A_682 = tpu.memref_slice %arg2[%dma_wait3A_681] : memref<106496xi32, #tpu.memory_space<hbm>> -> memref<4096xi32, #tpu.memory_space<hbm>>
      %dma_wait3A_683 = arith.constant 40960 : i32
      %dma_wait3A_684 = tpu.memref_slice %arg2[%dma_wait3A_683] : memref<106496xi32, #tpu.memory_space<hbm>> -> memref<4096xi32, #tpu.memory_space<hbm>>
      tpu.wait_dma2 semaphore(%run_scoped3A : memref<!tpu.dma_semaphore, #tpu.memory_space<semaphore_mem>>) src(%dma_wait3A_684 : memref<4096xi32, #tpu.memory_space<hbm>>) dst(%arg6 : memref<4096xi32, #tpu.memory_space<vmem>>)
      tpu.yield
    }) : () -> ()
    %dma_wait3A_233 = arith.constant 0 : i32
    %dma_wait3A_234 = tpu.memref_slice %arg5[%add3A_226, %dma_wait3A_233] : memref<845x4096xf32, #tpu.memory_space<hbm>> -> memref<1x4096xf32, #tpu.memory_space<hbm>>
    %dma_wait3A_235 = tpu.memref_squeeze %dma_wait3A_234 : memref<1x4096xf32, #tpu.memory_space<hbm>> -> memref<4096xf32, #tpu.memory_space<hbm>>
    %dma_wait3A_236 = arith.constant 0 : i32
    %dma_wait3A_237 = tpu.memref_slice %arg5[%add3A_226, %dma_wait3A_236] : memref<845x4096xf32, #tpu.memory_space<hbm>> -> memref<1x4096xf32, #tpu.memory_space<hbm>>
    %dma_wait3A_238 = tpu.memref_squeeze %dma_wait3A_237 : memref<1x4096xf32, #tpu.memory_space<hbm>> -> memref<4096xf32, #tpu.memory_space<hbm>>
    tpu.wait_dma2 semaphore(%arg13 : memref<!tpu.dma_semaphore, #tpu.memory_space<semaphore_mem>>) src(%arg8 : memref<4096xf32, #tpu.memory_space<vmem>>) dst(%dma_wait3A_238 : memref<4096xf32, #tpu.memory_space<hbm>>)
    %dma_start3A_239 = arith.constant 10 : i32
    %dma_start3A_240 = arith.constant 0 : i32
    %dma_start3A_241 = tpu.memref_slice %arg4[%dma_start3A_239, %add3A, %dma_start3A_240] : memref<26x32x100096xf32, #tpu.memory_space<hbm>> -> memref<1x1x100096xf32, #tpu.memory_space<hbm>>
    %dma_start3A_242 = tpu.memref_squeeze %dma_start3A_241 : memref<1x1x100096xf32, #tpu.memory_space<hbm>> -> memref<100096xf32, #tpu.memory_space<hbm>>
    %dma_start3A_243 = arith.constant 0 : i32
    %dma_start3A_244 = tpu.memref_slice %dma_start3A_242[%dma_start3A_243] : memref<100096xf32, #tpu.memory_space<hbm>> -> memref<100096xf32, #tpu.memory_space<hbm>>
    tpu.enqueue_indirect_dma source(%dma_start3A_244 : memref<100096xf32, #tpu.memory_space<hbm>>) target(%arg8 : memref<4096xf32, #tpu.memory_space<vmem>>) offsets(%arg6 : memref<4096xi32, #tpu.memory_space<vmem>>) semaphore(%arg11 : memref<!tpu.dma_semaphore, #tpu.memory_space<semaphore_mem>>)
    %dma_wait3A_245 = arith.constant 9 : i32
    %dma_wait3A_246 = arith.constant 0 : i32
    %dma_wait3A_247 = tpu.memref_slice %arg4[%dma_wait3A_245, %add3A, %dma_wait3A_246] : memref<26x32x100096xf32, #tpu.memory_space<hbm>> -> memref<1x1x100096xf32, #tpu.memory_space<hbm>>
    %dma_wait3A_248 = tpu.memref_squeeze %dma_wait3A_247 : memref<1x1x100096xf32, #tpu.memory_space<hbm>> -> memref<100096xf32, #tpu.memory_space<hbm>>
    %dma_wait3A_249 = arith.constant 0 : i32
    %dma_wait3A_250 = tpu.memref_slice %dma_wait3A_248[%dma_wait3A_249] : memref<100096xf32, #tpu.memory_space<hbm>> -> memref<100096xf32, #tpu.memory_space<hbm>>
    tpu.wait_indirect_dma semaphore(%arg12 : memref<!tpu.dma_semaphore, #tpu.memory_space<semaphore_mem>>) src(%dma_wait3A_250 : memref<100096xf32, #tpu.memory_space<hbm>>) dst(%arg9 : memref<4096xf32, #tpu.memory_space<vmem>>)
    %add3A_251 = arith.constant 288 : i32
    %add3A_252 = arith.addi %add3A_251, %add3A : i32
    %dma_start3A_253 = arith.constant 0 : i32
    %dma_start3A_254 = tpu.memref_slice %arg5[%add3A_252, %dma_start3A_253] : memref<845x4096xf32, #tpu.memory_space<hbm>> -> memref<1x4096xf32, #tpu.memory_space<hbm>>
    %dma_start3A_255 = tpu.memref_squeeze %dma_start3A_254 : memref<1x4096xf32, #tpu.memory_space<hbm>> -> memref<4096xf32, #tpu.memory_space<hbm>>
    %dma_start3A_256 = arith.constant 0 : i32
    %dma_start3A_257 = tpu.memref_slice %arg5[%add3A_252, %dma_start3A_256] : memref<845x4096xf32, #tpu.memory_space<hbm>> -> memref<1x4096xf32, #tpu.memory_space<hbm>>
    %dma_start3A_258 = tpu.memref_squeeze %dma_start3A_257 : memref<1x4096xf32, #tpu.memory_space<hbm>> -> memref<4096xf32, #tpu.memory_space<hbm>>
    tpu.enqueue_dma source(%arg9 : memref<4096xf32, #tpu.memory_space<vmem>>) target(%dma_start3A_258 : memref<4096xf32, #tpu.memory_space<hbm>>) target_semaphore(%arg13 : memref<!tpu.dma_semaphore, #tpu.memory_space<semaphore_mem>>)
    "tpu.region"() ({
      %run_scoped3A = tpu.sem_alloc : memref<!tpu.dma_semaphore, #tpu.memory_space<semaphore_mem>>
      %dma_start3A_677 = arith.constant 45056 : i32
      %dma_start3A_678 = tpu.memref_slice %arg2[%dma_start3A_677] : memref<106496xi32, #tpu.memory_space<hbm>> -> memref<4096xi32, #tpu.memory_space<hbm>>
      %dma_start3A_679 = arith.constant 45056 : i32
      %dma_start3A_680 = tpu.memref_slice %arg2[%dma_start3A_679] : memref<106496xi32, #tpu.memory_space<hbm>> -> memref<4096xi32, #tpu.memory_space<hbm>>
      tpu.enqueue_dma source(%dma_start3A_680 : memref<4096xi32, #tpu.memory_space<hbm>>) target(%arg7 : memref<4096xi32, #tpu.memory_space<vmem>>) target_semaphore(%run_scoped3A : memref<!tpu.dma_semaphore, #tpu.memory_space<semaphore_mem>>)
      %dma_wait3A_681 = arith.constant 45056 : i32
      %dma_wait3A_682 = tpu.memref_slice %arg2[%dma_wait3A_681] : memref<106496xi32, #tpu.memory_space<hbm>> -> memref<4096xi32, #tpu.memory_space<hbm>>
      %dma_wait3A_683 = arith.constant 45056 : i32
      %dma_wait3A_684 = tpu.memref_slice %arg2[%dma_wait3A_683] : memref<106496xi32, #tpu.memory_space<hbm>> -> memref<4096xi32, #tpu.memory_space<hbm>>
      tpu.wait_dma2 semaphore(%run_scoped3A : memref<!tpu.dma_semaphore, #tpu.memory_space<semaphore_mem>>) src(%dma_wait3A_684 : memref<4096xi32, #tpu.memory_space<hbm>>) dst(%arg7 : memref<4096xi32, #tpu.memory_space<vmem>>)
      tpu.yield
    }) : () -> ()
    %dma_wait3A_259 = arith.constant 0 : i32
    %dma_wait3A_260 = tpu.memref_slice %arg5[%add3A_252, %dma_wait3A_259] : memref<845x4096xf32, #tpu.memory_space<hbm>> -> memref<1x4096xf32, #tpu.memory_space<hbm>>
    %dma_wait3A_261 = tpu.memref_squeeze %dma_wait3A_260 : memref<1x4096xf32, #tpu.memory_space<hbm>> -> memref<4096xf32, #tpu.memory_space<hbm>>
    %dma_wait3A_262 = arith.constant 0 : i32
    %dma_wait3A_263 = tpu.memref_slice %arg5[%add3A_252, %dma_wait3A_262] : memref<845x4096xf32, #tpu.memory_space<hbm>> -> memref<1x4096xf32, #tpu.memory_space<hbm>>
    %dma_wait3A_264 = tpu.memref_squeeze %dma_wait3A_263 : memref<1x4096xf32, #tpu.memory_space<hbm>> -> memref<4096xf32, #tpu.memory_space<hbm>>
    tpu.wait_dma2 semaphore(%arg13 : memref<!tpu.dma_semaphore, #tpu.memory_space<semaphore_mem>>) src(%arg9 : memref<4096xf32, #tpu.memory_space<vmem>>) dst(%dma_wait3A_264 : memref<4096xf32, #tpu.memory_space<hbm>>)
    %dma_start3A_265 = arith.constant 11 : i32
    %dma_start3A_266 = arith.constant 0 : i32
    %dma_start3A_267 = tpu.memref_slice %arg4[%dma_start3A_265, %add3A, %dma_start3A_266] : memref<26x32x100096xf32, #tpu.memory_space<hbm>> -> memref<1x1x100096xf32, #tpu.memory_space<hbm>>
    %dma_start3A_268 = tpu.memref_squeeze %dma_start3A_267 : memref<1x1x100096xf32, #tpu.memory_space<hbm>> -> memref<100096xf32, #tpu.memory_space<hbm>>
    %dma_start3A_269 = arith.constant 0 : i32
    %dma_start3A_270 = tpu.memref_slice %dma_start3A_268[%dma_start3A_269] : memref<100096xf32, #tpu.memory_space<hbm>> -> memref<100096xf32, #tpu.memory_space<hbm>>
    tpu.enqueue_indirect_dma source(%dma_start3A_270 : memref<100096xf32, #tpu.memory_space<hbm>>) target(%arg9 : memref<4096xf32, #tpu.memory_space<vmem>>) offsets(%arg7 : memref<4096xi32, #tpu.memory_space<vmem>>) semaphore(%arg12 : memref<!tpu.dma_semaphore, #tpu.memory_space<semaphore_mem>>)
    %dma_wait3A_271 = arith.constant 10 : i32
    %dma_wait3A_272 = arith.constant 0 : i32
    %dma_wait3A_273 = tpu.memref_slice %arg4[%dma_wait3A_271, %add3A, %dma_wait3A_272] : memref<26x32x100096xf32, #tpu.memory_space<hbm>> -> memref<1x1x100096xf32, #tpu.memory_space<hbm>>
    %dma_wait3A_274 = tpu.memref_squeeze %dma_wait3A_273 : memref<1x1x100096xf32, #tpu.memory_space<hbm>> -> memref<100096xf32, #tpu.memory_space<hbm>>
    %dma_wait3A_275 = arith.constant 0 : i32
    %dma_wait3A_276 = tpu.memref_slice %dma_wait3A_274[%dma_wait3A_275] : memref<100096xf32, #tpu.memory_space<hbm>> -> memref<100096xf32, #tpu.memory_space<hbm>>
    tpu.wait_indirect_dma semaphore(%arg11 : memref<!tpu.dma_semaphore, #tpu.memory_space<semaphore_mem>>) src(%dma_wait3A_276 : memref<100096xf32, #tpu.memory_space<hbm>>) dst(%arg8 : memref<4096xf32, #tpu.memory_space<vmem>>)
    %add3A_277 = arith.constant 320 : i32
    %add3A_278 = arith.addi %add3A_277, %add3A : i32
    %dma_start3A_279 = arith.constant 0 : i32
    %dma_start3A_280 = tpu.memref_slice %arg5[%add3A_278, %dma_start3A_279] : memref<845x4096xf32, #tpu.memory_space<hbm>> -> memref<1x4096xf32, #tpu.memory_space<hbm>>
    %dma_start3A_281 = tpu.memref_squeeze %dma_start3A_280 : memref<1x4096xf32, #tpu.memory_space<hbm>> -> memref<4096xf32, #tpu.memory_space<hbm>>
    %dma_start3A_282 = arith.constant 0 : i32
    %dma_start3A_283 = tpu.memref_slice %arg5[%add3A_278, %dma_start3A_282] : memref<845x4096xf32, #tpu.memory_space<hbm>> -> memref<1x4096xf32, #tpu.memory_space<hbm>>
    %dma_start3A_284 = tpu.memref_squeeze %dma_start3A_283 : memref<1x4096xf32, #tpu.memory_space<hbm>> -> memref<4096xf32, #tpu.memory_space<hbm>>
    tpu.enqueue_dma source(%arg8 : memref<4096xf32, #tpu.memory_space<vmem>>) target(%dma_start3A_284 : memref<4096xf32, #tpu.memory_space<hbm>>) target_semaphore(%arg13 : memref<!tpu.dma_semaphore, #tpu.memory_space<semaphore_mem>>)
    "tpu.region"() ({
      %run_scoped3A = tpu.sem_alloc : memref<!tpu.dma_semaphore, #tpu.memory_space<semaphore_mem>>
      %dma_start3A_677 = arith.constant 49152 : i32
      %dma_start3A_678 = tpu.memref_slice %arg2[%dma_start3A_677] : memref<106496xi32, #tpu.memory_space<hbm>> -> memref<4096xi32, #tpu.memory_space<hbm>>
      %dma_start3A_679 = arith.constant 49152 : i32
      %dma_start3A_680 = tpu.memref_slice %arg2[%dma_start3A_679] : memref<106496xi32, #tpu.memory_space<hbm>> -> memref<4096xi32, #tpu.memory_space<hbm>>
      tpu.enqueue_dma source(%dma_start3A_680 : memref<4096xi32, #tpu.memory_space<hbm>>) target(%arg6 : memref<4096xi32, #tpu.memory_space<vmem>>) target_semaphore(%run_scoped3A : memref<!tpu.dma_semaphore, #tpu.memory_space<semaphore_mem>>)
      %dma_wait3A_681 = arith.constant 49152 : i32
      %dma_wait3A_682 = tpu.memref_slice %arg2[%dma_wait3A_681] : memref<106496xi32, #tpu.memory_space<hbm>> -> memref<4096xi32, #tpu.memory_space<hbm>>
      %dma_wait3A_683 = arith.constant 49152 : i32
      %dma_wait3A_684 = tpu.memref_slice %arg2[%dma_wait3A_683] : memref<106496xi32, #tpu.memory_space<hbm>> -> memref<4096xi32, #tpu.memory_space<hbm>>
      tpu.wait_dma2 semaphore(%run_scoped3A : memref<!tpu.dma_semaphore, #tpu.memory_space<semaphore_mem>>) src(%dma_wait3A_684 : memref<4096xi32, #tpu.memory_space<hbm>>) dst(%arg6 : memref<4096xi32, #tpu.memory_space<vmem>>)
      tpu.yield
    }) : () -> ()
    %dma_wait3A_285 = arith.constant 0 : i32
    %dma_wait3A_286 = tpu.memref_slice %arg5[%add3A_278, %dma_wait3A_285] : memref<845x4096xf32, #tpu.memory_space<hbm>> -> memref<1x4096xf32, #tpu.memory_space<hbm>>
    %dma_wait3A_287 = tpu.memref_squeeze %dma_wait3A_286 : memref<1x4096xf32, #tpu.memory_space<hbm>> -> memref<4096xf32, #tpu.memory_space<hbm>>
    %dma_wait3A_288 = arith.constant 0 : i32
    %dma_wait3A_289 = tpu.memref_slice %arg5[%add3A_278, %dma_wait3A_288] : memref<845x4096xf32, #tpu.memory_space<hbm>> -> memref<1x4096xf32, #tpu.memory_space<hbm>>
    %dma_wait3A_290 = tpu.memref_squeeze %dma_wait3A_289 : memref<1x4096xf32, #tpu.memory_space<hbm>> -> memref<4096xf32, #tpu.memory_space<hbm>>
    tpu.wait_dma2 semaphore(%arg13 : memref<!tpu.dma_semaphore, #tpu.memory_space<semaphore_mem>>) src(%arg8 : memref<4096xf32, #tpu.memory_space<vmem>>) dst(%dma_wait3A_290 : memref<4096xf32, #tpu.memory_space<hbm>>)
    %dma_start3A_291 = arith.constant 12 : i32
    %dma_start3A_292 = arith.constant 0 : i32
    %dma_start3A_293 = tpu.memref_slice %arg4[%dma_start3A_291, %add3A, %dma_start3A_292] : memref<26x32x100096xf32, #tpu.memory_space<hbm>> -> memref<1x1x100096xf32, #tpu.memory_space<hbm>>
    %dma_start3A_294 = tpu.memref_squeeze %dma_start3A_293 : memref<1x1x100096xf32, #tpu.memory_space<hbm>> -> memref<100096xf32, #tpu.memory_space<hbm>>
    %dma_start3A_295 = arith.constant 0 : i32
    %dma_start3A_296 = tpu.memref_slice %dma_start3A_294[%dma_start3A_295] : memref<100096xf32, #tpu.memory_space<hbm>> -> memref<100096xf32, #tpu.memory_space<hbm>>
    tpu.enqueue_indirect_dma source(%dma_start3A_296 : memref<100096xf32, #tpu.memory_space<hbm>>) target(%arg8 : memref<4096xf32, #tpu.memory_space<vmem>>) offsets(%arg6 : memref<4096xi32, #tpu.memory_space<vmem>>) semaphore(%arg11 : memref<!tpu.dma_semaphore, #tpu.memory_space<semaphore_mem>>)
    %dma_wait3A_297 = arith.constant 11 : i32
    %dma_wait3A_298 = arith.constant 0 : i32
    %dma_wait3A_299 = tpu.memref_slice %arg4[%dma_wait3A_297, %add3A, %dma_wait3A_298] : memref<26x32x100096xf32, #tpu.memory_space<hbm>> -> memref<1x1x100096xf32, #tpu.memory_space<hbm>>
    %dma_wait3A_300 = tpu.memref_squeeze %dma_wait3A_299 : memref<1x1x100096xf32, #tpu.memory_space<hbm>> -> memref<100096xf32, #tpu.memory_space<hbm>>
    %dma_wait3A_301 = arith.constant 0 : i32
    %dma_wait3A_302 = tpu.memref_slice %dma_wait3A_300[%dma_wait3A_301] : memref<100096xf32, #tpu.memory_space<hbm>> -> memref<100096xf32, #tpu.memory_space<hbm>>
    tpu.wait_indirect_dma semaphore(%arg12 : memref<!tpu.dma_semaphore, #tpu.memory_space<semaphore_mem>>) src(%dma_wait3A_302 : memref<100096xf32, #tpu.memory_space<hbm>>) dst(%arg9 : memref<4096xf32, #tpu.memory_space<vmem>>)
    %add3A_303 = arith.constant 352 : i32
    %add3A_304 = arith.addi %add3A_303, %add3A : i32
    %dma_start3A_305 = arith.constant 0 : i32
    %dma_start3A_306 = tpu.memref_slice %arg5[%add3A_304, %dma_start3A_305] : memref<845x4096xf32, #tpu.memory_space<hbm>> -> memref<1x4096xf32, #tpu.memory_space<hbm>>
    %dma_start3A_307 = tpu.memref_squeeze %dma_start3A_306 : memref<1x4096xf32, #tpu.memory_space<hbm>> -> memref<4096xf32, #tpu.memory_space<hbm>>
    %dma_start3A_308 = arith.constant 0 : i32
    %dma_start3A_309 = tpu.memref_slice %arg5[%add3A_304, %dma_start3A_308] : memref<845x4096xf32, #tpu.memory_space<hbm>> -> memref<1x4096xf32, #tpu.memory_space<hbm>>
    %dma_start3A_310 = tpu.memref_squeeze %dma_start3A_309 : memref<1x4096xf32, #tpu.memory_space<hbm>> -> memref<4096xf32, #tpu.memory_space<hbm>>
    tpu.enqueue_dma source(%arg9 : memref<4096xf32, #tpu.memory_space<vmem>>) target(%dma_start3A_310 : memref<4096xf32, #tpu.memory_space<hbm>>) target_semaphore(%arg13 : memref<!tpu.dma_semaphore, #tpu.memory_space<semaphore_mem>>)
    "tpu.region"() ({
      %run_scoped3A = tpu.sem_alloc : memref<!tpu.dma_semaphore, #tpu.memory_space<semaphore_mem>>
      %dma_start3A_677 = arith.constant 53248 : i32
      %dma_start3A_678 = tpu.memref_slice %arg2[%dma_start3A_677] : memref<106496xi32, #tpu.memory_space<hbm>> -> memref<4096xi32, #tpu.memory_space<hbm>>
      %dma_start3A_679 = arith.constant 53248 : i32
      %dma_start3A_680 = tpu.memref_slice %arg2[%dma_start3A_679] : memref<106496xi32, #tpu.memory_space<hbm>> -> memref<4096xi32, #tpu.memory_space<hbm>>
      tpu.enqueue_dma source(%dma_start3A_680 : memref<4096xi32, #tpu.memory_space<hbm>>) target(%arg7 : memref<4096xi32, #tpu.memory_space<vmem>>) target_semaphore(%run_scoped3A : memref<!tpu.dma_semaphore, #tpu.memory_space<semaphore_mem>>)
      %dma_wait3A_681 = arith.constant 53248 : i32
      %dma_wait3A_682 = tpu.memref_slice %arg2[%dma_wait3A_681] : memref<106496xi32, #tpu.memory_space<hbm>> -> memref<4096xi32, #tpu.memory_space<hbm>>
      %dma_wait3A_683 = arith.constant 53248 : i32
      %dma_wait3A_684 = tpu.memref_slice %arg2[%dma_wait3A_683] : memref<106496xi32, #tpu.memory_space<hbm>> -> memref<4096xi32, #tpu.memory_space<hbm>>
      tpu.wait_dma2 semaphore(%run_scoped3A : memref<!tpu.dma_semaphore, #tpu.memory_space<semaphore_mem>>) src(%dma_wait3A_684 : memref<4096xi32, #tpu.memory_space<hbm>>) dst(%arg7 : memref<4096xi32, #tpu.memory_space<vmem>>)
      tpu.yield
    }) : () -> ()
    %dma_wait3A_311 = arith.constant 0 : i32
    %dma_wait3A_312 = tpu.memref_slice %arg5[%add3A_304, %dma_wait3A_311] : memref<845x4096xf32, #tpu.memory_space<hbm>> -> memref<1x4096xf32, #tpu.memory_space<hbm>>
    %dma_wait3A_313 = tpu.memref_squeeze %dma_wait3A_312 : memref<1x4096xf32, #tpu.memory_space<hbm>> -> memref<4096xf32, #tpu.memory_space<hbm>>
    %dma_wait3A_314 = arith.constant 0 : i32
    %dma_wait3A_315 = tpu.memref_slice %arg5[%add3A_304, %dma_wait3A_314] : memref<845x4096xf32, #tpu.memory_space<hbm>> -> memref<1x4096xf32, #tpu.memory_space<hbm>>
    %dma_wait3A_316 = tpu.memref_squeeze %dma_wait3A_315 : memref<1x4096xf32, #tpu.memory_space<hbm>> -> memref<4096xf32, #tpu.memory_space<hbm>>
    tpu.wait_dma2 semaphore(%arg13 : memref<!tpu.dma_semaphore, #tpu.memory_space<semaphore_mem>>) src(%arg9 : memref<4096xf32, #tpu.memory_space<vmem>>) dst(%dma_wait3A_316 : memref<4096xf32, #tpu.memory_space<hbm>>)
    %dma_start3A_317 = arith.constant 13 : i32
    %dma_start3A_318 = arith.constant 0 : i32
    %dma_start3A_319 = tpu.memref_slice %arg4[%dma_start3A_317, %add3A, %dma_start3A_318] : memref<26x32x100096xf32, #tpu.memory_space<hbm>> -> memref<1x1x100096xf32, #tpu.memory_space<hbm>>
    %dma_start3A_320 = tpu.memref_squeeze %dma_start3A_319 : memref<1x1x100096xf32, #tpu.memory_space<hbm>> -> memref<100096xf32, #tpu.memory_space<hbm>>
    %dma_start3A_321 = arith.constant 0 : i32
    %dma_start3A_322 = tpu.memref_slice %dma_start3A_320[%dma_start3A_321] : memref<100096xf32, #tpu.memory_space<hbm>> -> memref<100096xf32, #tpu.memory_space<hbm>>
    tpu.enqueue_indirect_dma source(%dma_start3A_322 : memref<100096xf32, #tpu.memory_space<hbm>>) target(%arg9 : memref<4096xf32, #tpu.memory_space<vmem>>) offsets(%arg7 : memref<4096xi32, #tpu.memory_space<vmem>>) semaphore(%arg12 : memref<!tpu.dma_semaphore, #tpu.memory_space<semaphore_mem>>)
    %dma_wait3A_323 = arith.constant 12 : i32
    %dma_wait3A_324 = arith.constant 0 : i32
    %dma_wait3A_325 = tpu.memref_slice %arg4[%dma_wait3A_323, %add3A, %dma_wait3A_324] : memref<26x32x100096xf32, #tpu.memory_space<hbm>> -> memref<1x1x100096xf32, #tpu.memory_space<hbm>>
    %dma_wait3A_326 = tpu.memref_squeeze %dma_wait3A_325 : memref<1x1x100096xf32, #tpu.memory_space<hbm>> -> memref<100096xf32, #tpu.memory_space<hbm>>
    %dma_wait3A_327 = arith.constant 0 : i32
    %dma_wait3A_328 = tpu.memref_slice %dma_wait3A_326[%dma_wait3A_327] : memref<100096xf32, #tpu.memory_space<hbm>> -> memref<100096xf32, #tpu.memory_space<hbm>>
    tpu.wait_indirect_dma semaphore(%arg11 : memref<!tpu.dma_semaphore, #tpu.memory_space<semaphore_mem>>) src(%dma_wait3A_328 : memref<100096xf32, #tpu.memory_space<hbm>>) dst(%arg8 : memref<4096xf32, #tpu.memory_space<vmem>>)
    %add3A_329 = arith.constant 384 : i32
    %add3A_330 = arith.addi %add3A_329, %add3A : i32
    %dma_start3A_331 = arith.constant 0 : i32
    %dma_start3A_332 = tpu.memref_slice %arg5[%add3A_330, %dma_start3A_331] : memref<845x4096xf32, #tpu.memory_space<hbm>> -> memref<1x4096xf32, #tpu.memory_space<hbm>>
    %dma_start3A_333 = tpu.memref_squeeze %dma_start3A_332 : memref<1x4096xf32, #tpu.memory_space<hbm>> -> memref<4096xf32, #tpu.memory_space<hbm>>
    %dma_start3A_334 = arith.constant 0 : i32
    %dma_start3A_335 = tpu.memref_slice %arg5[%add3A_330, %dma_start3A_334] : memref<845x4096xf32, #tpu.memory_space<hbm>> -> memref<1x4096xf32, #tpu.memory_space<hbm>>
    %dma_start3A_336 = tpu.memref_squeeze %dma_start3A_335 : memref<1x4096xf32, #tpu.memory_space<hbm>> -> memref<4096xf32, #tpu.memory_space<hbm>>
    tpu.enqueue_dma source(%arg8 : memref<4096xf32, #tpu.memory_space<vmem>>) target(%dma_start3A_336 : memref<4096xf32, #tpu.memory_space<hbm>>) target_semaphore(%arg13 : memref<!tpu.dma_semaphore, #tpu.memory_space<semaphore_mem>>)
    "tpu.region"() ({
      %run_scoped3A = tpu.sem_alloc : memref<!tpu.dma_semaphore, #tpu.memory_space<semaphore_mem>>
      %dma_start3A_677 = arith.constant 57344 : i32
      %dma_start3A_678 = tpu.memref_slice %arg2[%dma_start3A_677] : memref<106496xi32, #tpu.memory_space<hbm>> -> memref<4096xi32, #tpu.memory_space<hbm>>
      %dma_start3A_679 = arith.constant 57344 : i32
      %dma_start3A_680 = tpu.memref_slice %arg2[%dma_start3A_679] : memref<106496xi32, #tpu.memory_space<hbm>> -> memref<4096xi32, #tpu.memory_space<hbm>>
      tpu.enqueue_dma source(%dma_start3A_680 : memref<4096xi32, #tpu.memory_space<hbm>>) target(%arg6 : memref<4096xi32, #tpu.memory_space<vmem>>) target_semaphore(%run_scoped3A : memref<!tpu.dma_semaphore, #tpu.memory_space<semaphore_mem>>)
      %dma_wait3A_681 = arith.constant 57344 : i32
      %dma_wait3A_682 = tpu.memref_slice %arg2[%dma_wait3A_681] : memref<106496xi32, #tpu.memory_space<hbm>> -> memref<4096xi32, #tpu.memory_space<hbm>>
      %dma_wait3A_683 = arith.constant 57344 : i32
      %dma_wait3A_684 = tpu.memref_slice %arg2[%dma_wait3A_683] : memref<106496xi32, #tpu.memory_space<hbm>> -> memref<4096xi32, #tpu.memory_space<hbm>>
      tpu.wait_dma2 semaphore(%run_scoped3A : memref<!tpu.dma_semaphore, #tpu.memory_space<semaphore_mem>>) src(%dma_wait3A_684 : memref<4096xi32, #tpu.memory_space<hbm>>) dst(%arg6 : memref<4096xi32, #tpu.memory_space<vmem>>)
      tpu.yield
    }) : () -> ()
    %dma_wait3A_337 = arith.constant 0 : i32
    %dma_wait3A_338 = tpu.memref_slice %arg5[%add3A_330, %dma_wait3A_337] : memref<845x4096xf32, #tpu.memory_space<hbm>> -> memref<1x4096xf32, #tpu.memory_space<hbm>>
    %dma_wait3A_339 = tpu.memref_squeeze %dma_wait3A_338 : memref<1x4096xf32, #tpu.memory_space<hbm>> -> memref<4096xf32, #tpu.memory_space<hbm>>
    %dma_wait3A_340 = arith.constant 0 : i32
    %dma_wait3A_341 = tpu.memref_slice %arg5[%add3A_330, %dma_wait3A_340] : memref<845x4096xf32, #tpu.memory_space<hbm>> -> memref<1x4096xf32, #tpu.memory_space<hbm>>
    %dma_wait3A_342 = tpu.memref_squeeze %dma_wait3A_341 : memref<1x4096xf32, #tpu.memory_space<hbm>> -> memref<4096xf32, #tpu.memory_space<hbm>>
    tpu.wait_dma2 semaphore(%arg13 : memref<!tpu.dma_semaphore, #tpu.memory_space<semaphore_mem>>) src(%arg8 : memref<4096xf32, #tpu.memory_space<vmem>>) dst(%dma_wait3A_342 : memref<4096xf32, #tpu.memory_space<hbm>>)
    %dma_start3A_343 = arith.constant 14 : i32
    %dma_start3A_344 = arith.constant 0 : i32
    %dma_start3A_345 = tpu.memref_slice %arg4[%dma_start3A_343, %add3A, %dma_start3A_344] : memref<26x32x100096xf32, #tpu.memory_space<hbm>> -> memref<1x1x100096xf32, #tpu.memory_space<hbm>>
    %dma_start3A_346 = tpu.memref_squeeze %dma_start3A_345 : memref<1x1x100096xf32, #tpu.memory_space<hbm>> -> memref<100096xf32, #tpu.memory_space<hbm>>
    %dma_start3A_347 = arith.constant 0 : i32
    %dma_start3A_348 = tpu.memref_slice %dma_start3A_346[%dma_start3A_347] : memref<100096xf32, #tpu.memory_space<hbm>> -> memref<100096xf32, #tpu.memory_space<hbm>>
    tpu.enqueue_indirect_dma source(%dma_start3A_348 : memref<100096xf32, #tpu.memory_space<hbm>>) target(%arg8 : memref<4096xf32, #tpu.memory_space<vmem>>) offsets(%arg6 : memref<4096xi32, #tpu.memory_space<vmem>>) semaphore(%arg11 : memref<!tpu.dma_semaphore, #tpu.memory_space<semaphore_mem>>)
    %dma_wait3A_349 = arith.constant 13 : i32
    %dma_wait3A_350 = arith.constant 0 : i32
    %dma_wait3A_351 = tpu.memref_slice %arg4[%dma_wait3A_349, %add3A, %dma_wait3A_350] : memref<26x32x100096xf32, #tpu.memory_space<hbm>> -> memref<1x1x100096xf32, #tpu.memory_space<hbm>>
    %dma_wait3A_352 = tpu.memref_squeeze %dma_wait3A_351 : memref<1x1x100096xf32, #tpu.memory_space<hbm>> -> memref<100096xf32, #tpu.memory_space<hbm>>
    %dma_wait3A_353 = arith.constant 0 : i32
    %dma_wait3A_354 = tpu.memref_slice %dma_wait3A_352[%dma_wait3A_353] : memref<100096xf32, #tpu.memory_space<hbm>> -> memref<100096xf32, #tpu.memory_space<hbm>>
    tpu.wait_indirect_dma semaphore(%arg12 : memref<!tpu.dma_semaphore, #tpu.memory_space<semaphore_mem>>) src(%dma_wait3A_354 : memref<100096xf32, #tpu.memory_space<hbm>>) dst(%arg9 : memref<4096xf32, #tpu.memory_space<vmem>>)
    %add3A_355 = arith.constant 416 : i32
    %add3A_356 = arith.addi %add3A_355, %add3A : i32
    %dma_start3A_357 = arith.constant 0 : i32
    %dma_start3A_358 = tpu.memref_slice %arg5[%add3A_356, %dma_start3A_357] : memref<845x4096xf32, #tpu.memory_space<hbm>> -> memref<1x4096xf32, #tpu.memory_space<hbm>>
    %dma_start3A_359 = tpu.memref_squeeze %dma_start3A_358 : memref<1x4096xf32, #tpu.memory_space<hbm>> -> memref<4096xf32, #tpu.memory_space<hbm>>
    %dma_start3A_360 = arith.constant 0 : i32
    %dma_start3A_361 = tpu.memref_slice %arg5[%add3A_356, %dma_start3A_360] : memref<845x4096xf32, #tpu.memory_space<hbm>> -> memref<1x4096xf32, #tpu.memory_space<hbm>>
    %dma_start3A_362 = tpu.memref_squeeze %dma_start3A_361 : memref<1x4096xf32, #tpu.memory_space<hbm>> -> memref<4096xf32, #tpu.memory_space<hbm>>
    tpu.enqueue_dma source(%arg9 : memref<4096xf32, #tpu.memory_space<vmem>>) target(%dma_start3A_362 : memref<4096xf32, #tpu.memory_space<hbm>>) target_semaphore(%arg13 : memref<!tpu.dma_semaphore, #tpu.memory_space<semaphore_mem>>)
    "tpu.region"() ({
      %run_scoped3A = tpu.sem_alloc : memref<!tpu.dma_semaphore, #tpu.memory_space<semaphore_mem>>
      %dma_start3A_677 = arith.constant 61440 : i32
      %dma_start3A_678 = tpu.memref_slice %arg2[%dma_start3A_677] : memref<106496xi32, #tpu.memory_space<hbm>> -> memref<4096xi32, #tpu.memory_space<hbm>>
      %dma_start3A_679 = arith.constant 61440 : i32
      %dma_start3A_680 = tpu.memref_slice %arg2[%dma_start3A_679] : memref<106496xi32, #tpu.memory_space<hbm>> -> memref<4096xi32, #tpu.memory_space<hbm>>
      tpu.enqueue_dma source(%dma_start3A_680 : memref<4096xi32, #tpu.memory_space<hbm>>) target(%arg7 : memref<4096xi32, #tpu.memory_space<vmem>>) target_semaphore(%run_scoped3A : memref<!tpu.dma_semaphore, #tpu.memory_space<semaphore_mem>>)
      %dma_wait3A_681 = arith.constant 61440 : i32
      %dma_wait3A_682 = tpu.memref_slice %arg2[%dma_wait3A_681] : memref<106496xi32, #tpu.memory_space<hbm>> -> memref<4096xi32, #tpu.memory_space<hbm>>
      %dma_wait3A_683 = arith.constant 61440 : i32
      %dma_wait3A_684 = tpu.memref_slice %arg2[%dma_wait3A_683] : memref<106496xi32, #tpu.memory_space<hbm>> -> memref<4096xi32, #tpu.memory_space<hbm>>
      tpu.wait_dma2 semaphore(%run_scoped3A : memref<!tpu.dma_semaphore, #tpu.memory_space<semaphore_mem>>) src(%dma_wait3A_684 : memref<4096xi32, #tpu.memory_space<hbm>>) dst(%arg7 : memref<4096xi32, #tpu.memory_space<vmem>>)
      tpu.yield
    }) : () -> ()
    %dma_wait3A_363 = arith.constant 0 : i32
    %dma_wait3A_364 = tpu.memref_slice %arg5[%add3A_356, %dma_wait3A_363] : memref<845x4096xf32, #tpu.memory_space<hbm>> -> memref<1x4096xf32, #tpu.memory_space<hbm>>
    %dma_wait3A_365 = tpu.memref_squeeze %dma_wait3A_364 : memref<1x4096xf32, #tpu.memory_space<hbm>> -> memref<4096xf32, #tpu.memory_space<hbm>>
    %dma_wait3A_366 = arith.constant 0 : i32
    %dma_wait3A_367 = tpu.memref_slice %arg5[%add3A_356, %dma_wait3A_366] : memref<845x4096xf32, #tpu.memory_space<hbm>> -> memref<1x4096xf32, #tpu.memory_space<hbm>>
    %dma_wait3A_368 = tpu.memref_squeeze %dma_wait3A_367 : memref<1x4096xf32, #tpu.memory_space<hbm>> -> memref<4096xf32, #tpu.memory_space<hbm>>
    tpu.wait_dma2 semaphore(%arg13 : memref<!tpu.dma_semaphore, #tpu.memory_space<semaphore_mem>>) src(%arg9 : memref<4096xf32, #tpu.memory_space<vmem>>) dst(%dma_wait3A_368 : memref<4096xf32, #tpu.memory_space<hbm>>)
    %dma_start3A_369 = arith.constant 15 : i32
    %dma_start3A_370 = arith.constant 0 : i32
    %dma_start3A_371 = tpu.memref_slice %arg4[%dma_start3A_369, %add3A, %dma_start3A_370] : memref<26x32x100096xf32, #tpu.memory_space<hbm>> -> memref<1x1x100096xf32, #tpu.memory_space<hbm>>
    %dma_start3A_372 = tpu.memref_squeeze %dma_start3A_371 : memref<1x1x100096xf32, #tpu.memory_space<hbm>> -> memref<100096xf32, #tpu.memory_space<hbm>>
    %dma_start3A_373 = arith.constant 0 : i32
    %dma_start3A_374 = tpu.memref_slice %dma_start3A_372[%dma_start3A_373] : memref<100096xf32, #tpu.memory_space<hbm>> -> memref<100096xf32, #tpu.memory_space<hbm>>
    tpu.enqueue_indirect_dma source(%dma_start3A_374 : memref<100096xf32, #tpu.memory_space<hbm>>) target(%arg9 : memref<4096xf32, #tpu.memory_space<vmem>>) offsets(%arg7 : memref<4096xi32, #tpu.memory_space<vmem>>) semaphore(%arg12 : memref<!tpu.dma_semaphore, #tpu.memory_space<semaphore_mem>>)
    %dma_wait3A_375 = arith.constant 14 : i32
    %dma_wait3A_376 = arith.constant 0 : i32
    %dma_wait3A_377 = tpu.memref_slice %arg4[%dma_wait3A_375, %add3A, %dma_wait3A_376] : memref<26x32x100096xf32, #tpu.memory_space<hbm>> -> memref<1x1x100096xf32, #tpu.memory_space<hbm>>
    %dma_wait3A_378 = tpu.memref_squeeze %dma_wait3A_377 : memref<1x1x100096xf32, #tpu.memory_space<hbm>> -> memref<100096xf32, #tpu.memory_space<hbm>>
    %dma_wait3A_379 = arith.constant 0 : i32
    %dma_wait3A_380 = tpu.memref_slice %dma_wait3A_378[%dma_wait3A_379] : memref<100096xf32, #tpu.memory_space<hbm>> -> memref<100096xf32, #tpu.memory_space<hbm>>
    tpu.wait_indirect_dma semaphore(%arg11 : memref<!tpu.dma_semaphore, #tpu.memory_space<semaphore_mem>>) src(%dma_wait3A_380 : memref<100096xf32, #tpu.memory_space<hbm>>) dst(%arg8 : memref<4096xf32, #tpu.memory_space<vmem>>)
    %add3A_381 = arith.constant 448 : i32
    %add3A_382 = arith.addi %add3A_381, %add3A : i32
    %dma_start3A_383 = arith.constant 0 : i32
    %dma_start3A_384 = tpu.memref_slice %arg5[%add3A_382, %dma_start3A_383] : memref<845x4096xf32, #tpu.memory_space<hbm>> -> memref<1x4096xf32, #tpu.memory_space<hbm>>
    %dma_start3A_385 = tpu.memref_squeeze %dma_start3A_384 : memref<1x4096xf32, #tpu.memory_space<hbm>> -> memref<4096xf32, #tpu.memory_space<hbm>>
    %dma_start3A_386 = arith.constant 0 : i32
    %dma_start3A_387 = tpu.memref_slice %arg5[%add3A_382, %dma_start3A_386] : memref<845x4096xf32, #tpu.memory_space<hbm>> -> memref<1x4096xf32, #tpu.memory_space<hbm>>
    %dma_start3A_388 = tpu.memref_squeeze %dma_start3A_387 : memref<1x4096xf32, #tpu.memory_space<hbm>> -> memref<4096xf32, #tpu.memory_space<hbm>>
    tpu.enqueue_dma source(%arg8 : memref<4096xf32, #tpu.memory_space<vmem>>) target(%dma_start3A_388 : memref<4096xf32, #tpu.memory_space<hbm>>) target_semaphore(%arg13 : memref<!tpu.dma_semaphore, #tpu.memory_space<semaphore_mem>>)
    "tpu.region"() ({
      %run_scoped3A = tpu.sem_alloc : memref<!tpu.dma_semaphore, #tpu.memory_space<semaphore_mem>>
      %dma_start3A_677 = arith.constant 65536 : i32
      %dma_start3A_678 = tpu.memref_slice %arg2[%dma_start3A_677] : memref<106496xi32, #tpu.memory_space<hbm>> -> memref<4096xi32, #tpu.memory_space<hbm>>
      %dma_start3A_679 = arith.constant 65536 : i32
      %dma_start3A_680 = tpu.memref_slice %arg2[%dma_start3A_679] : memref<106496xi32, #tpu.memory_space<hbm>> -> memref<4096xi32, #tpu.memory_space<hbm>>
      tpu.enqueue_dma source(%dma_start3A_680 : memref<4096xi32, #tpu.memory_space<hbm>>) target(%arg6 : memref<4096xi32, #tpu.memory_space<vmem>>) target_semaphore(%run_scoped3A : memref<!tpu.dma_semaphore, #tpu.memory_space<semaphore_mem>>)
      %dma_wait3A_681 = arith.constant 65536 : i32
      %dma_wait3A_682 = tpu.memref_slice %arg2[%dma_wait3A_681] : memref<106496xi32, #tpu.memory_space<hbm>> -> memref<4096xi32, #tpu.memory_space<hbm>>
      %dma_wait3A_683 = arith.constant 65536 : i32
      %dma_wait3A_684 = tpu.memref_slice %arg2[%dma_wait3A_683] : memref<106496xi32, #tpu.memory_space<hbm>> -> memref<4096xi32, #tpu.memory_space<hbm>>
      tpu.wait_dma2 semaphore(%run_scoped3A : memref<!tpu.dma_semaphore, #tpu.memory_space<semaphore_mem>>) src(%dma_wait3A_684 : memref<4096xi32, #tpu.memory_space<hbm>>) dst(%arg6 : memref<4096xi32, #tpu.memory_space<vmem>>)
      tpu.yield
    }) : () -> ()
    %dma_wait3A_389 = arith.constant 0 : i32
    %dma_wait3A_390 = tpu.memref_slice %arg5[%add3A_382, %dma_wait3A_389] : memref<845x4096xf32, #tpu.memory_space<hbm>> -> memref<1x4096xf32, #tpu.memory_space<hbm>>
    %dma_wait3A_391 = tpu.memref_squeeze %dma_wait3A_390 : memref<1x4096xf32, #tpu.memory_space<hbm>> -> memref<4096xf32, #tpu.memory_space<hbm>>
    %dma_wait3A_392 = arith.constant 0 : i32
    %dma_wait3A_393 = tpu.memref_slice %arg5[%add3A_382, %dma_wait3A_392] : memref<845x4096xf32, #tpu.memory_space<hbm>> -> memref<1x4096xf32, #tpu.memory_space<hbm>>
    %dma_wait3A_394 = tpu.memref_squeeze %dma_wait3A_393 : memref<1x4096xf32, #tpu.memory_space<hbm>> -> memref<4096xf32, #tpu.memory_space<hbm>>
    tpu.wait_dma2 semaphore(%arg13 : memref<!tpu.dma_semaphore, #tpu.memory_space<semaphore_mem>>) src(%arg8 : memref<4096xf32, #tpu.memory_space<vmem>>) dst(%dma_wait3A_394 : memref<4096xf32, #tpu.memory_space<hbm>>)
    %dma_start3A_395 = arith.constant 16 : i32
    %dma_start3A_396 = arith.constant 0 : i32
    %dma_start3A_397 = tpu.memref_slice %arg4[%dma_start3A_395, %add3A, %dma_start3A_396] : memref<26x32x100096xf32, #tpu.memory_space<hbm>> -> memref<1x1x100096xf32, #tpu.memory_space<hbm>>
    %dma_start3A_398 = tpu.memref_squeeze %dma_start3A_397 : memref<1x1x100096xf32, #tpu.memory_space<hbm>> -> memref<100096xf32, #tpu.memory_space<hbm>>
    %dma_start3A_399 = arith.constant 0 : i32
    %dma_start3A_400 = tpu.memref_slice %dma_start3A_398[%dma_start3A_399] : memref<100096xf32, #tpu.memory_space<hbm>> -> memref<100096xf32, #tpu.memory_space<hbm>>
    tpu.enqueue_indirect_dma source(%dma_start3A_400 : memref<100096xf32, #tpu.memory_space<hbm>>) target(%arg8 : memref<4096xf32, #tpu.memory_space<vmem>>) offsets(%arg6 : memref<4096xi32, #tpu.memory_space<vmem>>) semaphore(%arg11 : memref<!tpu.dma_semaphore, #tpu.memory_space<semaphore_mem>>)
    %dma_wait3A_401 = arith.constant 15 : i32
    %dma_wait3A_402 = arith.constant 0 : i32
    %dma_wait3A_403 = tpu.memref_slice %arg4[%dma_wait3A_401, %add3A, %dma_wait3A_402] : memref<26x32x100096xf32, #tpu.memory_space<hbm>> -> memref<1x1x100096xf32, #tpu.memory_space<hbm>>
    %dma_wait3A_404 = tpu.memref_squeeze %dma_wait3A_403 : memref<1x1x100096xf32, #tpu.memory_space<hbm>> -> memref<100096xf32, #tpu.memory_space<hbm>>
    %dma_wait3A_405 = arith.constant 0 : i32
    %dma_wait3A_406 = tpu.memref_slice %dma_wait3A_404[%dma_wait3A_405] : memref<100096xf32, #tpu.memory_space<hbm>> -> memref<100096xf32, #tpu.memory_space<hbm>>
    tpu.wait_indirect_dma semaphore(%arg12 : memref<!tpu.dma_semaphore, #tpu.memory_space<semaphore_mem>>) src(%dma_wait3A_406 : memref<100096xf32, #tpu.memory_space<hbm>>) dst(%arg9 : memref<4096xf32, #tpu.memory_space<vmem>>)
    %add3A_407 = arith.constant 480 : i32
    %add3A_408 = arith.addi %add3A_407, %add3A : i32
    %dma_start3A_409 = arith.constant 0 : i32
    %dma_start3A_410 = tpu.memref_slice %arg5[%add3A_408, %dma_start3A_409] : memref<845x4096xf32, #tpu.memory_space<hbm>> -> memref<1x4096xf32, #tpu.memory_space<hbm>>
    %dma_start3A_411 = tpu.memref_squeeze %dma_start3A_410 : memref<1x4096xf32, #tpu.memory_space<hbm>> -> memref<4096xf32, #tpu.memory_space<hbm>>
    %dma_start3A_412 = arith.constant 0 : i32
    %dma_start3A_413 = tpu.memref_slice %arg5[%add3A_408, %dma_start3A_412] : memref<845x4096xf32, #tpu.memory_space<hbm>> -> memref<1x4096xf32, #tpu.memory_space<hbm>>
    %dma_start3A_414 = tpu.memref_squeeze %dma_start3A_413 : memref<1x4096xf32, #tpu.memory_space<hbm>> -> memref<4096xf32, #tpu.memory_space<hbm>>
    tpu.enqueue_dma source(%arg9 : memref<4096xf32, #tpu.memory_space<vmem>>) target(%dma_start3A_414 : memref<4096xf32, #tpu.memory_space<hbm>>) target_semaphore(%arg13 : memref<!tpu.dma_semaphore, #tpu.memory_space<semaphore_mem>>)
    "tpu.region"() ({
      %run_scoped3A = tpu.sem_alloc : memref<!tpu.dma_semaphore, #tpu.memory_space<semaphore_mem>>
      %dma_start3A_677 = arith.constant 69632 : i32
      %dma_start3A_678 = tpu.memref_slice %arg2[%dma_start3A_677] : memref<106496xi32, #tpu.memory_space<hbm>> -> memref<4096xi32, #tpu.memory_space<hbm>>
      %dma_start3A_679 = arith.constant 69632 : i32
      %dma_start3A_680 = tpu.memref_slice %arg2[%dma_start3A_679] : memref<106496xi32, #tpu.memory_space<hbm>> -> memref<4096xi32, #tpu.memory_space<hbm>>
      tpu.enqueue_dma source(%dma_start3A_680 : memref<4096xi32, #tpu.memory_space<hbm>>) target(%arg7 : memref<4096xi32, #tpu.memory_space<vmem>>) target_semaphore(%run_scoped3A : memref<!tpu.dma_semaphore, #tpu.memory_space<semaphore_mem>>)
      %dma_wait3A_681 = arith.constant 69632 : i32
      %dma_wait3A_682 = tpu.memref_slice %arg2[%dma_wait3A_681] : memref<106496xi32, #tpu.memory_space<hbm>> -> memref<4096xi32, #tpu.memory_space<hbm>>
      %dma_wait3A_683 = arith.constant 69632 : i32
      %dma_wait3A_684 = tpu.memref_slice %arg2[%dma_wait3A_683] : memref<106496xi32, #tpu.memory_space<hbm>> -> memref<4096xi32, #tpu.memory_space<hbm>>
      tpu.wait_dma2 semaphore(%run_scoped3A : memref<!tpu.dma_semaphore, #tpu.memory_space<semaphore_mem>>) src(%dma_wait3A_684 : memref<4096xi32, #tpu.memory_space<hbm>>) dst(%arg7 : memref<4096xi32, #tpu.memory_space<vmem>>)
      tpu.yield
    }) : () -> ()
    %dma_wait3A_415 = arith.constant 0 : i32
    %dma_wait3A_416 = tpu.memref_slice %arg5[%add3A_408, %dma_wait3A_415] : memref<845x4096xf32, #tpu.memory_space<hbm>> -> memref<1x4096xf32, #tpu.memory_space<hbm>>
    %dma_wait3A_417 = tpu.memref_squeeze %dma_wait3A_416 : memref<1x4096xf32, #tpu.memory_space<hbm>> -> memref<4096xf32, #tpu.memory_space<hbm>>
    %dma_wait3A_418 = arith.constant 0 : i32
    %dma_wait3A_419 = tpu.memref_slice %arg5[%add3A_408, %dma_wait3A_418] : memref<845x4096xf32, #tpu.memory_space<hbm>> -> memref<1x4096xf32, #tpu.memory_space<hbm>>
    %dma_wait3A_420 = tpu.memref_squeeze %dma_wait3A_419 : memref<1x4096xf32, #tpu.memory_space<hbm>> -> memref<4096xf32, #tpu.memory_space<hbm>>
    tpu.wait_dma2 semaphore(%arg13 : memref<!tpu.dma_semaphore, #tpu.memory_space<semaphore_mem>>) src(%arg9 : memref<4096xf32, #tpu.memory_space<vmem>>) dst(%dma_wait3A_420 : memref<4096xf32, #tpu.memory_space<hbm>>)
    %dma_start3A_421 = arith.constant 17 : i32
    %dma_start3A_422 = arith.constant 0 : i32
    %dma_start3A_423 = tpu.memref_slice %arg4[%dma_start3A_421, %add3A, %dma_start3A_422] : memref<26x32x100096xf32, #tpu.memory_space<hbm>> -> memref<1x1x100096xf32, #tpu.memory_space<hbm>>
    %dma_start3A_424 = tpu.memref_squeeze %dma_start3A_423 : memref<1x1x100096xf32, #tpu.memory_space<hbm>> -> memref<100096xf32, #tpu.memory_space<hbm>>
    %dma_start3A_425 = arith.constant 0 : i32
    %dma_start3A_426 = tpu.memref_slice %dma_start3A_424[%dma_start3A_425] : memref<100096xf32, #tpu.memory_space<hbm>> -> memref<100096xf32, #tpu.memory_space<hbm>>
    tpu.enqueue_indirect_dma source(%dma_start3A_426 : memref<100096xf32, #tpu.memory_space<hbm>>) target(%arg9 : memref<4096xf32, #tpu.memory_space<vmem>>) offsets(%arg7 : memref<4096xi32, #tpu.memory_space<vmem>>) semaphore(%arg12 : memref<!tpu.dma_semaphore, #tpu.memory_space<semaphore_mem>>)
    %dma_wait3A_427 = arith.constant 16 : i32
    %dma_wait3A_428 = arith.constant 0 : i32
    %dma_wait3A_429 = tpu.memref_slice %arg4[%dma_wait3A_427, %add3A, %dma_wait3A_428] : memref<26x32x100096xf32, #tpu.memory_space<hbm>> -> memref<1x1x100096xf32, #tpu.memory_space<hbm>>
    %dma_wait3A_430 = tpu.memref_squeeze %dma_wait3A_429 : memref<1x1x100096xf32, #tpu.memory_space<hbm>> -> memref<100096xf32, #tpu.memory_space<hbm>>
    %dma_wait3A_431 = arith.constant 0 : i32
    %dma_wait3A_432 = tpu.memref_slice %dma_wait3A_430[%dma_wait3A_431] : memref<100096xf32, #tpu.memory_space<hbm>> -> memref<100096xf32, #tpu.memory_space<hbm>>
    tpu.wait_indirect_dma semaphore(%arg11 : memref<!tpu.dma_semaphore, #tpu.memory_space<semaphore_mem>>) src(%dma_wait3A_432 : memref<100096xf32, #tpu.memory_space<hbm>>) dst(%arg8 : memref<4096xf32, #tpu.memory_space<vmem>>)
    %add3A_433 = arith.constant 512 : i32
    %add3A_434 = arith.addi %add3A_433, %add3A : i32
    %dma_start3A_435 = arith.constant 0 : i32
    %dma_start3A_436 = tpu.memref_slice %arg5[%add3A_434, %dma_start3A_435] : memref<845x4096xf32, #tpu.memory_space<hbm>> -> memref<1x4096xf32, #tpu.memory_space<hbm>>
    %dma_start3A_437 = tpu.memref_squeeze %dma_start3A_436 : memref<1x4096xf32, #tpu.memory_space<hbm>> -> memref<4096xf32, #tpu.memory_space<hbm>>
    %dma_start3A_438 = arith.constant 0 : i32
    %dma_start3A_439 = tpu.memref_slice %arg5[%add3A_434, %dma_start3A_438] : memref<845x4096xf32, #tpu.memory_space<hbm>> -> memref<1x4096xf32, #tpu.memory_space<hbm>>
    %dma_start3A_440 = tpu.memref_squeeze %dma_start3A_439 : memref<1x4096xf32, #tpu.memory_space<hbm>> -> memref<4096xf32, #tpu.memory_space<hbm>>
    tpu.enqueue_dma source(%arg8 : memref<4096xf32, #tpu.memory_space<vmem>>) target(%dma_start3A_440 : memref<4096xf32, #tpu.memory_space<hbm>>) target_semaphore(%arg13 : memref<!tpu.dma_semaphore, #tpu.memory_space<semaphore_mem>>)
    "tpu.region"() ({
      %run_scoped3A = tpu.sem_alloc : memref<!tpu.dma_semaphore, #tpu.memory_space<semaphore_mem>>
      %dma_start3A_677 = arith.constant 73728 : i32
      %dma_start3A_678 = tpu.memref_slice %arg2[%dma_start3A_677] : memref<106496xi32, #tpu.memory_space<hbm>> -> memref<4096xi32, #tpu.memory_space<hbm>>
      %dma_start3A_679 = arith.constant 73728 : i32
      %dma_start3A_680 = tpu.memref_slice %arg2[%dma_start3A_679] : memref<106496xi32, #tpu.memory_space<hbm>> -> memref<4096xi32, #tpu.memory_space<hbm>>
      tpu.enqueue_dma source(%dma_start3A_680 : memref<4096xi32, #tpu.memory_space<hbm>>) target(%arg6 : memref<4096xi32, #tpu.memory_space<vmem>>) target_semaphore(%run_scoped3A : memref<!tpu.dma_semaphore, #tpu.memory_space<semaphore_mem>>)
      %dma_wait3A_681 = arith.constant 73728 : i32
      %dma_wait3A_682 = tpu.memref_slice %arg2[%dma_wait3A_681] : memref<106496xi32, #tpu.memory_space<hbm>> -> memref<4096xi32, #tpu.memory_space<hbm>>
      %dma_wait3A_683 = arith.constant 73728 : i32
      %dma_wait3A_684 = tpu.memref_slice %arg2[%dma_wait3A_683] : memref<106496xi32, #tpu.memory_space<hbm>> -> memref<4096xi32, #tpu.memory_space<hbm>>
      tpu.wait_dma2 semaphore(%run_scoped3A : memref<!tpu.dma_semaphore, #tpu.memory_space<semaphore_mem>>) src(%dma_wait3A_684 : memref<4096xi32, #tpu.memory_space<hbm>>) dst(%arg6 : memref<4096xi32, #tpu.memory_space<vmem>>)
      tpu.yield
    }) : () -> ()
    %dma_wait3A_441 = arith.constant 0 : i32
    %dma_wait3A_442 = tpu.memref_slice %arg5[%add3A_434, %dma_wait3A_441] : memref<845x4096xf32, #tpu.memory_space<hbm>> -> memref<1x4096xf32, #tpu.memory_space<hbm>>
    %dma_wait3A_443 = tpu.memref_squeeze %dma_wait3A_442 : memref<1x4096xf32, #tpu.memory_space<hbm>> -> memref<4096xf32, #tpu.memory_space<hbm>>
    %dma_wait3A_444 = arith.constant 0 : i32
    %dma_wait3A_445 = tpu.memref_slice %arg5[%add3A_434, %dma_wait3A_444] : memref<845x4096xf32, #tpu.memory_space<hbm>> -> memref<1x4096xf32, #tpu.memory_space<hbm>>
    %dma_wait3A_446 = tpu.memref_squeeze %dma_wait3A_445 : memref<1x4096xf32, #tpu.memory_space<hbm>> -> memref<4096xf32, #tpu.memory_space<hbm>>
    tpu.wait_dma2 semaphore(%arg13 : memref<!tpu.dma_semaphore, #tpu.memory_space<semaphore_mem>>) src(%arg8 : memref<4096xf32, #tpu.memory_space<vmem>>) dst(%dma_wait3A_446 : memref<4096xf32, #tpu.memory_space<hbm>>)
    %dma_start3A_447 = arith.constant 18 : i32
    %dma_start3A_448 = arith.constant 0 : i32
    %dma_start3A_449 = tpu.memref_slice %arg4[%dma_start3A_447, %add3A, %dma_start3A_448] : memref<26x32x100096xf32, #tpu.memory_space<hbm>> -> memref<1x1x100096xf32, #tpu.memory_space<hbm>>
    %dma_start3A_450 = tpu.memref_squeeze %dma_start3A_449 : memref<1x1x100096xf32, #tpu.memory_space<hbm>> -> memref<100096xf32, #tpu.memory_space<hbm>>
    %dma_start3A_451 = arith.constant 0 : i32
    %dma_start3A_452 = tpu.memref_slice %dma_start3A_450[%dma_start3A_451] : memref<100096xf32, #tpu.memory_space<hbm>> -> memref<100096xf32, #tpu.memory_space<hbm>>
    tpu.enqueue_indirect_dma source(%dma_start3A_452 : memref<100096xf32, #tpu.memory_space<hbm>>) target(%arg8 : memref<4096xf32, #tpu.memory_space<vmem>>) offsets(%arg6 : memref<4096xi32, #tpu.memory_space<vmem>>) semaphore(%arg11 : memref<!tpu.dma_semaphore, #tpu.memory_space<semaphore_mem>>)
    %dma_wait3A_453 = arith.constant 17 : i32
    %dma_wait3A_454 = arith.constant 0 : i32
    %dma_wait3A_455 = tpu.memref_slice %arg4[%dma_wait3A_453, %add3A, %dma_wait3A_454] : memref<26x32x100096xf32, #tpu.memory_space<hbm>> -> memref<1x1x100096xf32, #tpu.memory_space<hbm>>
    %dma_wait3A_456 = tpu.memref_squeeze %dma_wait3A_455 : memref<1x1x100096xf32, #tpu.memory_space<hbm>> -> memref<100096xf32, #tpu.memory_space<hbm>>
    %dma_wait3A_457 = arith.constant 0 : i32
    %dma_wait3A_458 = tpu.memref_slice %dma_wait3A_456[%dma_wait3A_457] : memref<100096xf32, #tpu.memory_space<hbm>> -> memref<100096xf32, #tpu.memory_space<hbm>>
    tpu.wait_indirect_dma semaphore(%arg12 : memref<!tpu.dma_semaphore, #tpu.memory_space<semaphore_mem>>) src(%dma_wait3A_458 : memref<100096xf32, #tpu.memory_space<hbm>>) dst(%arg9 : memref<4096xf32, #tpu.memory_space<vmem>>)
    %add3A_459 = arith.constant 544 : i32
    %add3A_460 = arith.addi %add3A_459, %add3A : i32
    %dma_start3A_461 = arith.constant 0 : i32
    %dma_start3A_462 = tpu.memref_slice %arg5[%add3A_460, %dma_start3A_461] : memref<845x4096xf32, #tpu.memory_space<hbm>> -> memref<1x4096xf32, #tpu.memory_space<hbm>>
    %dma_start3A_463 = tpu.memref_squeeze %dma_start3A_462 : memref<1x4096xf32, #tpu.memory_space<hbm>> -> memref<4096xf32, #tpu.memory_space<hbm>>
    %dma_start3A_464 = arith.constant 0 : i32
    %dma_start3A_465 = tpu.memref_slice %arg5[%add3A_460, %dma_start3A_464] : memref<845x4096xf32, #tpu.memory_space<hbm>> -> memref<1x4096xf32, #tpu.memory_space<hbm>>
    %dma_start3A_466 = tpu.memref_squeeze %dma_start3A_465 : memref<1x4096xf32, #tpu.memory_space<hbm>> -> memref<4096xf32, #tpu.memory_space<hbm>>
    tpu.enqueue_dma source(%arg9 : memref<4096xf32, #tpu.memory_space<vmem>>) target(%dma_start3A_466 : memref<4096xf32, #tpu.memory_space<hbm>>) target_semaphore(%arg13 : memref<!tpu.dma_semaphore, #tpu.memory_space<semaphore_mem>>)
    "tpu.region"() ({
      %run_scoped3A = tpu.sem_alloc : memref<!tpu.dma_semaphore, #tpu.memory_space<semaphore_mem>>
      %dma_start3A_677 = arith.constant 77824 : i32
      %dma_start3A_678 = tpu.memref_slice %arg2[%dma_start3A_677] : memref<106496xi32, #tpu.memory_space<hbm>> -> memref<4096xi32, #tpu.memory_space<hbm>>
      %dma_start3A_679 = arith.constant 77824 : i32
      %dma_start3A_680 = tpu.memref_slice %arg2[%dma_start3A_679] : memref<106496xi32, #tpu.memory_space<hbm>> -> memref<4096xi32, #tpu.memory_space<hbm>>
      tpu.enqueue_dma source(%dma_start3A_680 : memref<4096xi32, #tpu.memory_space<hbm>>) target(%arg7 : memref<4096xi32, #tpu.memory_space<vmem>>) target_semaphore(%run_scoped3A : memref<!tpu.dma_semaphore, #tpu.memory_space<semaphore_mem>>)
      %dma_wait3A_681 = arith.constant 77824 : i32
      %dma_wait3A_682 = tpu.memref_slice %arg2[%dma_wait3A_681] : memref<106496xi32, #tpu.memory_space<hbm>> -> memref<4096xi32, #tpu.memory_space<hbm>>
      %dma_wait3A_683 = arith.constant 77824 : i32
      %dma_wait3A_684 = tpu.memref_slice %arg2[%dma_wait3A_683] : memref<106496xi32, #tpu.memory_space<hbm>> -> memref<4096xi32, #tpu.memory_space<hbm>>
      tpu.wait_dma2 semaphore(%run_scoped3A : memref<!tpu.dma_semaphore, #tpu.memory_space<semaphore_mem>>) src(%dma_wait3A_684 : memref<4096xi32, #tpu.memory_space<hbm>>) dst(%arg7 : memref<4096xi32, #tpu.memory_space<vmem>>)
      tpu.yield
    }) : () -> ()
    %dma_wait3A_467 = arith.constant 0 : i32
    %dma_wait3A_468 = tpu.memref_slice %arg5[%add3A_460, %dma_wait3A_467] : memref<845x4096xf32, #tpu.memory_space<hbm>> -> memref<1x4096xf32, #tpu.memory_space<hbm>>
    %dma_wait3A_469 = tpu.memref_squeeze %dma_wait3A_468 : memref<1x4096xf32, #tpu.memory_space<hbm>> -> memref<4096xf32, #tpu.memory_space<hbm>>
    %dma_wait3A_470 = arith.constant 0 : i32
    %dma_wait3A_471 = tpu.memref_slice %arg5[%add3A_460, %dma_wait3A_470] : memref<845x4096xf32, #tpu.memory_space<hbm>> -> memref<1x4096xf32, #tpu.memory_space<hbm>>
    %dma_wait3A_472 = tpu.memref_squeeze %dma_wait3A_471 : memref<1x4096xf32, #tpu.memory_space<hbm>> -> memref<4096xf32, #tpu.memory_space<hbm>>
    tpu.wait_dma2 semaphore(%arg13 : memref<!tpu.dma_semaphore, #tpu.memory_space<semaphore_mem>>) src(%arg9 : memref<4096xf32, #tpu.memory_space<vmem>>) dst(%dma_wait3A_472 : memref<4096xf32, #tpu.memory_space<hbm>>)
    %dma_start3A_473 = arith.constant 19 : i32
    %dma_start3A_474 = arith.constant 0 : i32
    %dma_start3A_475 = tpu.memref_slice %arg4[%dma_start3A_473, %add3A, %dma_start3A_474] : memref<26x32x100096xf32, #tpu.memory_space<hbm>> -> memref<1x1x100096xf32, #tpu.memory_space<hbm>>
    %dma_start3A_476 = tpu.memref_squeeze %dma_start3A_475 : memref<1x1x100096xf32, #tpu.memory_space<hbm>> -> memref<100096xf32, #tpu.memory_space<hbm>>
    %dma_start3A_477 = arith.constant 0 : i32
    %dma_start3A_478 = tpu.memref_slice %dma_start3A_476[%dma_start3A_477] : memref<100096xf32, #tpu.memory_space<hbm>> -> memref<100096xf32, #tpu.memory_space<hbm>>
    tpu.enqueue_indirect_dma source(%dma_start3A_478 : memref<100096xf32, #tpu.memory_space<hbm>>) target(%arg9 : memref<4096xf32, #tpu.memory_space<vmem>>) offsets(%arg7 : memref<4096xi32, #tpu.memory_space<vmem>>) semaphore(%arg12 : memref<!tpu.dma_semaphore, #tpu.memory_space<semaphore_mem>>)
    %dma_wait3A_479 = arith.constant 18 : i32
    %dma_wait3A_480 = arith.constant 0 : i32
    %dma_wait3A_481 = tpu.memref_slice %arg4[%dma_wait3A_479, %add3A, %dma_wait3A_480] : memref<26x32x100096xf32, #tpu.memory_space<hbm>> -> memref<1x1x100096xf32, #tpu.memory_space<hbm>>
    %dma_wait3A_482 = tpu.memref_squeeze %dma_wait3A_481 : memref<1x1x100096xf32, #tpu.memory_space<hbm>> -> memref<100096xf32, #tpu.memory_space<hbm>>
    %dma_wait3A_483 = arith.constant 0 : i32
    %dma_wait3A_484 = tpu.memref_slice %dma_wait3A_482[%dma_wait3A_483] : memref<100096xf32, #tpu.memory_space<hbm>> -> memref<100096xf32, #tpu.memory_space<hbm>>
    tpu.wait_indirect_dma semaphore(%arg11 : memref<!tpu.dma_semaphore, #tpu.memory_space<semaphore_mem>>) src(%dma_wait3A_484 : memref<100096xf32, #tpu.memory_space<hbm>>) dst(%arg8 : memref<4096xf32, #tpu.memory_space<vmem>>)
    %add3A_485 = arith.constant 576 : i32
    %add3A_486 = arith.addi %add3A_485, %add3A : i32
    %dma_start3A_487 = arith.constant 0 : i32
    %dma_start3A_488 = tpu.memref_slice %arg5[%add3A_486, %dma_start3A_487] : memref<845x4096xf32, #tpu.memory_space<hbm>> -> memref<1x4096xf32, #tpu.memory_space<hbm>>
    %dma_start3A_489 = tpu.memref_squeeze %dma_start3A_488 : memref<1x4096xf32, #tpu.memory_space<hbm>> -> memref<4096xf32, #tpu.memory_space<hbm>>
    %dma_start3A_490 = arith.constant 0 : i32
    %dma_start3A_491 = tpu.memref_slice %arg5[%add3A_486, %dma_start3A_490] : memref<845x4096xf32, #tpu.memory_space<hbm>> -> memref<1x4096xf32, #tpu.memory_space<hbm>>
    %dma_start3A_492 = tpu.memref_squeeze %dma_start3A_491 : memref<1x4096xf32, #tpu.memory_space<hbm>> -> memref<4096xf32, #tpu.memory_space<hbm>>
    tpu.enqueue_dma source(%arg8 : memref<4096xf32, #tpu.memory_space<vmem>>) target(%dma_start3A_492 : memref<4096xf32, #tpu.memory_space<hbm>>) target_semaphore(%arg13 : memref<!tpu.dma_semaphore, #tpu.memory_space<semaphore_mem>>)
    "tpu.region"() ({
      %run_scoped3A = tpu.sem_alloc : memref<!tpu.dma_semaphore, #tpu.memory_space<semaphore_mem>>
      %dma_start3A_677 = arith.constant 81920 : i32
      %dma_start3A_678 = tpu.memref_slice %arg2[%dma_start3A_677] : memref<106496xi32, #tpu.memory_space<hbm>> -> memref<4096xi32, #tpu.memory_space<hbm>>
      %dma_start3A_679 = arith.constant 81920 : i32
      %dma_start3A_680 = tpu.memref_slice %arg2[%dma_start3A_679] : memref<106496xi32, #tpu.memory_space<hbm>> -> memref<4096xi32, #tpu.memory_space<hbm>>
      tpu.enqueue_dma source(%dma_start3A_680 : memref<4096xi32, #tpu.memory_space<hbm>>) target(%arg6 : memref<4096xi32, #tpu.memory_space<vmem>>) target_semaphore(%run_scoped3A : memref<!tpu.dma_semaphore, #tpu.memory_space<semaphore_mem>>)
      %dma_wait3A_681 = arith.constant 81920 : i32
      %dma_wait3A_682 = tpu.memref_slice %arg2[%dma_wait3A_681] : memref<106496xi32, #tpu.memory_space<hbm>> -> memref<4096xi32, #tpu.memory_space<hbm>>
      %dma_wait3A_683 = arith.constant 81920 : i32
      %dma_wait3A_684 = tpu.memref_slice %arg2[%dma_wait3A_683] : memref<106496xi32, #tpu.memory_space<hbm>> -> memref<4096xi32, #tpu.memory_space<hbm>>
      tpu.wait_dma2 semaphore(%run_scoped3A : memref<!tpu.dma_semaphore, #tpu.memory_space<semaphore_mem>>) src(%dma_wait3A_684 : memref<4096xi32, #tpu.memory_space<hbm>>) dst(%arg6 : memref<4096xi32, #tpu.memory_space<vmem>>)
      tpu.yield
    }) : () -> ()
    %dma_wait3A_493 = arith.constant 0 : i32
    %dma_wait3A_494 = tpu.memref_slice %arg5[%add3A_486, %dma_wait3A_493] : memref<845x4096xf32, #tpu.memory_space<hbm>> -> memref<1x4096xf32, #tpu.memory_space<hbm>>
    %dma_wait3A_495 = tpu.memref_squeeze %dma_wait3A_494 : memref<1x4096xf32, #tpu.memory_space<hbm>> -> memref<4096xf32, #tpu.memory_space<hbm>>
    %dma_wait3A_496 = arith.constant 0 : i32
    %dma_wait3A_497 = tpu.memref_slice %arg5[%add3A_486, %dma_wait3A_496] : memref<845x4096xf32, #tpu.memory_space<hbm>> -> memref<1x4096xf32, #tpu.memory_space<hbm>>
    %dma_wait3A_498 = tpu.memref_squeeze %dma_wait3A_497 : memref<1x4096xf32, #tpu.memory_space<hbm>> -> memref<4096xf32, #tpu.memory_space<hbm>>
    tpu.wait_dma2 semaphore(%arg13 : memref<!tpu.dma_semaphore, #tpu.memory_space<semaphore_mem>>) src(%arg8 : memref<4096xf32, #tpu.memory_space<vmem>>) dst(%dma_wait3A_498 : memref<4096xf32, #tpu.memory_space<hbm>>)
    %dma_start3A_499 = arith.constant 20 : i32
    %dma_start3A_500 = arith.constant 0 : i32
    %dma_start3A_501 = tpu.memref_slice %arg4[%dma_start3A_499, %add3A, %dma_start3A_500] : memref<26x32x100096xf32, #tpu.memory_space<hbm>> -> memref<1x1x100096xf32, #tpu.memory_space<hbm>>
    %dma_start3A_502 = tpu.memref_squeeze %dma_start3A_501 : memref<1x1x100096xf32, #tpu.memory_space<hbm>> -> memref<100096xf32, #tpu.memory_space<hbm>>
    %dma_start3A_503 = arith.constant 0 : i32
    %dma_start3A_504 = tpu.memref_slice %dma_start3A_502[%dma_start3A_503] : memref<100096xf32, #tpu.memory_space<hbm>> -> memref<100096xf32, #tpu.memory_space<hbm>>
    tpu.enqueue_indirect_dma source(%dma_start3A_504 : memref<100096xf32, #tpu.memory_space<hbm>>) target(%arg8 : memref<4096xf32, #tpu.memory_space<vmem>>) offsets(%arg6 : memref<4096xi32, #tpu.memory_space<vmem>>) semaphore(%arg11 : memref<!tpu.dma_semaphore, #tpu.memory_space<semaphore_mem>>)
    %dma_wait3A_505 = arith.constant 19 : i32
    %dma_wait3A_506 = arith.constant 0 : i32
    %dma_wait3A_507 = tpu.memref_slice %arg4[%dma_wait3A_505, %add3A, %dma_wait3A_506] : memref<26x32x100096xf32, #tpu.memory_space<hbm>> -> memref<1x1x100096xf32, #tpu.memory_space<hbm>>
    %dma_wait3A_508 = tpu.memref_squeeze %dma_wait3A_507 : memref<1x1x100096xf32, #tpu.memory_space<hbm>> -> memref<100096xf32, #tpu.memory_space<hbm>>
    %dma_wait3A_509 = arith.constant 0 : i32
    %dma_wait3A_510 = tpu.memref_slice %dma_wait3A_508[%dma_wait3A_509] : memref<100096xf32, #tpu.memory_space<hbm>> -> memref<100096xf32, #tpu.memory_space<hbm>>
    tpu.wait_indirect_dma semaphore(%arg12 : memref<!tpu.dma_semaphore, #tpu.memory_space<semaphore_mem>>) src(%dma_wait3A_510 : memref<100096xf32, #tpu.memory_space<hbm>>) dst(%arg9 : memref<4096xf32, #tpu.memory_space<vmem>>)
    %add3A_511 = arith.constant 608 : i32
    %add3A_512 = arith.addi %add3A_511, %add3A : i32
    %dma_start3A_513 = arith.constant 0 : i32
    %dma_start3A_514 = tpu.memref_slice %arg5[%add3A_512, %dma_start3A_513] : memref<845x4096xf32, #tpu.memory_space<hbm>> -> memref<1x4096xf32, #tpu.memory_space<hbm>>
    %dma_start3A_515 = tpu.memref_squeeze %dma_start3A_514 : memref<1x4096xf32, #tpu.memory_space<hbm>> -> memref<4096xf32, #tpu.memory_space<hbm>>
    %dma_start3A_516 = arith.constant 0 : i32
    %dma_start3A_517 = tpu.memref_slice %arg5[%add3A_512, %dma_start3A_516] : memref<845x4096xf32, #tpu.memory_space<hbm>> -> memref<1x4096xf32, #tpu.memory_space<hbm>>
    %dma_start3A_518 = tpu.memref_squeeze %dma_start3A_517 : memref<1x4096xf32, #tpu.memory_space<hbm>> -> memref<4096xf32, #tpu.memory_space<hbm>>
    tpu.enqueue_dma source(%arg9 : memref<4096xf32, #tpu.memory_space<vmem>>) target(%dma_start3A_518 : memref<4096xf32, #tpu.memory_space<hbm>>) target_semaphore(%arg13 : memref<!tpu.dma_semaphore, #tpu.memory_space<semaphore_mem>>)
    "tpu.region"() ({
      %run_scoped3A = tpu.sem_alloc : memref<!tpu.dma_semaphore, #tpu.memory_space<semaphore_mem>>
      %dma_start3A_677 = arith.constant 86016 : i32
      %dma_start3A_678 = tpu.memref_slice %arg2[%dma_start3A_677] : memref<106496xi32, #tpu.memory_space<hbm>> -> memref<4096xi32, #tpu.memory_space<hbm>>
      %dma_start3A_679 = arith.constant 86016 : i32
      %dma_start3A_680 = tpu.memref_slice %arg2[%dma_start3A_679] : memref<106496xi32, #tpu.memory_space<hbm>> -> memref<4096xi32, #tpu.memory_space<hbm>>
      tpu.enqueue_dma source(%dma_start3A_680 : memref<4096xi32, #tpu.memory_space<hbm>>) target(%arg7 : memref<4096xi32, #tpu.memory_space<vmem>>) target_semaphore(%run_scoped3A : memref<!tpu.dma_semaphore, #tpu.memory_space<semaphore_mem>>)
      %dma_wait3A_681 = arith.constant 86016 : i32
      %dma_wait3A_682 = tpu.memref_slice %arg2[%dma_wait3A_681] : memref<106496xi32, #tpu.memory_space<hbm>> -> memref<4096xi32, #tpu.memory_space<hbm>>
      %dma_wait3A_683 = arith.constant 86016 : i32
      %dma_wait3A_684 = tpu.memref_slice %arg2[%dma_wait3A_683] : memref<106496xi32, #tpu.memory_space<hbm>> -> memref<4096xi32, #tpu.memory_space<hbm>>
      tpu.wait_dma2 semaphore(%run_scoped3A : memref<!tpu.dma_semaphore, #tpu.memory_space<semaphore_mem>>) src(%dma_wait3A_684 : memref<4096xi32, #tpu.memory_space<hbm>>) dst(%arg7 : memref<4096xi32, #tpu.memory_space<vmem>>)
      tpu.yield
    }) : () -> ()
    %dma_wait3A_519 = arith.constant 0 : i32
    %dma_wait3A_520 = tpu.memref_slice %arg5[%add3A_512, %dma_wait3A_519] : memref<845x4096xf32, #tpu.memory_space<hbm>> -> memref<1x4096xf32, #tpu.memory_space<hbm>>
    %dma_wait3A_521 = tpu.memref_squeeze %dma_wait3A_520 : memref<1x4096xf32, #tpu.memory_space<hbm>> -> memref<4096xf32, #tpu.memory_space<hbm>>
    %dma_wait3A_522 = arith.constant 0 : i32
    %dma_wait3A_523 = tpu.memref_slice %arg5[%add3A_512, %dma_wait3A_522] : memref<845x4096xf32, #tpu.memory_space<hbm>> -> memref<1x4096xf32, #tpu.memory_space<hbm>>
    %dma_wait3A_524 = tpu.memref_squeeze %dma_wait3A_523 : memref<1x4096xf32, #tpu.memory_space<hbm>> -> memref<4096xf32, #tpu.memory_space<hbm>>
    tpu.wait_dma2 semaphore(%arg13 : memref<!tpu.dma_semaphore, #tpu.memory_space<semaphore_mem>>) src(%arg9 : memref<4096xf32, #tpu.memory_space<vmem>>) dst(%dma_wait3A_524 : memref<4096xf32, #tpu.memory_space<hbm>>)
    %dma_start3A_525 = arith.constant 21 : i32
    %dma_start3A_526 = arith.constant 0 : i32
    %dma_start3A_527 = tpu.memref_slice %arg4[%dma_start3A_525, %add3A, %dma_start3A_526] : memref<26x32x100096xf32, #tpu.memory_space<hbm>> -> memref<1x1x100096xf32, #tpu.memory_space<hbm>>
    %dma_start3A_528 = tpu.memref_squeeze %dma_start3A_527 : memref<1x1x100096xf32, #tpu.memory_space<hbm>> -> memref<100096xf32, #tpu.memory_space<hbm>>
    %dma_start3A_529 = arith.constant 0 : i32
    %dma_start3A_530 = tpu.memref_slice %dma_start3A_528[%dma_start3A_529] : memref<100096xf32, #tpu.memory_space<hbm>> -> memref<100096xf32, #tpu.memory_space<hbm>>
    tpu.enqueue_indirect_dma source(%dma_start3A_530 : memref<100096xf32, #tpu.memory_space<hbm>>) target(%arg9 : memref<4096xf32, #tpu.memory_space<vmem>>) offsets(%arg7 : memref<4096xi32, #tpu.memory_space<vmem>>) semaphore(%arg12 : memref<!tpu.dma_semaphore, #tpu.memory_space<semaphore_mem>>)
    %dma_wait3A_531 = arith.constant 20 : i32
    %dma_wait3A_532 = arith.constant 0 : i32
    %dma_wait3A_533 = tpu.memref_slice %arg4[%dma_wait3A_531, %add3A, %dma_wait3A_532] : memref<26x32x100096xf32, #tpu.memory_space<hbm>> -> memref<1x1x100096xf32, #tpu.memory_space<hbm>>
    %dma_wait3A_534 = tpu.memref_squeeze %dma_wait3A_533 : memref<1x1x100096xf32, #tpu.memory_space<hbm>> -> memref<100096xf32, #tpu.memory_space<hbm>>
    %dma_wait3A_535 = arith.constant 0 : i32
    %dma_wait3A_536 = tpu.memref_slice %dma_wait3A_534[%dma_wait3A_535] : memref<100096xf32, #tpu.memory_space<hbm>> -> memref<100096xf32, #tpu.memory_space<hbm>>
    tpu.wait_indirect_dma semaphore(%arg11 : memref<!tpu.dma_semaphore, #tpu.memory_space<semaphore_mem>>) src(%dma_wait3A_536 : memref<100096xf32, #tpu.memory_space<hbm>>) dst(%arg8 : memref<4096xf32, #tpu.memory_space<vmem>>)
    %add3A_537 = arith.constant 640 : i32
    %add3A_538 = arith.addi %add3A_537, %add3A : i32
    %dma_start3A_539 = arith.constant 0 : i32
    %dma_start3A_540 = tpu.memref_slice %arg5[%add3A_538, %dma_start3A_539] : memref<845x4096xf32, #tpu.memory_space<hbm>> -> memref<1x4096xf32, #tpu.memory_space<hbm>>
    %dma_start3A_541 = tpu.memref_squeeze %dma_start3A_540 : memref<1x4096xf32, #tpu.memory_space<hbm>> -> memref<4096xf32, #tpu.memory_space<hbm>>
    %dma_start3A_542 = arith.constant 0 : i32
    %dma_start3A_543 = tpu.memref_slice %arg5[%add3A_538, %dma_start3A_542] : memref<845x4096xf32, #tpu.memory_space<hbm>> -> memref<1x4096xf32, #tpu.memory_space<hbm>>
    %dma_start3A_544 = tpu.memref_squeeze %dma_start3A_543 : memref<1x4096xf32, #tpu.memory_space<hbm>> -> memref<4096xf32, #tpu.memory_space<hbm>>
    tpu.enqueue_dma source(%arg8 : memref<4096xf32, #tpu.memory_space<vmem>>) target(%dma_start3A_544 : memref<4096xf32, #tpu.memory_space<hbm>>) target_semaphore(%arg13 : memref<!tpu.dma_semaphore, #tpu.memory_space<semaphore_mem>>)
    "tpu.region"() ({
      %run_scoped3A = tpu.sem_alloc : memref<!tpu.dma_semaphore, #tpu.memory_space<semaphore_mem>>
      %dma_start3A_677 = arith.constant 90112 : i32
      %dma_start3A_678 = tpu.memref_slice %arg2[%dma_start3A_677] : memref<106496xi32, #tpu.memory_space<hbm>> -> memref<4096xi32, #tpu.memory_space<hbm>>
      %dma_start3A_679 = arith.constant 90112 : i32
      %dma_start3A_680 = tpu.memref_slice %arg2[%dma_start3A_679] : memref<106496xi32, #tpu.memory_space<hbm>> -> memref<4096xi32, #tpu.memory_space<hbm>>
      tpu.enqueue_dma source(%dma_start3A_680 : memref<4096xi32, #tpu.memory_space<hbm>>) target(%arg6 : memref<4096xi32, #tpu.memory_space<vmem>>) target_semaphore(%run_scoped3A : memref<!tpu.dma_semaphore, #tpu.memory_space<semaphore_mem>>)
      %dma_wait3A_681 = arith.constant 90112 : i32
      %dma_wait3A_682 = tpu.memref_slice %arg2[%dma_wait3A_681] : memref<106496xi32, #tpu.memory_space<hbm>> -> memref<4096xi32, #tpu.memory_space<hbm>>
      %dma_wait3A_683 = arith.constant 90112 : i32
      %dma_wait3A_684 = tpu.memref_slice %arg2[%dma_wait3A_683] : memref<106496xi32, #tpu.memory_space<hbm>> -> memref<4096xi32, #tpu.memory_space<hbm>>
      tpu.wait_dma2 semaphore(%run_scoped3A : memref<!tpu.dma_semaphore, #tpu.memory_space<semaphore_mem>>) src(%dma_wait3A_684 : memref<4096xi32, #tpu.memory_space<hbm>>) dst(%arg6 : memref<4096xi32, #tpu.memory_space<vmem>>)
      tpu.yield
    }) : () -> ()
    %dma_wait3A_545 = arith.constant 0 : i32
    %dma_wait3A_546 = tpu.memref_slice %arg5[%add3A_538, %dma_wait3A_545] : memref<845x4096xf32, #tpu.memory_space<hbm>> -> memref<1x4096xf32, #tpu.memory_space<hbm>>
    %dma_wait3A_547 = tpu.memref_squeeze %dma_wait3A_546 : memref<1x4096xf32, #tpu.memory_space<hbm>> -> memref<4096xf32, #tpu.memory_space<hbm>>
    %dma_wait3A_548 = arith.constant 0 : i32
    %dma_wait3A_549 = tpu.memref_slice %arg5[%add3A_538, %dma_wait3A_548] : memref<845x4096xf32, #tpu.memory_space<hbm>> -> memref<1x4096xf32, #tpu.memory_space<hbm>>
    %dma_wait3A_550 = tpu.memref_squeeze %dma_wait3A_549 : memref<1x4096xf32, #tpu.memory_space<hbm>> -> memref<4096xf32, #tpu.memory_space<hbm>>
    tpu.wait_dma2 semaphore(%arg13 : memref<!tpu.dma_semaphore, #tpu.memory_space<semaphore_mem>>) src(%arg8 : memref<4096xf32, #tpu.memory_space<vmem>>) dst(%dma_wait3A_550 : memref<4096xf32, #tpu.memory_space<hbm>>)
    %dma_start3A_551 = arith.constant 22 : i32
    %dma_start3A_552 = arith.constant 0 : i32
    %dma_start3A_553 = tpu.memref_slice %arg4[%dma_start3A_551, %add3A, %dma_start3A_552] : memref<26x32x100096xf32, #tpu.memory_space<hbm>> -> memref<1x1x100096xf32, #tpu.memory_space<hbm>>
    %dma_start3A_554 = tpu.memref_squeeze %dma_start3A_553 : memref<1x1x100096xf32, #tpu.memory_space<hbm>> -> memref<100096xf32, #tpu.memory_space<hbm>>
    %dma_start3A_555 = arith.constant 0 : i32
    %dma_start3A_556 = tpu.memref_slice %dma_start3A_554[%dma_start3A_555] : memref<100096xf32, #tpu.memory_space<hbm>> -> memref<100096xf32, #tpu.memory_space<hbm>>
    tpu.enqueue_indirect_dma source(%dma_start3A_556 : memref<100096xf32, #tpu.memory_space<hbm>>) target(%arg8 : memref<4096xf32, #tpu.memory_space<vmem>>) offsets(%arg6 : memref<4096xi32, #tpu.memory_space<vmem>>) semaphore(%arg11 : memref<!tpu.dma_semaphore, #tpu.memory_space<semaphore_mem>>)
    %dma_wait3A_557 = arith.constant 21 : i32
    %dma_wait3A_558 = arith.constant 0 : i32
    %dma_wait3A_559 = tpu.memref_slice %arg4[%dma_wait3A_557, %add3A, %dma_wait3A_558] : memref<26x32x100096xf32, #tpu.memory_space<hbm>> -> memref<1x1x100096xf32, #tpu.memory_space<hbm>>
    %dma_wait3A_560 = tpu.memref_squeeze %dma_wait3A_559 : memref<1x1x100096xf32, #tpu.memory_space<hbm>> -> memref<100096xf32, #tpu.memory_space<hbm>>
    %dma_wait3A_561 = arith.constant 0 : i32
    %dma_wait3A_562 = tpu.memref_slice %dma_wait3A_560[%dma_wait3A_561] : memref<100096xf32, #tpu.memory_space<hbm>> -> memref<100096xf32, #tpu.memory_space<hbm>>
    tpu.wait_indirect_dma semaphore(%arg12 : memref<!tpu.dma_semaphore, #tpu.memory_space<semaphore_mem>>) src(%dma_wait3A_562 : memref<100096xf32, #tpu.memory_space<hbm>>) dst(%arg9 : memref<4096xf32, #tpu.memory_space<vmem>>)
    %add3A_563 = arith.constant 672 : i32
    %add3A_564 = arith.addi %add3A_563, %add3A : i32
    %dma_start3A_565 = arith.constant 0 : i32
    %dma_start3A_566 = tpu.memref_slice %arg5[%add3A_564, %dma_start3A_565] : memref<845x4096xf32, #tpu.memory_space<hbm>> -> memref<1x4096xf32, #tpu.memory_space<hbm>>
    %dma_start3A_567 = tpu.memref_squeeze %dma_start3A_566 : memref<1x4096xf32, #tpu.memory_space<hbm>> -> memref<4096xf32, #tpu.memory_space<hbm>>
    %dma_start3A_568 = arith.constant 0 : i32
    %dma_start3A_569 = tpu.memref_slice %arg5[%add3A_564, %dma_start3A_568] : memref<845x4096xf32, #tpu.memory_space<hbm>> -> memref<1x4096xf32, #tpu.memory_space<hbm>>
    %dma_start3A_570 = tpu.memref_squeeze %dma_start3A_569 : memref<1x4096xf32, #tpu.memory_space<hbm>> -> memref<4096xf32, #tpu.memory_space<hbm>>
    tpu.enqueue_dma source(%arg9 : memref<4096xf32, #tpu.memory_space<vmem>>) target(%dma_start3A_570 : memref<4096xf32, #tpu.memory_space<hbm>>) target_semaphore(%arg13 : memref<!tpu.dma_semaphore, #tpu.memory_space<semaphore_mem>>)
    "tpu.region"() ({
      %run_scoped3A = tpu.sem_alloc : memref<!tpu.dma_semaphore, #tpu.memory_space<semaphore_mem>>
      %dma_start3A_677 = arith.constant 94208 : i32
      %dma_start3A_678 = tpu.memref_slice %arg2[%dma_start3A_677] : memref<106496xi32, #tpu.memory_space<hbm>> -> memref<4096xi32, #tpu.memory_space<hbm>>
      %dma_start3A_679 = arith.constant 94208 : i32
      %dma_start3A_680 = tpu.memref_slice %arg2[%dma_start3A_679] : memref<106496xi32, #tpu.memory_space<hbm>> -> memref<4096xi32, #tpu.memory_space<hbm>>
      tpu.enqueue_dma source(%dma_start3A_680 : memref<4096xi32, #tpu.memory_space<hbm>>) target(%arg7 : memref<4096xi32, #tpu.memory_space<vmem>>) target_semaphore(%run_scoped3A : memref<!tpu.dma_semaphore, #tpu.memory_space<semaphore_mem>>)
      %dma_wait3A_681 = arith.constant 94208 : i32
      %dma_wait3A_682 = tpu.memref_slice %arg2[%dma_wait3A_681] : memref<106496xi32, #tpu.memory_space<hbm>> -> memref<4096xi32, #tpu.memory_space<hbm>>
      %dma_wait3A_683 = arith.constant 94208 : i32
      %dma_wait3A_684 = tpu.memref_slice %arg2[%dma_wait3A_683] : memref<106496xi32, #tpu.memory_space<hbm>> -> memref<4096xi32, #tpu.memory_space<hbm>>
      tpu.wait_dma2 semaphore(%run_scoped3A : memref<!tpu.dma_semaphore, #tpu.memory_space<semaphore_mem>>) src(%dma_wait3A_684 : memref<4096xi32, #tpu.memory_space<hbm>>) dst(%arg7 : memref<4096xi32, #tpu.memory_space<vmem>>)
      tpu.yield
    }) : () -> ()
    %dma_wait3A_571 = arith.constant 0 : i32
    %dma_wait3A_572 = tpu.memref_slice %arg5[%add3A_564, %dma_wait3A_571] : memref<845x4096xf32, #tpu.memory_space<hbm>> -> memref<1x4096xf32, #tpu.memory_space<hbm>>
    %dma_wait3A_573 = tpu.memref_squeeze %dma_wait3A_572 : memref<1x4096xf32, #tpu.memory_space<hbm>> -> memref<4096xf32, #tpu.memory_space<hbm>>
    %dma_wait3A_574 = arith.constant 0 : i32
    %dma_wait3A_575 = tpu.memref_slice %arg5[%add3A_564, %dma_wait3A_574] : memref<845x4096xf32, #tpu.memory_space<hbm>> -> memref<1x4096xf32, #tpu.memory_space<hbm>>
    %dma_wait3A_576 = tpu.memref_squeeze %dma_wait3A_575 : memref<1x4096xf32, #tpu.memory_space<hbm>> -> memref<4096xf32, #tpu.memory_space<hbm>>
    tpu.wait_dma2 semaphore(%arg13 : memref<!tpu.dma_semaphore, #tpu.memory_space<semaphore_mem>>) src(%arg9 : memref<4096xf32, #tpu.memory_space<vmem>>) dst(%dma_wait3A_576 : memref<4096xf32, #tpu.memory_space<hbm>>)
    %dma_start3A_577 = arith.constant 23 : i32
    %dma_start3A_578 = arith.constant 0 : i32
    %dma_start3A_579 = tpu.memref_slice %arg4[%dma_start3A_577, %add3A, %dma_start3A_578] : memref<26x32x100096xf32, #tpu.memory_space<hbm>> -> memref<1x1x100096xf32, #tpu.memory_space<hbm>>
    %dma_start3A_580 = tpu.memref_squeeze %dma_start3A_579 : memref<1x1x100096xf32, #tpu.memory_space<hbm>> -> memref<100096xf32, #tpu.memory_space<hbm>>
    %dma_start3A_581 = arith.constant 0 : i32
    %dma_start3A_582 = tpu.memref_slice %dma_start3A_580[%dma_start3A_581] : memref<100096xf32, #tpu.memory_space<hbm>> -> memref<100096xf32, #tpu.memory_space<hbm>>
    tpu.enqueue_indirect_dma source(%dma_start3A_582 : memref<100096xf32, #tpu.memory_space<hbm>>) target(%arg9 : memref<4096xf32, #tpu.memory_space<vmem>>) offsets(%arg7 : memref<4096xi32, #tpu.memory_space<vmem>>) semaphore(%arg12 : memref<!tpu.dma_semaphore, #tpu.memory_space<semaphore_mem>>)
    %dma_wait3A_583 = arith.constant 22 : i32
    %dma_wait3A_584 = arith.constant 0 : i32
    %dma_wait3A_585 = tpu.memref_slice %arg4[%dma_wait3A_583, %add3A, %dma_wait3A_584] : memref<26x32x100096xf32, #tpu.memory_space<hbm>> -> memref<1x1x100096xf32, #tpu.memory_space<hbm>>
    %dma_wait3A_586 = tpu.memref_squeeze %dma_wait3A_585 : memref<1x1x100096xf32, #tpu.memory_space<hbm>> -> memref<100096xf32, #tpu.memory_space<hbm>>
    %dma_wait3A_587 = arith.constant 0 : i32
    %dma_wait3A_588 = tpu.memref_slice %dma_wait3A_586[%dma_wait3A_587] : memref<100096xf32, #tpu.memory_space<hbm>> -> memref<100096xf32, #tpu.memory_space<hbm>>
    tpu.wait_indirect_dma semaphore(%arg11 : memref<!tpu.dma_semaphore, #tpu.memory_space<semaphore_mem>>) src(%dma_wait3A_588 : memref<100096xf32, #tpu.memory_space<hbm>>) dst(%arg8 : memref<4096xf32, #tpu.memory_space<vmem>>)
    %add3A_589 = arith.constant 704 : i32
    %add3A_590 = arith.addi %add3A_589, %add3A : i32
    %dma_start3A_591 = arith.constant 0 : i32
    %dma_start3A_592 = tpu.memref_slice %arg5[%add3A_590, %dma_start3A_591] : memref<845x4096xf32, #tpu.memory_space<hbm>> -> memref<1x4096xf32, #tpu.memory_space<hbm>>
    %dma_start3A_593 = tpu.memref_squeeze %dma_start3A_592 : memref<1x4096xf32, #tpu.memory_space<hbm>> -> memref<4096xf32, #tpu.memory_space<hbm>>
    %dma_start3A_594 = arith.constant 0 : i32
    %dma_start3A_595 = tpu.memref_slice %arg5[%add3A_590, %dma_start3A_594] : memref<845x4096xf32, #tpu.memory_space<hbm>> -> memref<1x4096xf32, #tpu.memory_space<hbm>>
    %dma_start3A_596 = tpu.memref_squeeze %dma_start3A_595 : memref<1x4096xf32, #tpu.memory_space<hbm>> -> memref<4096xf32, #tpu.memory_space<hbm>>
    tpu.enqueue_dma source(%arg8 : memref<4096xf32, #tpu.memory_space<vmem>>) target(%dma_start3A_596 : memref<4096xf32, #tpu.memory_space<hbm>>) target_semaphore(%arg13 : memref<!tpu.dma_semaphore, #tpu.memory_space<semaphore_mem>>)
    "tpu.region"() ({
      %run_scoped3A = tpu.sem_alloc : memref<!tpu.dma_semaphore, #tpu.memory_space<semaphore_mem>>
      %dma_start3A_677 = arith.constant 98304 : i32
      %dma_start3A_678 = tpu.memref_slice %arg2[%dma_start3A_677] : memref<106496xi32, #tpu.memory_space<hbm>> -> memref<4096xi32, #tpu.memory_space<hbm>>
      %dma_start3A_679 = arith.constant 98304 : i32
      %dma_start3A_680 = tpu.memref_slice %arg2[%dma_start3A_679] : memref<106496xi32, #tpu.memory_space<hbm>> -> memref<4096xi32, #tpu.memory_space<hbm>>
      tpu.enqueue_dma source(%dma_start3A_680 : memref<4096xi32, #tpu.memory_space<hbm>>) target(%arg6 : memref<4096xi32, #tpu.memory_space<vmem>>) target_semaphore(%run_scoped3A : memref<!tpu.dma_semaphore, #tpu.memory_space<semaphore_mem>>)
      %dma_wait3A_681 = arith.constant 98304 : i32
      %dma_wait3A_682 = tpu.memref_slice %arg2[%dma_wait3A_681] : memref<106496xi32, #tpu.memory_space<hbm>> -> memref<4096xi32, #tpu.memory_space<hbm>>
      %dma_wait3A_683 = arith.constant 98304 : i32
      %dma_wait3A_684 = tpu.memref_slice %arg2[%dma_wait3A_683] : memref<106496xi32, #tpu.memory_space<hbm>> -> memref<4096xi32, #tpu.memory_space<hbm>>
      tpu.wait_dma2 semaphore(%run_scoped3A : memref<!tpu.dma_semaphore, #tpu.memory_space<semaphore_mem>>) src(%dma_wait3A_684 : memref<4096xi32, #tpu.memory_space<hbm>>) dst(%arg6 : memref<4096xi32, #tpu.memory_space<vmem>>)
      tpu.yield
    }) : () -> ()
    %dma_wait3A_597 = arith.constant 0 : i32
    %dma_wait3A_598 = tpu.memref_slice %arg5[%add3A_590, %dma_wait3A_597] : memref<845x4096xf32, #tpu.memory_space<hbm>> -> memref<1x4096xf32, #tpu.memory_space<hbm>>
    %dma_wait3A_599 = tpu.memref_squeeze %dma_wait3A_598 : memref<1x4096xf32, #tpu.memory_space<hbm>> -> memref<4096xf32, #tpu.memory_space<hbm>>
    %dma_wait3A_600 = arith.constant 0 : i32
    %dma_wait3A_601 = tpu.memref_slice %arg5[%add3A_590, %dma_wait3A_600] : memref<845x4096xf32, #tpu.memory_space<hbm>> -> memref<1x4096xf32, #tpu.memory_space<hbm>>
    %dma_wait3A_602 = tpu.memref_squeeze %dma_wait3A_601 : memref<1x4096xf32, #tpu.memory_space<hbm>> -> memref<4096xf32, #tpu.memory_space<hbm>>
    tpu.wait_dma2 semaphore(%arg13 : memref<!tpu.dma_semaphore, #tpu.memory_space<semaphore_mem>>) src(%arg8 : memref<4096xf32, #tpu.memory_space<vmem>>) dst(%dma_wait3A_602 : memref<4096xf32, #tpu.memory_space<hbm>>)
    %dma_start3A_603 = arith.constant 24 : i32
    %dma_start3A_604 = arith.constant 0 : i32
    %dma_start3A_605 = tpu.memref_slice %arg4[%dma_start3A_603, %add3A, %dma_start3A_604] : memref<26x32x100096xf32, #tpu.memory_space<hbm>> -> memref<1x1x100096xf32, #tpu.memory_space<hbm>>
    %dma_start3A_606 = tpu.memref_squeeze %dma_start3A_605 : memref<1x1x100096xf32, #tpu.memory_space<hbm>> -> memref<100096xf32, #tpu.memory_space<hbm>>
    %dma_start3A_607 = arith.constant 0 : i32
    %dma_start3A_608 = tpu.memref_slice %dma_start3A_606[%dma_start3A_607] : memref<100096xf32, #tpu.memory_space<hbm>> -> memref<100096xf32, #tpu.memory_space<hbm>>
    tpu.enqueue_indirect_dma source(%dma_start3A_608 : memref<100096xf32, #tpu.memory_space<hbm>>) target(%arg8 : memref<4096xf32, #tpu.memory_space<vmem>>) offsets(%arg6 : memref<4096xi32, #tpu.memory_space<vmem>>) semaphore(%arg11 : memref<!tpu.dma_semaphore, #tpu.memory_space<semaphore_mem>>)
    %dma_wait3A_609 = arith.constant 23 : i32
    %dma_wait3A_610 = arith.constant 0 : i32
    %dma_wait3A_611 = tpu.memref_slice %arg4[%dma_wait3A_609, %add3A, %dma_wait3A_610] : memref<26x32x100096xf32, #tpu.memory_space<hbm>> -> memref<1x1x100096xf32, #tpu.memory_space<hbm>>
    %dma_wait3A_612 = tpu.memref_squeeze %dma_wait3A_611 : memref<1x1x100096xf32, #tpu.memory_space<hbm>> -> memref<100096xf32, #tpu.memory_space<hbm>>
    %dma_wait3A_613 = arith.constant 0 : i32
    %dma_wait3A_614 = tpu.memref_slice %dma_wait3A_612[%dma_wait3A_613] : memref<100096xf32, #tpu.memory_space<hbm>> -> memref<100096xf32, #tpu.memory_space<hbm>>
    tpu.wait_indirect_dma semaphore(%arg12 : memref<!tpu.dma_semaphore, #tpu.memory_space<semaphore_mem>>) src(%dma_wait3A_614 : memref<100096xf32, #tpu.memory_space<hbm>>) dst(%arg9 : memref<4096xf32, #tpu.memory_space<vmem>>)
    %add3A_615 = arith.constant 736 : i32
    %add3A_616 = arith.addi %add3A_615, %add3A : i32
    %dma_start3A_617 = arith.constant 0 : i32
    %dma_start3A_618 = tpu.memref_slice %arg5[%add3A_616, %dma_start3A_617] : memref<845x4096xf32, #tpu.memory_space<hbm>> -> memref<1x4096xf32, #tpu.memory_space<hbm>>
    %dma_start3A_619 = tpu.memref_squeeze %dma_start3A_618 : memref<1x4096xf32, #tpu.memory_space<hbm>> -> memref<4096xf32, #tpu.memory_space<hbm>>
    %dma_start3A_620 = arith.constant 0 : i32
    %dma_start3A_621 = tpu.memref_slice %arg5[%add3A_616, %dma_start3A_620] : memref<845x4096xf32, #tpu.memory_space<hbm>> -> memref<1x4096xf32, #tpu.memory_space<hbm>>
    %dma_start3A_622 = tpu.memref_squeeze %dma_start3A_621 : memref<1x4096xf32, #tpu.memory_space<hbm>> -> memref<4096xf32, #tpu.memory_space<hbm>>
    tpu.enqueue_dma source(%arg9 : memref<4096xf32, #tpu.memory_space<vmem>>) target(%dma_start3A_622 : memref<4096xf32, #tpu.memory_space<hbm>>) target_semaphore(%arg13 : memref<!tpu.dma_semaphore, #tpu.memory_space<semaphore_mem>>)
    "tpu.region"() ({
      %run_scoped3A = tpu.sem_alloc : memref<!tpu.dma_semaphore, #tpu.memory_space<semaphore_mem>>
      %dma_start3A_677 = arith.constant 102400 : i32
      %dma_start3A_678 = tpu.memref_slice %arg2[%dma_start3A_677] : memref<106496xi32, #tpu.memory_space<hbm>> -> memref<4096xi32, #tpu.memory_space<hbm>>
      %dma_start3A_679 = arith.constant 102400 : i32
      %dma_start3A_680 = tpu.memref_slice %arg2[%dma_start3A_679] : memref<106496xi32, #tpu.memory_space<hbm>> -> memref<4096xi32, #tpu.memory_space<hbm>>
      tpu.enqueue_dma source(%dma_start3A_680 : memref<4096xi32, #tpu.memory_space<hbm>>) target(%arg7 : memref<4096xi32, #tpu.memory_space<vmem>>) target_semaphore(%run_scoped3A : memref<!tpu.dma_semaphore, #tpu.memory_space<semaphore_mem>>)
      %dma_wait3A_681 = arith.constant 102400 : i32
      %dma_wait3A_682 = tpu.memref_slice %arg2[%dma_wait3A_681] : memref<106496xi32, #tpu.memory_space<hbm>> -> memref<4096xi32, #tpu.memory_space<hbm>>
      %dma_wait3A_683 = arith.constant 102400 : i32
      %dma_wait3A_684 = tpu.memref_slice %arg2[%dma_wait3A_683] : memref<106496xi32, #tpu.memory_space<hbm>> -> memref<4096xi32, #tpu.memory_space<hbm>>
      tpu.wait_dma2 semaphore(%run_scoped3A : memref<!tpu.dma_semaphore, #tpu.memory_space<semaphore_mem>>) src(%dma_wait3A_684 : memref<4096xi32, #tpu.memory_space<hbm>>) dst(%arg7 : memref<4096xi32, #tpu.memory_space<vmem>>)
      tpu.yield
    }) : () -> ()
    %dma_wait3A_623 = arith.constant 0 : i32
    %dma_wait3A_624 = tpu.memref_slice %arg5[%add3A_616, %dma_wait3A_623] : memref<845x4096xf32, #tpu.memory_space<hbm>> -> memref<1x4096xf32, #tpu.memory_space<hbm>>
    %dma_wait3A_625 = tpu.memref_squeeze %dma_wait3A_624 : memref<1x4096xf32, #tpu.memory_space<hbm>> -> memref<4096xf32, #tpu.memory_space<hbm>>
    %dma_wait3A_626 = arith.constant 0 : i32
    %dma_wait3A_627 = tpu.memref_slice %arg5[%add3A_616, %dma_wait3A_626] : memref<845x4096xf32, #tpu.memory_space<hbm>> -> memref<1x4096xf32, #tpu.memory_space<hbm>>
    %dma_wait3A_628 = tpu.memref_squeeze %dma_wait3A_627 : memref<1x4096xf32, #tpu.memory_space<hbm>> -> memref<4096xf32, #tpu.memory_space<hbm>>
    tpu.wait_dma2 semaphore(%arg13 : memref<!tpu.dma_semaphore, #tpu.memory_space<semaphore_mem>>) src(%arg9 : memref<4096xf32, #tpu.memory_space<vmem>>) dst(%dma_wait3A_628 : memref<4096xf32, #tpu.memory_space<hbm>>)
    %dma_start3A_629 = arith.constant 25 : i32
    %dma_start3A_630 = arith.constant 0 : i32
    %dma_start3A_631 = tpu.memref_slice %arg4[%dma_start3A_629, %add3A, %dma_start3A_630] : memref<26x32x100096xf32, #tpu.memory_space<hbm>> -> memref<1x1x100096xf32, #tpu.memory_space<hbm>>
    %dma_start3A_632 = tpu.memref_squeeze %dma_start3A_631 : memref<1x1x100096xf32, #tpu.memory_space<hbm>> -> memref<100096xf32, #tpu.memory_space<hbm>>
    %dma_start3A_633 = arith.constant 0 : i32
    %dma_start3A_634 = tpu.memref_slice %dma_start3A_632[%dma_start3A_633] : memref<100096xf32, #tpu.memory_space<hbm>> -> memref<100096xf32, #tpu.memory_space<hbm>>
    tpu.enqueue_indirect_dma source(%dma_start3A_634 : memref<100096xf32, #tpu.memory_space<hbm>>) target(%arg9 : memref<4096xf32, #tpu.memory_space<vmem>>) offsets(%arg7 : memref<4096xi32, #tpu.memory_space<vmem>>) semaphore(%arg12 : memref<!tpu.dma_semaphore, #tpu.memory_space<semaphore_mem>>)
    %dma_wait3A_635 = arith.constant 24 : i32
    %dma_wait3A_636 = arith.constant 0 : i32
    %dma_wait3A_637 = tpu.memref_slice %arg4[%dma_wait3A_635, %add3A, %dma_wait3A_636] : memref<26x32x100096xf32, #tpu.memory_space<hbm>> -> memref<1x1x100096xf32, #tpu.memory_space<hbm>>
    %dma_wait3A_638 = tpu.memref_squeeze %dma_wait3A_637 : memref<1x1x100096xf32, #tpu.memory_space<hbm>> -> memref<100096xf32, #tpu.memory_space<hbm>>
    %dma_wait3A_639 = arith.constant 0 : i32
    %dma_wait3A_640 = tpu.memref_slice %dma_wait3A_638[%dma_wait3A_639] : memref<100096xf32, #tpu.memory_space<hbm>> -> memref<100096xf32, #tpu.memory_space<hbm>>
    tpu.wait_indirect_dma semaphore(%arg11 : memref<!tpu.dma_semaphore, #tpu.memory_space<semaphore_mem>>) src(%dma_wait3A_640 : memref<100096xf32, #tpu.memory_space<hbm>>) dst(%arg8 : memref<4096xf32, #tpu.memory_space<vmem>>)
    %add3A_641 = arith.constant 768 : i32
    %add3A_642 = arith.addi %add3A_641, %add3A : i32
    %dma_start3A_643 = arith.constant 0 : i32
    %dma_start3A_644 = tpu.memref_slice %arg5[%add3A_642, %dma_start3A_643] : memref<845x4096xf32, #tpu.memory_space<hbm>> -> memref<1x4096xf32, #tpu.memory_space<hbm>>
    %dma_start3A_645 = tpu.memref_squeeze %dma_start3A_644 : memref<1x4096xf32, #tpu.memory_space<hbm>> -> memref<4096xf32, #tpu.memory_space<hbm>>
    %dma_start3A_646 = arith.constant 0 : i32
    %dma_start3A_647 = tpu.memref_slice %arg5[%add3A_642, %dma_start3A_646] : memref<845x4096xf32, #tpu.memory_space<hbm>> -> memref<1x4096xf32, #tpu.memory_space<hbm>>
    %dma_start3A_648 = tpu.memref_squeeze %dma_start3A_647 : memref<1x4096xf32, #tpu.memory_space<hbm>> -> memref<4096xf32, #tpu.memory_space<hbm>>
    tpu.enqueue_dma source(%arg8 : memref<4096xf32, #tpu.memory_space<vmem>>) target(%dma_start3A_648 : memref<4096xf32, #tpu.memory_space<hbm>>) target_semaphore(%arg13 : memref<!tpu.dma_semaphore, #tpu.memory_space<semaphore_mem>>)
    %dma_wait3A_649 = arith.constant 25 : i32
    %dma_wait3A_650 = arith.constant 0 : i32
    %dma_wait3A_651 = tpu.memref_slice %arg4[%dma_wait3A_649, %add3A, %dma_wait3A_650] : memref<26x32x100096xf32, #tpu.memory_space<hbm>> -> memref<1x1x100096xf32, #tpu.memory_space<hbm>>
    %dma_wait3A_652 = tpu.memref_squeeze %dma_wait3A_651 : memref<1x1x100096xf32, #tpu.memory_space<hbm>> -> memref<100096xf32, #tpu.memory_space<hbm>>
    %dma_wait3A_653 = arith.constant 0 : i32
    %dma_wait3A_654 = tpu.memref_slice %dma_wait3A_652[%dma_wait3A_653] : memref<100096xf32, #tpu.memory_space<hbm>> -> memref<100096xf32, #tpu.memory_space<hbm>>
    tpu.wait_indirect_dma semaphore(%arg12 : memref<!tpu.dma_semaphore, #tpu.memory_space<semaphore_mem>>) src(%dma_wait3A_654 : memref<100096xf32, #tpu.memory_space<hbm>>) dst(%arg9 : memref<4096xf32, #tpu.memory_space<vmem>>)
    %add3A_655 = arith.constant 800 : i32
    %add3A_656 = arith.addi %add3A_655, %add3A : i32
    %dma_start3A_657 = arith.constant 0 : i32
    %dma_start3A_658 = tpu.memref_slice %arg5[%add3A_656, %dma_start3A_657] : memref<845x4096xf32, #tpu.memory_space<hbm>> -> memref<1x4096xf32, #tpu.memory_space<hbm>>
    %dma_start3A_659 = tpu.memref_squeeze %dma_start3A_658 : memref<1x4096xf32, #tpu.memory_space<hbm>> -> memref<4096xf32, #tpu.memory_space<hbm>>
    %dma_start3A_660 = arith.constant 0 : i32
    %dma_start3A_661 = tpu.memref_slice %arg5[%add3A_656, %dma_start3A_660] : memref<845x4096xf32, #tpu.memory_space<hbm>> -> memref<1x4096xf32, #tpu.memory_space<hbm>>
    %dma_start3A_662 = tpu.memref_squeeze %dma_start3A_661 : memref<1x4096xf32, #tpu.memory_space<hbm>> -> memref<4096xf32, #tpu.memory_space<hbm>>
    tpu.enqueue_dma source(%arg9 : memref<4096xf32, #tpu.memory_space<vmem>>) target(%dma_start3A_662 : memref<4096xf32, #tpu.memory_space<hbm>>) target_semaphore(%arg13 : memref<!tpu.dma_semaphore, #tpu.memory_space<semaphore_mem>>)
    %lt3A = arith.constant 13 : i32
    %lt3A_663 = arith.cmpi slt, %add3A, %lt3A : i32
    %convert_element_type3A = arith.extui %lt3A_663 : i1 to i32
    %cond3A = arith.constant 0 : i32
    %cond3A_664 = arith.cmpi ne, %convert_element_type3A, %cond3A : i32
    scf.if %cond3A_664 {
      "tpu.region"() ({
        %run_scoped3A = tpu.sem_alloc : memref<!tpu.dma_semaphore, #tpu.memory_space<semaphore_mem>>
        %dma_start3A_679 = arith.constant 0 : i32
        %dma_start3A_680 = tpu.memref_slice %arg3[%add3A, %dma_start3A_679] : memref<13x4096xf32, #tpu.memory_space<hbm>> -> memref<1x4096xf32, #tpu.memory_space<hbm>>
        %dma_start3A_681 = tpu.memref_squeeze %dma_start3A_680 : memref<1x4096xf32, #tpu.memory_space<hbm>> -> memref<4096xf32, #tpu.memory_space<hbm>>
        %dma_start3A_682 = arith.constant 0 : i32
        %dma_start3A_683 = tpu.memref_slice %arg3[%add3A, %dma_start3A_682] : memref<13x4096xf32, #tpu.memory_space<hbm>> -> memref<1x4096xf32, #tpu.memory_space<hbm>>
        %dma_start3A_684 = tpu.memref_squeeze %dma_start3A_683 : memref<1x4096xf32, #tpu.memory_space<hbm>> -> memref<4096xf32, #tpu.memory_space<hbm>>
        tpu.enqueue_dma source(%dma_start3A_684 : memref<4096xf32, #tpu.memory_space<hbm>>) target(%arg10 : memref<4096xf32, #tpu.memory_space<vmem>>) target_semaphore(%run_scoped3A : memref<!tpu.dma_semaphore, #tpu.memory_space<semaphore_mem>>)
        %dma_wait3A_685 = arith.constant 0 : i32
        %dma_wait3A_686 = tpu.memref_slice %arg3[%add3A, %dma_wait3A_685] : memref<13x4096xf32, #tpu.memory_space<hbm>> -> memref<1x4096xf32, #tpu.memory_space<hbm>>
        %dma_wait3A_687 = tpu.memref_squeeze %dma_wait3A_686 : memref<1x4096xf32, #tpu.memory_space<hbm>> -> memref<4096xf32, #tpu.memory_space<hbm>>
        %dma_wait3A_688 = arith.constant 0 : i32
        %dma_wait3A_689 = tpu.memref_slice %arg3[%add3A, %dma_wait3A_688] : memref<13x4096xf32, #tpu.memory_space<hbm>> -> memref<1x4096xf32, #tpu.memory_space<hbm>>
        %dma_wait3A_690 = tpu.memref_squeeze %dma_wait3A_689 : memref<1x4096xf32, #tpu.memory_space<hbm>> -> memref<4096xf32, #tpu.memory_space<hbm>>
        tpu.wait_dma2 semaphore(%run_scoped3A : memref<!tpu.dma_semaphore, #tpu.memory_space<semaphore_mem>>) src(%dma_wait3A_690 : memref<4096xf32, #tpu.memory_space<hbm>>) dst(%arg10 : memref<4096xf32, #tpu.memory_space<vmem>>)
        tpu.yield
      }) : () -> ()
      %add3A_677 = arith.constant 832 : i32
      %add3A_678 = arith.addi %add3A_677, %add3A : i32
      "tpu.region"() ({
        %run_scoped3A = tpu.sem_alloc : memref<!tpu.dma_semaphore, #tpu.memory_space<semaphore_mem>>
        %dma_start3A_679 = arith.constant 0 : i32
        %dma_start3A_680 = tpu.memref_slice %arg5[%add3A_678, %dma_start3A_679] : memref<845x4096xf32, #tpu.memory_space<hbm>> -> memref<1x4096xf32, #tpu.memory_space<hbm>>
        %dma_start3A_681 = tpu.memref_squeeze %dma_start3A_680 : memref<1x4096xf32, #tpu.memory_space<hbm>> -> memref<4096xf32, #tpu.memory_space<hbm>>
        %dma_start3A_682 = arith.constant 0 : i32
        %dma_start3A_683 = tpu.memref_slice %arg5[%add3A_678, %dma_start3A_682] : memref<845x4096xf32, #tpu.memory_space<hbm>> -> memref<1x4096xf32, #tpu.memory_space<hbm>>
        %dma_start3A_684 = tpu.memref_squeeze %dma_start3A_683 : memref<1x4096xf32, #tpu.memory_space<hbm>> -> memref<4096xf32, #tpu.memory_space<hbm>>
        tpu.enqueue_dma source(%arg10 : memref<4096xf32, #tpu.memory_space<vmem>>) target(%dma_start3A_684 : memref<4096xf32, #tpu.memory_space<hbm>>) target_semaphore(%run_scoped3A : memref<!tpu.dma_semaphore, #tpu.memory_space<semaphore_mem>>)
        %dma_wait3A_685 = arith.constant 0 : i32
        %dma_wait3A_686 = tpu.memref_slice %arg5[%add3A_678, %dma_wait3A_685] : memref<845x4096xf32, #tpu.memory_space<hbm>> -> memref<1x4096xf32, #tpu.memory_space<hbm>>
        %dma_wait3A_687 = tpu.memref_squeeze %dma_wait3A_686 : memref<1x4096xf32, #tpu.memory_space<hbm>> -> memref<4096xf32, #tpu.memory_space<hbm>>
        %dma_wait3A_688 = arith.constant 0 : i32
        %dma_wait3A_689 = tpu.memref_slice %arg5[%add3A_678, %dma_wait3A_688] : memref<845x4096xf32, #tpu.memory_space<hbm>> -> memref<1x4096xf32, #tpu.memory_space<hbm>>
        %dma_wait3A_690 = tpu.memref_squeeze %dma_wait3A_689 : memref<1x4096xf32, #tpu.memory_space<hbm>> -> memref<4096xf32, #tpu.memory_space<hbm>>
        tpu.wait_dma2 semaphore(%run_scoped3A : memref<!tpu.dma_semaphore, #tpu.memory_space<semaphore_mem>>) src(%arg10 : memref<4096xf32, #tpu.memory_space<vmem>>) dst(%dma_wait3A_690 : memref<4096xf32, #tpu.memory_space<hbm>>)
        tpu.yield
      }) : () -> ()
    } else {
    }
    %dma_wait3A_665 = arith.constant 0 : i32
    %dma_wait3A_666 = tpu.memref_slice %arg5[%add3A_642, %dma_wait3A_665] : memref<845x4096xf32, #tpu.memory_space<hbm>> -> memref<1x4096xf32, #tpu.memory_space<hbm>>
    %dma_wait3A_667 = tpu.memref_squeeze %dma_wait3A_666 : memref<1x4096xf32, #tpu.memory_space<hbm>> -> memref<4096xf32, #tpu.memory_space<hbm>>
    %dma_wait3A_668 = arith.constant 0 : i32
    %dma_wait3A_669 = tpu.memref_slice %arg5[%add3A_642, %dma_wait3A_668] : memref<845x4096xf32, #tpu.memory_space<hbm>> -> memref<1x4096xf32, #tpu.memory_space<hbm>>
    %dma_wait3A_670 = tpu.memref_squeeze %dma_wait3A_669 : memref<1x4096xf32, #tpu.memory_space<hbm>> -> memref<4096xf32, #tpu.memory_space<hbm>>
    tpu.wait_dma2 semaphore(%arg13 : memref<!tpu.dma_semaphore, #tpu.memory_space<semaphore_mem>>) src(%arg8 : memref<4096xf32, #tpu.memory_space<vmem>>) dst(%dma_wait3A_670 : memref<4096xf32, #tpu.memory_space<hbm>>)
    %dma_wait3A_671 = arith.constant 0 : i32
    %dma_wait3A_672 = tpu.memref_slice %arg5[%add3A_656, %dma_wait3A_671] : memref<845x4096xf32, #tpu.memory_space<hbm>> -> memref<1x4096xf32, #tpu.memory_space<hbm>>
    %dma_wait3A_673 = tpu.memref_squeeze %dma_wait3A_672 : memref<1x4096xf32, #tpu.memory_space<hbm>> -> memref<4096xf32, #tpu.memory_space<hbm>>
    %dma_wait3A_674 = arith.constant 0 : i32
    %dma_wait3A_675 = tpu.memref_slice %arg5[%add3A_656, %dma_wait3A_674] : memref<845x4096xf32, #tpu.memory_space<hbm>> -> memref<1x4096xf32, #tpu.memory_space<hbm>>
    %dma_wait3A_676 = tpu.memref_squeeze %dma_wait3A_675 : memref<1x4096xf32, #tpu.memory_space<hbm>> -> memref<4096xf32, #tpu.memory_space<hbm>>
    tpu.wait_dma2 semaphore(%arg13 : memref<!tpu.dma_semaphore, #tpu.memory_space<semaphore_mem>>) src(%arg9 : memref<4096xf32, #tpu.memory_space<vmem>>) dst(%dma_wait3A_676 : memref<4096xf32, #tpu.memory_space<hbm>>)
    return
  }
}

</mosaic_0001>

<sc_bundles>
// kernel: kernel.3.cloned.1.call-start
scs
__scs_entry_jumppad:
0x0: {  	(pc) =	sbr.rel $0x88, $3  }
0x1: {  	(tag) =	ssettag $0x0;
	lr =	simm.s32 $0x1  }
0x2: {  	[smem:$0x3F9E] =	sst lr;
	_ =	strace $0xD0000000  }
0x3: {  	_ = 	snop  }
0x4: {  	_ = 	snop  }
0x5: {  	_ = 	snop  }
0x6: {  	_ = 	snop  }
0x7: {  	_ = 	snop  }
__scs_overlays_trampoline_lowered:
0x8: {  	[smem:$0x3FAD] =	sst s0  }
0x9: {  	[smem:$0x3FAE] =	sst s1  }
0xa: {  	[smem:$0x3FAF] =	sst s2  }
0xb: {  	[smem:$0x3FB0] =	sst s3  }
0xc: {  	[smem:$0x3FB1] =	sst s4  }
0xd: {  	[smem:$0x3FB2] =	sst s5  }
0xe: {  	[smem:$0x3FB3] =	sst s6  }
0xf: {  	[smem:$0x3FB4] =	sst s7  }
0x10: {  	[smem:$0x3FB5] =	sst s8  }
0x11: {  	[smem:$0x3FB6] =	sst s9;
	s0 =	simm.s32 @!p0 $0x0  }
0x12: {  	s1 =	sld [smem:$0x3F9C];
	s0 =	simm.s32 @p0 $0x1  }
0x13: {  	[smem:$0x3FB7] =	sst s0;
	s0 =	simm.s32 @!p1 $0x0  }
0x14: {  	s2 =	sld [smem:$0x3F9B];
	s0 =	simm.s32 @p1 $0x1  }
0x15: {  	[smem:$0x3FB8] =	sst s0;
	s0 =	simm.s32 @!p2 $0x0  }
0x16: {  	s3 =	sld [smem:$0x3FDB];
	s0 =	simm.s32 @p2 $0x1  }
0x17: {  	s4 =	simm.s32 $0x1BF5;
	[smem:$0x3FBA] =	sst s0  }
0x18: {  	s0 =	sld [smem:$0x3F9D];
	_ =	swait.ge [sflag:s4], $0x0  }
0x19: {  	s7 =	sld [smem:$0x3F9E]  }
0x1a: {  	s8 =	sadd.s32 $0xFFFFE003, lr  }
0x1b: {  	s9 =	sadd.s32 $0xFFFFFEF7, lr;
	s5 =	simm.s32 $0xFFFFFFFF;
	p2 =	slt.u32 s8, $0xFFFFF086  }
0x1c: {  	p1 =	slt.u32 s9, $0xF7A;
	s5 =	simm.s32 @!p2 $0x0  }
0x1d: {  	s5 =	simm.s32 @p1 $0x1;
	p0 =	seq.s32 s7, s2  }
0x1e: {  	s7 =	smul.u32 @!p0 $0xF7A, s2;
	p2 =	seq.s32 @!p0 s5, $0x0  }
0x1f: {  	s9 =	smul.u32 $0xF7A, s1;
	s8 =	simm.s32 @!p0 $0x1BF5;
	p2 =	por !p2, p0  }
0x20: {  	[sflag:s8] =	ssyncset.s32 @!p0 $0xFFFFF086;
	s6 =	sadd.s32 @!p0 s3, s7;
	s7 =	simm.s32 @!p0 $0x108  }
0x21: {  	s3 =	sadd.s32 s3, s9;
	s6 =	sadd.s32 @!p0 $0x88, s6;
	s7 =	simm.s32 @p2 $0x1082  }
0x22: {  	[simem:s7], [sflag:s8] =	dma.local @!p0 [hbm:s6], $0xF7A  }
0x23: {  	s9 =	sor.u32 $0xD0000000, s2;
	s6 =	simm.s32 $0x108;
	_ =	swait.ge @!p0 [sflag:s8], $0x0  }
0x24: {  	s3 =	sadd.s32 $0x88, s3;
	s6 =	simm.s32 @!p1 $0x1082;
	[sflag:s4] =	ssyncset.s32 $0xFFFFF086  }
0x25: {  	[simem:s6], [sflag:s4] =	dma.local [hbm:s3], $0xF7A  }
0x26: {  	[smem:$0x3F9E] =	sst s1;
	(tag) =	ssettag s2;
	_ =	strace s9  }
0x27: {  	s1 =	sld [smem:$0x3FAE]  }
0x28: {  	s2 =	sld [smem:$0x3FAF]  }
0x29: {  	s4 =	sld [smem:$0x3FB1]  }
0x2a: {  	p0 =	seq.s32 s5, $0x0;
	s5 =	sld [smem:$0x3FB2]  }
0x2b: {  	s6 =	sld [smem:$0x3FB3]  }
0x2c: {  	s7 =	sld [smem:$0x3FB4]  }
0x2d: {  	s3 =	simm.s32 $0x108;
	s8 =	sld [smem:$0x3FB5]  }
0x2e: {  	s3 =	simm.s32 @!p0 $0x1082;
	s9 =	sld [smem:$0x3FB6]  }
0x2f: {  	lr =	sadd.s32 s0, s3;
	s0 =	sld [smem:$0x3FAD]  }
0x30: {  	s3 =	sld [smem:$0x3FB0]  }
0x31: {  	[smem:$0x3FB9] =	sst s10  }
0x32: {  	s10 =	sld [smem:$0x3FB7];
	_ =	sdelay $0x3  }
0x33: {  	p0 =	seq.s32 s10, $0x1;
	s10 =	sld [smem:$0x3FB9];
	_ =	sdelay $0x3  }
0x34: {  	[smem:$0x3FB9] =	sst s10  }
0x35: {  	s10 =	sld [smem:$0x3FB8];
	_ =	sdelay $0x3  }
0x36: {  	p1 =	seq.s32 s10, $0x1;
	s10 =	sld [smem:$0x3FB9];
	_ =	sdelay $0x3  }
0x37: {  	[smem:$0x3FB9] =	sst s10  }
0x38: {  	s10 =	sld [smem:$0x3FBA]  }
0x39: {  	_ = 	snop;
	(pc) =	sbr.ind lr, $3  }
0x3a: {  	_ = 	snop  }
0x3b: {  	_ = 	snop  }
0x3c: {  	p2 =	seq.s32 s10, $0x1;
	s10 =	sld [smem:$0x3FB9]  }
0x3d: {  	_ =	shalt  }
0x3e: {  	_ =	shalt  }
0x3f: {  	_ =	shalt  }
0x40: {  	_ =	shalt  }
0x41: {  	_ =	shalt  }
0x42: {  	_ =	shalt  }
0x43: {  	_ =	shalt  }
0x44: {  	_ =	shalt  }
0x45: {  	_ =	shalt  }
0x46: {  	_ =	shalt  }
0x47: {  	_ =	shalt  }
0x48: {  	_ =	shalt  }
0x49: {  	_ =	shalt  }
0x4a: {  	_ =	shalt  }
0x4b: {  	_ =	shalt  }
0x4c: {  	_ =	shalt  }
0x4d: {  	_ =	shalt  }
0x4e: {  	_ =	shalt  }
0x4f: {  	_ =	shalt  }
0x50: {  	_ =	shalt  }
0x51: {  	_ =	shalt  }
0x52: {  	_ =	shalt  }
0x53: {  	_ =	shalt  }
0x54: {  	_ =	shalt  }
0x55: {  	_ =	shalt  }
0x56: {  	_ =	shalt  }
0x57: {  	_ =	shalt  }
0x58: {  	_ =	shalt  }
0x59: {  	_ =	shalt  }
0x5a: {  	_ =	shalt  }
0x5b: {  	_ =	shalt  }
0x5c: {  	_ =	shalt  }
0x5d: {  	_ =	shalt  }
0x5e: {  	_ =	shalt  }
0x5f: {  	_ =	shalt  }
0x60: {  	_ =	shalt  }
0x61: {  	_ =	shalt  }
0x62: {  	_ =	shalt  }
0x63: {  	_ =	shalt  }
0x64: {  	_ =	shalt  }
0x65: {  	_ =	shalt  }
0x66: {  	_ =	shalt  }
0x67: {  	_ =	shalt  }
0x68: {  	_ =	shalt  }
0x69: {  	_ =	shalt  }
0x6a: {  	_ =	shalt  }
0x6b: {  	_ =	shalt  }
0x6c: {  	_ =	shalt  }
0x6d: {  	_ =	shalt  }
0x6e: {  	_ =	shalt  }
0x6f: {  	_ =	shalt  }
0x70: {  	_ =	shalt  }
0x71: {  	_ =	shalt  }
0x72: {  	_ =	shalt  }
0x73: {  	_ =	shalt  }
0x74: {  	_ =	shalt  }
0x75: {  	_ =	shalt  }
0x76: {  	_ =	shalt  }
0x77: {  	_ =	shalt  }
0x78: {  	_ =	shalt  }
0x79: {  	_ =	shalt  }
0x7a: {  	_ =	shalt  }
0x7b: {  	_ =	shalt  }
0x7c: {  	_ =	shalt  }
0x7d: {  	_ =	shalt  }
0x7e: {  	_ =	shalt  }
0x7f: {  	_ =	shalt  }
0x80: {  	_ =	shalt  }
0x81: {  	_ =	shalt  }
0x82: {  	_ =	shalt  }
0x83: {  	_ =	shalt  }
0x84: {  	_ =	shalt  }
0x85: {  	_ =	shalt  }
0x86: {  	_ =	shalt  }
0x87: {  	_ =	shalt  }
.Lfunc_end0:
.L_simem_size_0:
called_computation_lowered:
.L_overlay_start_0:
0x88: {  	s2 =	sld [smem:$0x3FD9]  }
0x89: {  	s3 =	sld [smem:$0x3FFE];
	_ =	sdelay $0x1  }
0x8a: {  	s1 =	srdreg.scid  }
0x8b: {  	s0 =	sand.u32 $0x1, s1  }
0x8c: {  	s17 =	sshll.u32 s0, $0xA;
	s2 =	sadd.s32 s3, s2  }
0x8d: {  	s2 =	sadd.s32 s2, s17  }
0x8e: {  	[smem:$0x3FC5] =	sst s2  }
0x8f: {  	_ = 	snop  }
0x90: {  	s2 =	sld [smem:$0x3FD0];
	(tm) =	ssettm $0x1  }
0x91: {  	s18 =	sld [smem:$0x3FFB];
	_ =	sdelay $0x3  }
0x92: {  	_ =	strace s18  }
0x93: {  	s3 =	sld [smem:$0x3FFC];
	_ =	sdelay $0x3  }
0x94: {  	_ =	strace s3  }
0x95: {  	s3 =	sld [smem:$0x3FFD];
	_ =	sdelay $0x3  }
0x96: {  	_ =	strace s3  }
0x97: {  	_ =	strace $0x8FFFFFFF  }
0x98: {  	s19 =	sld [smem:$0x3FDB];
	_ =	sdelay $0x1  }
0x99: {  	s4 =	simm.s32 $_scs_section_size  }
0x9a: {  	s5 =	simm.s32 $_size__tile_overlayer_lowered;
	s6 =	simm.s32 $_tile_overlayer_lowered  }
0x9b: {  	s22 =	simm.s32 $0x1BFF;
	s21 =	sshll.u32 s6, $0x1;
	s3 =	sadd.s32 s4, s19  }
0x9c: {  	s7 =	simm.s32 $0x0;
	s20 =	sshll.u32 s5, $0x1;
	s5 =	sadd.s32 s21, s3  }
0x9d: {  	[timem:s7], [sflag:s22] =	dma.local [hbm:s5], s20  }
0x9e: {  	_ =	swait.ge [sflag:s22], s20  }
0x9f: {  	s4 =	ssub.s32 $0x0, s20;
	[sflag:s22] =	ssyncset.done $0x0  }
0xa0: {  	[sflag:s22] =	ssyncadd.s32 s4;
	_ =	sdelay $0x1  }
0xa1: {  	s23 =	simm.s32 $0x1B8B  }
0xa2: {  	_ =	swait.ge [sflag:s23], $0x1  }
0xa3: {  	[sflag:s23] =	ssyncset.done $0x0  }
0xa4: {  	s25 =	simm.s32 $0x1B8E;
	s24 =	sld [smem:$0x3FFE];
	[sflag:s23] =	ssyncadd.s32 $0xFFFFFFFF  }
0xa5: {  	s26 =	simm.s32 $execute0_lowered;
	[smem:$0x3FD2] =	sst s25  }
0xa6: {  	s5 =	sshll.u32 s26, $0x1;
	_ =	strace $0x80000046;
	[dreg:$0x1] =	wrdreg $0xFFFFFFFF  }
0xa7: {  	s28 =	simm.s32 $_size_execute0_lowered;
	s3 =	sadd.s32 s3, s5;
	[dreg:$0x0] =	wrdreg $0x0  }
0xa8: {  	s5 =	sshll.u32 s28, $0x1;
	[dreg:$0x2] =	wrdreg s3  }
0xa9: {  	[dreg:$0x3] =	wrdreg s5  }
0xaa: {  	[dreg:$0x4] =	wrdreg $0xC0  }
0xab: {  	_ =	task [dreg:s7], $0x5FFFF  }
0xac: {  	[dreg:$0x1] =	wrdreg $0xFFFFFFFF  }
0xad: {  	[dreg:$0x0] =	wrdreg $0x60  }
0xae: {  	[dreg:$0x2] =	wrdreg s2  }
0xaf: {  	[dreg:$0x3] =	wrdreg s24  }
0xb0: {  	[dreg:$0x4] =	wrdreg $0x9  }
0xb1: {  	_ =	task.clear_ibuf [dreg:s7], $0x5FFFF;
	_ =	strace $0x90000046  }
0xb2: {  	s29 =	simm.s32 $0x9;
	_ =	strace $0x80000048  }
0xb3: {  	_ =	swait.ge [sflag:s29], $0x1  }
0xb4: {  	[sflag:s29] =	ssyncadd.s32 $0xFFFFFFFF  }
0xb5: {  	_ =	strace $0x90000048  }
0xb6: {  	_ =	sfence  }
0xb7: {  	s30 =	sld [smem:$0x0];
	_ =	sdelay $0x2  }
0xb8: {  	s31 =	sshll.u32 s1, $0xD;
	s1 =	sshrl.u32 s1, $0x2  }
0xb9: {  	s3 =	sand.u32 $0x4000, s31;
	s1 =	sadd.s32 s1, s30  }
0xba: {  	s0 =	sor.u32 s3, s0;
	s1 =	sshll.u32 s1, $0x11  }
0xbb: {  	s0 =	sor.u32 s1, s0  }
0xbc: {  	s0 =	sadd.s32 $0x8F2B, s0  }
0xbd: {  	[sflag:s0] =	ssyncadd.remote.s32 $0x1  }
0xbe: {  	_ =	sfence.sel $0xFFFF  }
0xbf: {  	[dreg:$0x0] =	wrdreg $0xFFFFFFFF;
	(pc) =	sbr.abs _section_cstart, $3  }
0xc0: {  	[dreg:$0x1] =	wrdreg $0xFFFFFFFF  }
0xc1: {  	_ =	task.clear_ibuf [dreg:s7], $0x2FFFF;
	_ =	strace $0x9FFFFFFF  }
0xc2: {  	(tm) =	ssettm $0x7FFFFFFF  }
0xc3: {  	_ =	shalt  }
tec
execute0_lowered:
.L_overlay_start_1:
0x0: {  	(tag) =	ssettag $0x1  }
0x1: {  	s1 =	srdreg.scid  }
0x2: {  	s0 =	stileid.u32;
	s5 =	rddreg [dreg:$0x1];
	s3 =	simm.s32 $0x0  }
0x3: {  	s1 =	sand.u32 $0x1, s1;
	s2 =	sshll.u32 s0, $0x1;
	s0 =	rddreg [dreg:$0x0]  }
0x4: {  	[smem:$0x7FF] =	sst s3;
	s25 =	sor.u32 s1, s2;
	s2 =	sadd.s32 $0x200, s0  }
0x5: {  	_ =	strace $0x80000047;
	s7 =	sadd.s32 $0x400, s0;
	[dreg:$0x4] =	wrdreg s2  }
0x6: {  	s10 =	sadd.s32 $0x600, s0;
	[dreg:$0x7] =	wrdreg s7  }
0x7: {  	s13 =	sadd.s32 $0x800, s0;
	[dreg:$0xa] =	wrdreg s10  }
0x8: {  	s16 =	sadd.s32 $0xA00, s0;
	[dreg:$0xd] =	wrdreg s13  }
0x9: {  	s19 =	sadd.s32 $0xC00, s0;
	[dreg:$0x10] =	wrdreg s16  }
0xa: {  	s22 =	sadd.s32 $0xE00, s0;
	[dreg:$0x13] =	wrdreg s19  }
0xb: {  	[dreg:$0x16] =	wrdreg s22;
	s2 =	sadd.s32 $0x1000, s0  }
0xc: {  	[tilespmem:s3], [sflag:$0x4] =	stream.linear.gather [hbm4b:s0+s3], $0x1000, $0x38;
	[tilespmem:$0x5000] =	vst v63  }
0xd: {  	s7 =	sadd.s32 $0x1200, s0;
	[dreg:$0x19] =	wrdreg s2  }
0xe: {  	s10 =	sadd.s32 $0x1400, s0;
	[dreg:$0x1c] =	wrdreg s7  }
0xf: {  	s13 =	sadd.s32 $0x1600, s0;
	[dreg:$0x1f] =	wrdreg s10  }
0x10: {  	s16 =	sadd.s32 $0x1800, s0;
	[smem:$0x7DF] =	sst s13  }
0x11: {  	s19 =	sadd.s32 $0x1A00, s0;
	[smem:$0x7E2] =	sst s16  }
0x12: {  	s22 =	sadd.s32 $0x1C00, s0;
	[smem:$0x7E5] =	sst s19  }
0x13: {  	[smem:$0x7E8] =	sst s22;
	s2 =	sadd.s32 $0x1E00, s0  }
0x14: {  	s7 =	sadd.s32 $0x2000, s0;
	[smem:$0x7EB] =	sst s2  }
0x15: {  	s10 =	sadd.s32 $0x2200, s0;
	[smem:$0x7EE] =	sst s7  }
0x16: {  	s13 =	sadd.s32 $0x2400, s0;
	[smem:$0x7F1] =	sst s10  }
0x17: {  	s16 =	sadd.s32 $0x2600, s0;
	[smem:$0x7F4] =	sst s13  }
0x18: {  	s6 =	sshll.u32 s25, $0x9;
	s19 =	sadd.s32 $0x2800, s0;
	[smem:$0x7F7] =	sst s16  }
0x19: {  	s31 =	sadd.s32 s6, s5;
	s22 =	sadd.s32 $0x2A00, s0;
	[smem:$0x7FA] =	sst s19  }
0x1a: {  	s6 =	sadd.s32 $0x2200, s31;
	[smem:$0x7FD] =	sst s22  }
0x1b: {  	s9 =	sadd.s32 $0x6200, s31;
	[dreg:$0x6] =	wrdreg s6  }
0x1c: {  	s12 =	sadd.s32 $0xA200, s31;
	[dreg:$0x9] =	wrdreg s9  }
0x1d: {  	s15 =	sadd.s32 $0xE200, s31;
	[dreg:$0xc] =	wrdreg s12  }
0x1e: {  	s18 =	sadd.s32 $0x12200, s31;
	[dreg:$0xf] =	wrdreg s15  }
0x1f: {  	s21 =	sadd.s32 $0x16200, s31;
	[dreg:$0x12] =	wrdreg s18  }
0x20: {  	s26 =	sadd.s32 $0x1A200, s31;
	[dreg:$0x15] =	wrdreg s21  }
0x21: {  	[dreg:$0x18] =	wrdreg s26;
	s6 =	sadd.s32 $0x1E200, s31  }
0x22: {  	s9 =	sadd.s32 $0x22200, s31;
	[dreg:$0x1b] =	wrdreg s6  }
0x23: {  	s12 =	sadd.s32 $0x26200, s31;
	[dreg:$0x1e] =	wrdreg s9  }
0x24: {  	s4 =	smul.u32 $0x18700, s25;
	s15 =	sadd.s32 $0x2A200, s31;
	[smem:$0x7DE] =	sst s12  }
0x25: {  	s18 =	sadd.s32 $0x2E200, s31;
	[smem:$0x7E1] =	sst s15  }
0x26: {  	s4 =	sshrl.u32 s4, $0x3;
	s21 =	sadd.s32 $0x32200, s31;
	[smem:$0x7E4] =	sst s18  }
0x27: {  	s23 =	sadd.s32 s4, s5;
	s26 =	sadd.s32 $0x36200, s31;
	[smem:$0x7E7] =	sst s21  }
0x28: {  	s4 =	sadd.s32 $0x9EE000, s23;
	[smem:$0x7EA] =	sst s26  }
0x29: {  	s5 =	sadd.s32 $0xA4FC00, s23;
	[dreg:$0x3] =	wrdreg s4  }
0x2a: {  	s8 =	sadd.s32 $0xAB1800, s23;
	[dreg:$0x5] =	wrdreg s5  }
0x2b: {  	s11 =	sadd.s32 $0xB13400, s23;
	[dreg:$0x8] =	wrdreg s8  }
0x2c: {  	s14 =	sadd.s32 $0xB75000, s23;
	[dreg:$0xb] =	wrdreg s11  }
0x2d: {  	s17 =	sadd.s32 $0xBD6C00, s23;
	[dreg:$0xe] =	wrdreg s14  }
0x2e: {  	s20 =	sadd.s32 $0xC38800, s23;
	[dreg:$0x11] =	wrdreg s17  }
0x2f: {  	s24 =	sadd.s32 $0xC9A400, s23;
	[dreg:$0x14] =	wrdreg s20  }
0x30: {  	s6 =	sadd.s32 $0x3A200, s31;
	[dreg:$0x17] =	wrdreg s24  }
0x31: {  	s9 =	sadd.s32 $0x3E200, s31;
	[smem:$0x7ED] =	sst s6  }
0x32: {  	s12 =	sadd.s32 $0x42200, s31;
	[smem:$0x7F0] =	sst s9  }
0x33: {  	s15 =	sadd.s32 $0x46200, s31;
	[smem:$0x7F3] =	sst s12  }
0x34: {  	s18 =	sadd.s32 $0x4A200, s31;
	[smem:$0x7F6] =	sst s15  }
0x35: {  	s21 =	sadd.s32 $0x4E200, s31;
	[smem:$0x7F9] =	sst s18  }
0x36: {  	s5 =	sadd.s32 $0xCFC000, s23;
	[smem:$0x7FC] =	sst s21  }
0x37: {  	s8 =	sadd.s32 $0xD5DC00, s23;
	[dreg:$0x1a] =	wrdreg s5  }
0x38: {  	s11 =	sadd.s32 $0xDBF800, s23;
	[dreg:$0x1d] =	wrdreg s8  }
0x39: {  	s14 =	sadd.s32 $0xE21400, s23;
	[smem:$0x7DD] =	sst s11  }
0x3a: {  	s17 =	sadd.s32 $0xE83000, s23;
	[smem:$0x7E0] =	sst s14  }
0x3b: {  	s20 =	sadd.s32 $0xEE4C00, s23;
	[smem:$0x7E3] =	sst s17  }
0x3c: {  	s24 =	sadd.s32 $0xF46800, s23;
	[smem:$0x7E6] =	sst s20  }
0x3d: {  	[smem:$0x7E9] =	sst s24;
	s5 =	sadd.s32 $0xFA8400, s23  }
0x3e: {  	s8 =	sadd.s32 $0x100A000, s23;
	[smem:$0x7EC] =	sst s5  }
0x3f: {  	s11 =	sadd.s32 $0x106BC00, s23;
	[smem:$0x7EF] =	sst s8  }
0x40: {  	s14 =	sadd.s32 $0x10CD800, s23;
	[smem:$0x7F2] =	sst s11  }
0x41: {  	s17 =	sadd.s32 $0x112F400, s23;
	[smem:$0x7F5] =	sst s14  }
0x42: {  	s20 =	sadd.s32 $0x1191000, s23;
	[smem:$0x7F8] =	sst s17  }
0x43: {  	s4 =	simm.s32 $0x4;
	[smem:$0x7FB] =	sst s20  }
0x44: {  	_ =	swait.ge [sflag:s4], $0x1000  }
0x45: {  	s6 =	simm.s32 $0x2000;
	[sflag:s4] =	ssyncset.done $0x0  }
0x46: {  	s5 =	simm.s32 $0x1000;
	s7 =	rddreg [dreg:$0x3];
	[sflag:s4] =	ssyncadd.s32 $0xFFFFF000  }
0x47: {  	[tilespmem:s6], [sflag:$0x1] =	stream.indirect.gather [hbm4b:s7+s5], $0x1, s3, s5, $0xb8;
	[tilespmem:$0x5000] =	vst v63  }
0x48: {  	s8 =	rddreg [dreg:$0x4]  }
0x49: {  	[tilespmem:s5], [sflag:$0x4] =	stream.linear.gather [hbm4b:s8+s3], $0x1000, $0x38;
	[tilespmem:$0x5000] =	vst v63  }
0x4a: {  	_ =	swait.ge [sflag:s4], $0x1000  }
0x4b: {  	s7 =	simm.s32 $0x3000;
	[sflag:s4] =	ssyncset.done $0x0  }
0x4c: {  	s8 =	simm.s32 $0x1;
	s9 =	rddreg [dreg:$0x5];
	[sflag:s4] =	ssyncadd.s32 $0xFFFFF000  }
0x4d: {  	[tilespmem:s7], [sflag:$0x2] =	stream.indirect.gather [hbm4b:s9+s5], $0x1, s5, s5, $0xb8;
	[tilespmem:$0x5000] =	vst v63  }
0x4e: {  	_ =	swait.ge [sflag:s8], $0x1000  }
0x4f: {  	[sflag:s8] =	ssyncset.done $0x0  }
0x50: {  	s24 =	rddreg [dreg:$0x6];
	[sflag:s8] =	ssyncadd.s32 $0xFFFFF000  }
0x51: {  	[hbm4b:s24+s3] =	stream.linear.scatter [tilespmem:s6], [sflag:$0x3], $0x1000, $0x38;
	[tilespmem:$0x5000] =	vst v63  }
0x52: {  	s10 =	rddreg [dreg:$0x7]  }
0x53: {  	[tilespmem:s3], [sflag:$0x4] =	stream.linear.gather [hbm4b:s10+s3], $0x1000, $0x38;
	[tilespmem:$0x5000] =	vst v63  }
0x54: {  	_ =	swait.ge [sflag:s4], $0x1000  }
0x55: {  	[sflag:s4] =	ssyncset.done $0x0  }
0x56: {  	s9 =	simm.s32 $0x3;
	[sflag:s4] =	ssyncadd.s32 $0xFFFFF000  }
0x57: {  	_ =	swait.ge [sflag:s9], $0x1000  }
0x58: {  	[sflag:s9] =	ssyncset.done $0x0  }
0x59: {  	s10 =	simm.s32 $0x2;
	s11 =	rddreg [dreg:$0x8];
	[sflag:s9] =	ssyncadd.s32 $0xFFFFF000  }
0x5a: {  	[tilespmem:s6], [sflag:$0x1] =	stream.indirect.gather [hbm4b:s11+s5], $0x1, s3, s5, $0xb8;
	[tilespmem:$0x5000] =	vst v63  }
0x5b: {  	_ =	swait.ge [sflag:s10], $0x1000  }
0x5c: {  	[sflag:s10] =	ssyncset.done $0x0  }
0x5d: {  	s26 =	rddreg [dreg:$0x9];
	[sflag:s10] =	ssyncadd.s32 $0xFFFFF000  }
0x5e: {  	[hbm4b:s26+s3] =	stream.linear.scatter [tilespmem:s7], [sflag:$0x3], $0x1000, $0x38;
	[tilespmem:$0x5000] =	vst v63  }
0x5f: {  	s12 =	rddreg [dreg:$0xa]  }
0x60: {  	[tilespmem:s5], [sflag:$0x4] =	stream.linear.gather [hbm4b:s12+s3], $0x1000, $0x38;
	[tilespmem:$0x5000] =	vst v63  }
0x61: {  	_ =	swait.ge [sflag:s4], $0x1000  }
0x62: {  	[sflag:s4] =	ssyncset.done $0x0  }
0x63: {  	[sflag:s4] =	ssyncadd.s32 $0xFFFFF000  }
0x64: {  	_ =	swait.ge [sflag:s9], $0x1000  }
0x65: {  	[sflag:s9] =	ssyncset.done $0x0  }
0x66: {  	s2 =	rddreg [dreg:$0xb];
	[sflag:s9] =	ssyncadd.s32 $0xFFFFF000  }
0x67: {  	[tilespmem:s7], [sflag:$0x2] =	stream.indirect.gather [hbm4b:s2+s5], $0x1, s5, s5, $0xb8;
	[tilespmem:$0x5000] =	vst v63  }
0x68: {  	_ =	swait.ge [sflag:s8], $0x1000  }
0x69: {  	[sflag:s8] =	ssyncset.done $0x0  }
0x6a: {  	s12 =	rddreg [dreg:$0xc];
	[sflag:s8] =	ssyncadd.s32 $0xFFFFF000  }
0x6b: {  	[hbm4b:s12+s3] =	stream.linear.scatter [tilespmem:s6], [sflag:$0x3], $0x1000, $0x38;
	[tilespmem:$0x5000] =	vst v63  }
0x6c: {  	s13 =	rddreg [dreg:$0xd]  }
0x6d: {  	[tilespmem:s3], [sflag:$0x4] =	stream.linear.gather [hbm4b:s13+s3], $0x1000, $0x38;
	[tilespmem:$0x5000] =	vst v63  }
0x6e: {  	_ =	swait.ge [sflag:s4], $0x1000  }
0x6f: {  	[sflag:s4] =	ssyncset.done $0x0  }
0x70: {  	[sflag:s4] =	ssyncadd.s32 $0xFFFFF000  }
0x71: {  	_ =	swait.ge [sflag:s9], $0x1000  }
0x72: {  	[sflag:s9] =	ssyncset.done $0x0  }
0x73: {  	s14 =	rddreg [dreg:$0xe];
	[sflag:s9] =	ssyncadd.s32 $0xFFFFF000  }
0x74: {  	[tilespmem:s6], [sflag:$0x1] =	stream.indirect.gather [hbm4b:s14+s5], $0x1, s3, s5, $0xb8;
	[tilespmem:$0x5000] =	vst v63  }
0x75: {  	_ =	swait.ge [sflag:s10], $0x1000  }
0x76: {  	[sflag:s10] =	ssyncset.done $0x0  }
0x77: {  	s15 =	rddreg [dreg:$0xf];
	[sflag:s10] =	ssyncadd.s32 $0xFFFFF000  }
0x78: {  	[hbm4b:s15+s3] =	stream.linear.scatter [tilespmem:s7], [sflag:$0x3], $0x1000, $0x38;
	[tilespmem:$0x5000] =	vst v63  }
0x79: {  	s16 =	rddreg [dreg:$0x10]  }
0x7a: {  	[tilespmem:s5], [sflag:$0x4] =	stream.linear.gather [hbm4b:s16+s3], $0x1000, $0x38;
	[tilespmem:$0x5000] =	vst v63  }
0x7b: {  	_ =	swait.ge [sflag:s4], $0x1000  }
0x7c: {  	[sflag:s4] =	ssyncset.done $0x0  }
0x7d: {  	[sflag:s4] =	ssyncadd.s32 $0xFFFFF000  }
0x7e: {  	_ =	swait.ge [sflag:s9], $0x1000  }
0x7f: {  	[sflag:s9] =	ssyncset.done $0x0  }
0x80: {  	s17 =	rddreg [dreg:$0x11];
	[sflag:s9] =	ssyncadd.s32 $0xFFFFF000  }
0x81: {  	[tilespmem:s7], [sflag:$0x2] =	stream.indirect.gather [hbm4b:s17+s5], $0x1, s5, s5, $0xb8;
	[tilespmem:$0x5000] =	vst v63  }
0x82: {  	_ =	swait.ge [sflag:s8], $0x1000  }
0x83: {  	[sflag:s8] =	ssyncset.done $0x0  }
0x84: {  	s18 =	rddreg [dreg:$0x12];
	[sflag:s8] =	ssyncadd.s32 $0xFFFFF000  }
0x85: {  	[hbm4b:s18+s3] =	stream.linear.scatter [tilespmem:s6], [sflag:$0x3], $0x1000, $0x38;
	[tilespmem:$0x5000] =	vst v63  }
0x86: {  	s19 =	rddreg [dreg:$0x13]  }
0x87: {  	[tilespmem:s3], [sflag:$0x4] =	stream.linear.gather [hbm4b:s19+s3], $0x1000, $0x38;
	[tilespmem:$0x5000] =	vst v63  }
0x88: {  	_ =	swait.ge [sflag:s4], $0x1000  }
0x89: {  	[sflag:s4] =	ssyncset.done $0x0  }
0x8a: {  	[sflag:s4] =	ssyncadd.s32 $0xFFFFF000  }
0x8b: {  	_ =	swait.ge [sflag:s9], $0x1000  }
0x8c: {  	[sflag:s9] =	ssyncset.done $0x0  }
0x8d: {  	s20 =	rddreg [dreg:$0x14];
	[sflag:s9] =	ssyncadd.s32 $0xFFFFF000  }
0x8e: {  	[tilespmem:s6], [sflag:$0x1] =	stream.indirect.gather [hbm4b:s20+s5], $0x1, s3, s5, $0xb8;
	[tilespmem:$0x5000] =	vst v63  }
0x8f: {  	_ =	swait.ge [sflag:s10], $0x1000  }
0x90: {  	[sflag:s10] =	ssyncset.done $0x0  }
0x91: {  	s21 =	rddreg [dreg:$0x15];
	[sflag:s10] =	ssyncadd.s32 $0xFFFFF000  }
0x92: {  	[hbm4b:s21+s3] =	stream.linear.scatter [tilespmem:s7], [sflag:$0x3], $0x1000, $0x38;
	[tilespmem:$0x5000] =	vst v63  }
0x93: {  	s22 =	rddreg [dreg:$0x16]  }
0x94: {  	[tilespmem:s5], [sflag:$0x4] =	stream.linear.gather [hbm4b:s22+s3], $0x1000, $0x38;
	[tilespmem:$0x5000] =	vst v63  }
0x95: {  	_ =	swait.ge [sflag:s4], $0x1000  }
0x96: {  	[sflag:s4] =	ssyncset.done $0x0  }
0x97: {  	[sflag:s4] =	ssyncadd.s32 $0xFFFFF000  }
0x98: {  	_ =	swait.ge [sflag:s9], $0x1000  }
0x99: {  	[sflag:s9] =	ssyncset.done $0x0  }
0x9a: {  	s24 =	rddreg [dreg:$0x17];
	[sflag:s9] =	ssyncadd.s32 $0xFFFFF000  }
0x9b: {  	[tilespmem:s7], [sflag:$0x2] =	stream.indirect.gather [hbm4b:s24+s5], $0x1, s5, s5, $0xb8;
	[tilespmem:$0x5000] =	vst v63  }
0x9c: {  	_ =	swait.ge [sflag:s8], $0x1000  }
0x9d: {  	[sflag:s8] =	ssyncset.done $0x0  }
0x9e: {  	s26 =	rddreg [dreg:$0x18];
	[sflag:s8] =	ssyncadd.s32 $0xFFFFF000  }
0x9f: {  	[hbm4b:s26+s3] =	stream.linear.scatter [tilespmem:s6], [sflag:$0x3], $0x1000, $0x38;
	[tilespmem:$0x5000] =	vst v63  }
0xa0: {  	s2 =	rddreg [dreg:$0x19]  }
0xa1: {  	[tilespmem:s3], [sflag:$0x4] =	stream.linear.gather [hbm4b:s2+s3], $0x1000, $0x38;
	[tilespmem:$0x5000] =	vst v63  }
0xa2: {  	_ =	swait.ge [sflag:s4], $0x1000  }
0xa3: {  	[sflag:s4] =	ssyncset.done $0x0  }
0xa4: {  	[sflag:s4] =	ssyncadd.s32 $0xFFFFF000  }
0xa5: {  	_ =	swait.ge [sflag:s9], $0x1000  }
0xa6: {  	[sflag:s9] =	ssyncset.done $0x0  }
0xa7: {  	s13 =	rddreg [dreg:$0x1a];
	[sflag:s9] =	ssyncadd.s32 $0xFFFFF000  }
0xa8: {  	[tilespmem:s6], [sflag:$0x1] =	stream.indirect.gather [hbm4b:s13+s5], $0x1, s3, s5, $0xb8;
	[tilespmem:$0x5000] =	vst v63  }
0xa9: {  	_ =	swait.ge [sflag:s10], $0x1000  }
0xaa: {  	[sflag:s10] =	ssyncset.done $0x0  }
0xab: {  	s14 =	rddreg [dreg:$0x1b];
	[sflag:s10] =	ssyncadd.s32 $0xFFFFF000  }
0xac: {  	[hbm4b:s14+s3] =	stream.linear.scatter [tilespmem:s7], [sflag:$0x3], $0x1000, $0x38;
	[tilespmem:$0x5000] =	vst v63  }
0xad: {  	s15 =	rddreg [dreg:$0x1c]  }
0xae: {  	[tilespmem:s5], [sflag:$0x4] =	stream.linear.gather [hbm4b:s15+s3], $0x1000, $0x38;
	[tilespmem:$0x5000] =	vst v63  }
0xaf: {  	_ =	swait.ge [sflag:s4], $0x1000  }
0xb0: {  	[sflag:s4] =	ssyncset.done $0x0  }
0xb1: {  	[sflag:s4] =	ssyncadd.s32 $0xFFFFF000  }
0xb2: {  	_ =	swait.ge [sflag:s9], $0x1000  }
0xb3: {  	[sflag:s9] =	ssyncset.done $0x0  }
0xb4: {  	s16 =	rddreg [dreg:$0x1d];
	[sflag:s9] =	ssyncadd.s32 $0xFFFFF000  }
0xb5: {  	[tilespmem:s7], [sflag:$0x2] =	stream.indirect.gather [hbm4b:s16+s5], $0x1, s5, s5, $0xb8;
	[tilespmem:$0x5000] =	vst v63  }
0xb6: {  	_ =	swait.ge [sflag:s8], $0x1000  }
0xb7: {  	[sflag:s8] =	ssyncset.done $0x0  }
0xb8: {  	s17 =	rddreg [dreg:$0x1e];
	[sflag:s8] =	ssyncadd.s32 $0xFFFFF000  }
0xb9: {  	[hbm4b:s17+s3] =	stream.linear.scatter [tilespmem:s6], [sflag:$0x3], $0x1000, $0x38;
	[tilespmem:$0x5000] =	vst v63  }
0xba: {  	s18 =	rddreg [dreg:$0x1f]  }
0xbb: {  	[tilespmem:s3], [sflag:$0x4] =	stream.linear.gather [hbm4b:s18+s3], $0x1000, $0x38;
	[tilespmem:$0x5000] =	vst v63  }
0xbc: {  	_ =	swait.ge [sflag:s4], $0x1000  }
0xbd: {  	[sflag:s4] =	ssyncset.done $0x0  }
0xbe: {  	[sflag:s4] =	ssyncadd.s32 $0xFFFFF000  }
0xbf: {  	_ =	swait.ge [sflag:s9], $0x1000  }
0xc0: {  	s19 =	sld [smem:$0x7DD]  }
0xc1: {  	[sflag:s9] =	ssyncset.done $0x0  }
0xc2: {  	[sflag:s9] =	ssyncadd.s32 $0xFFFFF000  }
0xc3: {  	[tilespmem:s6], [sflag:$0x1] =	stream.indirect.gather [hbm4b:s19+s5], $0x1, s3, s5, $0xb8;
	[tilespmem:$0x5000] =	vst v63  }
0xc4: {  	_ =	swait.ge [sflag:s10], $0x1000  }
0xc5: {  	s20 =	sld [smem:$0x7DE]  }
0xc6: {  	[sflag:s10] =	ssyncset.done $0x0  }
0xc7: {  	s21 =	sld [smem:$0x7DF];
	[sflag:s10] =	ssyncadd.s32 $0xFFFFF000  }
0xc8: {  	[hbm4b:s20+s3] =	stream.linear.scatter [tilespmem:s7], [sflag:$0x3], $0x1000, $0x38;
	[tilespmem:$0x5000] =	vst v63  }
0xc9: {  	_ = 	snop  }
0xca: {  	[tilespmem:s5], [sflag:$0x4] =	stream.linear.gather [hbm4b:s21+s3], $0x1000, $0x38;
	[tilespmem:$0x5000] =	vst v63  }
0xcb: {  	_ =	swait.ge [sflag:s4], $0x1000  }
0xcc: {  	[sflag:s4] =	ssyncset.done $0x0  }
0xcd: {  	[sflag:s4] =	ssyncadd.s32 $0xFFFFF000  }
0xce: {  	_ =	swait.ge [sflag:s9], $0x1000  }
0xcf: {  	s22 =	sld [smem:$0x7E0]  }
0xd0: {  	[sflag:s9] =	ssyncset.done $0x0  }
0xd1: {  	[sflag:s9] =	ssyncadd.s32 $0xFFFFF000  }
0xd2: {  	[tilespmem:s7], [sflag:$0x2] =	stream.indirect.gather [hbm4b:s22+s5], $0x1, s5, s5, $0xb8;
	[tilespmem:$0x5000] =	vst v63  }
0xd3: {  	_ =	swait.ge [sflag:s8], $0x1000  }
0xd4: {  	s24 =	sld [smem:$0x7E1]  }
0xd5: {  	[sflag:s8] =	ssyncset.done $0x0  }
0xd6: {  	s26 =	sld [smem:$0x7E2];
	[sflag:s8] =	ssyncadd.s32 $0xFFFFF000  }
0xd7: {  	[hbm4b:s24+s3] =	stream.linear.scatter [tilespmem:s6], [sflag:$0x3], $0x1000, $0x38;
	[tilespmem:$0x5000] =	vst v63  }
0xd8: {  	_ = 	snop  }
0xd9: {  	[tilespmem:s3], [sflag:$0x4] =	stream.linear.gather [hbm4b:s26+s3], $0x1000, $0x38;
	[tilespmem:$0x5000] =	vst v63  }
0xda: {  	_ =	swait.ge [sflag:s4], $0x1000  }
0xdb: {  	[sflag:s4] =	ssyncset.done $0x0  }
0xdc: {  	[sflag:s4] =	ssyncadd.s32 $0xFFFFF000  }
0xdd: {  	_ =	swait.ge [sflag:s9], $0x1000  }
0xde: {  	s2 =	sld [smem:$0x7E3]  }
0xdf: {  	[sflag:s9] =	ssyncset.done $0x0  }
0xe0: {  	[sflag:s9] =	ssyncadd.s32 $0xFFFFF000  }
0xe1: {  	[tilespmem:s6], [sflag:$0x1] =	stream.indirect.gather [hbm4b:s2+s5], $0x1, s3, s5, $0xb8;
	[tilespmem:$0x5000] =	vst v63  }
0xe2: {  	_ =	swait.ge [sflag:s10], $0x1000  }
0xe3: {  	s12 =	sld [smem:$0x7E4]  }
0xe4: {  	[sflag:s10] =	ssyncset.done $0x0  }
0xe5: {  	s13 =	sld [smem:$0x7E5];
	[sflag:s10] =	ssyncadd.s32 $0xFFFFF000  }
0xe6: {  	[hbm4b:s12+s3] =	stream.linear.scatter [tilespmem:s7], [sflag:$0x3], $0x1000, $0x38;
	[tilespmem:$0x5000] =	vst v63  }
0xe7: {  	_ = 	snop  }
0xe8: {  	[tilespmem:s5], [sflag:$0x4] =	stream.linear.gather [hbm4b:s13+s3], $0x1000, $0x38;
	[tilespmem:$0x5000] =	vst v63  }
0xe9: {  	_ =	swait.ge [sflag:s4], $0x1000  }
0xea: {  	[sflag:s4] =	ssyncset.done $0x0  }
0xeb: {  	[sflag:s4] =	ssyncadd.s32 $0xFFFFF000  }
0xec: {  	_ =	swait.ge [sflag:s9], $0x1000  }
0xed: {  	s14 =	sld [smem:$0x7E6]  }
0xee: {  	[sflag:s9] =	ssyncset.done $0x0  }
0xef: {  	[sflag:s9] =	ssyncadd.s32 $0xFFFFF000  }
0xf0: {  	[tilespmem:s7], [sflag:$0x2] =	stream.indirect.gather [hbm4b:s14+s5], $0x1, s5, s5, $0xb8;
	[tilespmem:$0x5000] =	vst v63  }
0xf1: {  	_ =	swait.ge [sflag:s8], $0x1000  }
0xf2: {  	s15 =	sld [smem:$0x7E7]  }
0xf3: {  	[sflag:s8] =	ssyncset.done $0x0  }
0xf4: {  	s16 =	sld [smem:$0x7E8];
	[sflag:s8] =	ssyncadd.s32 $0xFFFFF000  }
0xf5: {  	[hbm4b:s15+s3] =	stream.linear.scatter [tilespmem:s6], [sflag:$0x3], $0x1000, $0x38;
	[tilespmem:$0x5000] =	vst v63  }
0xf6: {  	_ = 	snop  }
0xf7: {  	[tilespmem:s3], [sflag:$0x4] =	stream.linear.gather [hbm4b:s16+s3], $0x1000, $0x38;
	[tilespmem:$0x5000] =	vst v63  }
0xf8: {  	_ =	swait.ge [sflag:s4], $0x1000  }
0xf9: {  	[sflag:s4] =	ssyncset.done $0x0  }
0xfa: {  	[sflag:s4] =	ssyncadd.s32 $0xFFFFF000  }
0xfb: {  	_ =	swait.ge [sflag:s9], $0x1000  }
0xfc: {  	s17 =	sld [smem:$0x7E9]  }
0xfd: {  	[sflag:s9] =	ssyncset.done $0x0  }
0xfe: {  	[sflag:s9] =	ssyncadd.s32 $0xFFFFF000  }
0xff: {  	[tilespmem:s6], [sflag:$0x1] =	stream.indirect.gather [hbm4b:s17+s5], $0x1, s3, s5, $0xb8;
	[tilespmem:$0x5000] =	vst v63  }
0x100: {  	_ =	swait.ge [sflag:s10], $0x1000  }
0x101: {  	s18 =	sld [smem:$0x7EA]  }
0x102: {  	[sflag:s10] =	ssyncset.done $0x0  }
0x103: {  	s19 =	sld [smem:$0x7EB];
	[sflag:s10] =	ssyncadd.s32 $0xFFFFF000  }
0x104: {  	[hbm4b:s18+s3] =	stream.linear.scatter [tilespmem:s7], [sflag:$0x3], $0x1000, $0x38;
	[tilespmem:$0x5000] =	vst v63  }
0x105: {  	_ = 	snop  }
0x106: {  	[tilespmem:s5], [sflag:$0x4] =	stream.linear.gather [hbm4b:s19+s3], $0x1000, $0x38;
	[tilespmem:$0x5000] =	vst v63  }
0x107: {  	_ =	swait.ge [sflag:s4], $0x1000  }
0x108: {  	[sflag:s4] =	ssyncset.done $0x0  }
0x109: {  	[sflag:s4] =	ssyncadd.s32 $0xFFFFF000  }
0x10a: {  	_ =	swait.ge [sflag:s9], $0x1000  }
0x10b: {  	s20 =	sld [smem:$0x7EC]  }
0x10c: {  	[sflag:s9] =	ssyncset.done $0x0  }
0x10d: {  	[sflag:s9] =	ssyncadd.s32 $0xFFFFF000  }
0x10e: {  	[tilespmem:s7], [sflag:$0x2] =	stream.indirect.gather [hbm4b:s20+s5], $0x1, s5, s5, $0xb8;
	[tilespmem:$0x5000] =	vst v63  }
0x10f: {  	_ =	swait.ge [sflag:s8], $0x1000  }
0x110: {  	s21 =	sld [smem:$0x7ED]  }
0x111: {  	[sflag:s8] =	ssyncset.done $0x0  }
0x112: {  	s22 =	sld [smem:$0x7EE];
	[sflag:s8] =	ssyncadd.s32 $0xFFFFF000  }
0x113: {  	[hbm4b:s21+s3] =	stream.linear.scatter [tilespmem:s6], [sflag:$0x3], $0x1000, $0x38;
	[tilespmem:$0x5000] =	vst v63  }
0x114: {  	_ = 	snop  }
0x115: {  	[tilespmem:s3], [sflag:$0x4] =	stream.linear.gather [hbm4b:s22+s3], $0x1000, $0x38;
	[tilespmem:$0x5000] =	vst v63  }
0x116: {  	_ =	swait.ge [sflag:s4], $0x1000  }
0x117: {  	[sflag:s4] =	ssyncset.done $0x0  }
0x118: {  	[sflag:s4] =	ssyncadd.s32 $0xFFFFF000  }
0x119: {  	_ =	swait.ge [sflag:s9], $0x1000  }
0x11a: {  	s24 =	sld [smem:$0x7EF]  }
0x11b: {  	[sflag:s9] =	ssyncset.done $0x0  }
0x11c: {  	[sflag:s9] =	ssyncadd.s32 $0xFFFFF000  }
0x11d: {  	[tilespmem:s6], [sflag:$0x1] =	stream.indirect.gather [hbm4b:s24+s5], $0x1, s3, s5, $0xb8;
	[tilespmem:$0x5000] =	vst v63  }
0x11e: {  	_ =	swait.ge [sflag:s10], $0x1000  }
0x11f: {  	s26 =	sld [smem:$0x7F0]  }
0x120: {  	[sflag:s10] =	ssyncset.done $0x0  }
0x121: {  	s2 =	sld [smem:$0x7F1];
	[sflag:s10] =	ssyncadd.s32 $0xFFFFF000  }
0x122: {  	[hbm4b:s26+s3] =	stream.linear.scatter [tilespmem:s7], [sflag:$0x3], $0x1000, $0x38;
	[tilespmem:$0x5000] =	vst v63  }
0x123: {  	_ = 	snop  }
0x124: {  	[tilespmem:s5], [sflag:$0x4] =	stream.linear.gather [hbm4b:s2+s3], $0x1000, $0x38;
	[tilespmem:$0x5000] =	vst v63  }
0x125: {  	_ =	swait.ge [sflag:s4], $0x1000  }
0x126: {  	[sflag:s4] =	ssyncset.done $0x0  }
0x127: {  	[sflag:s4] =	ssyncadd.s32 $0xFFFFF000  }
0x128: {  	_ =	swait.ge [sflag:s9], $0x1000  }
0x129: {  	s13 =	sld [smem:$0x7F2]  }
0x12a: {  	[sflag:s9] =	ssyncset.done $0x0  }
0x12b: {  	[sflag:s9] =	ssyncadd.s32 $0xFFFFF000  }
0x12c: {  	[tilespmem:s7], [sflag:$0x2] =	stream.indirect.gather [hbm4b:s13+s5], $0x1, s5, s5, $0xb8;
	[tilespmem:$0x5000] =	vst v63  }
0x12d: {  	_ =	swait.ge [sflag:s8], $0x1000  }
0x12e: {  	s14 =	sld [smem:$0x7F3]  }
0x12f: {  	[sflag:s8] =	ssyncset.done $0x0  }
0x130: {  	s15 =	sld [smem:$0x7F4];
	[sflag:s8] =	ssyncadd.s32 $0xFFFFF000  }
0x131: {  	[hbm4b:s14+s3] =	stream.linear.scatter [tilespmem:s6], [sflag:$0x3], $0x1000, $0x38;
	[tilespmem:$0x5000] =	vst v63  }
0x132: {  	_ = 	snop  }
0x133: {  	[tilespmem:s3], [sflag:$0x4] =	stream.linear.gather [hbm4b:s15+s3], $0x1000, $0x38;
	[tilespmem:$0x5000] =	vst v63  }
0x134: {  	_ =	swait.ge [sflag:s4], $0x1000  }
0x135: {  	[sflag:s4] =	ssyncset.done $0x0  }
0x136: {  	[sflag:s4] =	ssyncadd.s32 $0xFFFFF000  }
0x137: {  	_ =	swait.ge [sflag:s9], $0x1000  }
0x138: {  	s16 =	sld [smem:$0x7F5]  }
0x139: {  	[sflag:s9] =	ssyncset.done $0x0  }
0x13a: {  	[sflag:s9] =	ssyncadd.s32 $0xFFFFF000  }
0x13b: {  	[tilespmem:s6], [sflag:$0x1] =	stream.indirect.gather [hbm4b:s16+s5], $0x1, s3, s5, $0xb8;
	[tilespmem:$0x5000] =	vst v63  }
0x13c: {  	_ =	swait.ge [sflag:s10], $0x1000  }
0x13d: {  	s17 =	sld [smem:$0x7F6]  }
0x13e: {  	[sflag:s10] =	ssyncset.done $0x0  }
0x13f: {  	s18 =	sld [smem:$0x7F7];
	[sflag:s10] =	ssyncadd.s32 $0xFFFFF000  }
0x140: {  	[hbm4b:s17+s3] =	stream.linear.scatter [tilespmem:s7], [sflag:$0x3], $0x1000, $0x38;
	[tilespmem:$0x5000] =	vst v63  }
0x141: {  	_ = 	snop  }
0x142: {  	[tilespmem:s5], [sflag:$0x4] =	stream.linear.gather [hbm4b:s18+s3], $0x1000, $0x38;
	[tilespmem:$0x5000] =	vst v63  }
0x143: {  	_ =	swait.ge [sflag:s4], $0x1000  }
0x144: {  	[sflag:s4] =	ssyncset.done $0x0  }
0x145: {  	[sflag:s4] =	ssyncadd.s32 $0xFFFFF000  }
0x146: {  	_ =	swait.ge [sflag:s9], $0x1000  }
0x147: {  	s19 =	sld [smem:$0x7F8]  }
0x148: {  	[sflag:s9] =	ssyncset.done $0x0  }
0x149: {  	[sflag:s9] =	ssyncadd.s32 $0xFFFFF000  }
0x14a: {  	[tilespmem:s7], [sflag:$0x2] =	stream.indirect.gather [hbm4b:s19+s5], $0x1, s5, s5, $0xb8;
	[tilespmem:$0x5000] =	vst v63  }
0x14b: {  	_ =	swait.ge [sflag:s8], $0x1000  }
0x14c: {  	s20 =	sld [smem:$0x7F9]  }
0x14d: {  	[sflag:s8] =	ssyncset.done $0x0  }
0x14e: {  	s21 =	sld [smem:$0x7FA];
	[sflag:s8] =	ssyncadd.s32 $0xFFFFF000  }
0x14f: {  	[hbm4b:s20+s3] =	stream.linear.scatter [tilespmem:s6], [sflag:$0x3], $0x1000, $0x38;
	[tilespmem:$0x5000] =	vst v63  }
0x150: {  	_ = 	snop  }
0x151: {  	[tilespmem:s3], [sflag:$0x4] =	stream.linear.gather [hbm4b:s21+s3], $0x1000, $0x38;
	[tilespmem:$0x5000] =	vst v63  }
0x152: {  	_ =	swait.ge [sflag:s4], $0x1000  }
0x153: {  	[sflag:s4] =	ssyncset.done $0x0  }
0x154: {  	[sflag:s4] =	ssyncadd.s32 $0xFFFFF000  }
0x155: {  	_ =	swait.ge [sflag:s9], $0x1000  }
0x156: {  	s22 =	sld [smem:$0x7FB]  }
0x157: {  	[sflag:s9] =	ssyncset.done $0x0  }
0x158: {  	[sflag:s9] =	ssyncadd.s32 $0xFFFFF000  }
0x159: {  	[tilespmem:s6], [sflag:$0x1] =	stream.indirect.gather [hbm4b:s22+s5], $0x1, s3, s5, $0xb8;
	[tilespmem:$0x5000] =	vst v63  }
0x15a: {  	_ =	swait.ge [sflag:s10], $0x1000  }
0x15b: {  	s24 =	sld [smem:$0x7FC]  }
0x15c: {  	[sflag:s10] =	ssyncset.done $0x0  }
0x15d: {  	s26 =	sld [smem:$0x7FD];
	[sflag:s10] =	ssyncadd.s32 $0xFFFFF000  }
0x15e: {  	[hbm4b:s24+s3] =	stream.linear.scatter [tilespmem:s7], [sflag:$0x3], $0x1000, $0x38;
	[tilespmem:$0x5000] =	vst v63  }
0x15f: {  	_ = 	snop  }
0x160: {  	[tilespmem:s5], [sflag:$0x4] =	stream.linear.gather [hbm4b:s26+s3], $0x1000, $0x38;
	[tilespmem:$0x5000] =	vst v63  }
0x161: {  	_ =	swait.ge [sflag:s4], $0x1000  }
0x162: {  	[sflag:s4] =	ssyncset.done $0x0  }
0x163: {  	[sflag:s4] =	ssyncadd.s32 $0xFFFFF000  }
0x164: {  	_ =	swait.ge [sflag:s9], $0x1000  }
0x165: {  	[sflag:s9] =	ssyncset.done $0x0  }
0x166: {  	s11 =	sadd.s32 $0x11F2C00, s23;
	[sflag:s9] =	ssyncadd.s32 $0xFFFFF000  }
0x167: {  	[tilespmem:s7], [sflag:$0x2] =	stream.indirect.gather [hbm4b:s11+s5], $0x1, s5, s5, $0xb8;
	[tilespmem:$0x5000] =	vst v63  }
0x168: {  	_ =	swait.ge [sflag:s8], $0x1000  }
0x169: {  	[sflag:s8] =	ssyncset.done $0x0  }
0x16a: {  	s12 =	sadd.s32 $0x52200, s31;
	[sflag:s8] =	ssyncadd.s32 $0xFFFFF000  }
0x16b: {  	[hbm4b:s12+s3] =	stream.linear.scatter [tilespmem:s6], [sflag:$0x3], $0x1000, $0x38;
	[tilespmem:$0x5000] =	vst v63  }
0x16c: {  	s13 =	sadd.s32 $0x2C00, s0  }
0x16d: {  	[tilespmem:s3], [sflag:$0x4] =	stream.linear.gather [hbm4b:s13+s3], $0x1000, $0x38;
	[tilespmem:$0x5000] =	vst v63  }
0x16e: {  	_ =	swait.ge [sflag:s4], $0x1000  }
0x16f: {  	[sflag:s4] =	ssyncset.done $0x0  }
0x170: {  	[sflag:s4] =	ssyncadd.s32 $0xFFFFF000  }
0x171: {  	_ =	swait.ge [sflag:s9], $0x1000  }
0x172: {  	[sflag:s9] =	ssyncset.done $0x0  }
0x173: {  	s14 =	sadd.s32 $0x1254800, s23;
	[sflag:s9] =	ssyncadd.s32 $0xFFFFF000  }
0x174: {  	[tilespmem:s6], [sflag:$0x1] =	stream.indirect.gather [hbm4b:s14+s5], $0x1, s3, s5, $0xb8;
	[tilespmem:$0x5000] =	vst v63  }
0x175: {  	_ =	swait.ge [sflag:s10], $0x1000  }
0x176: {  	[sflag:s10] =	ssyncset.done $0x0  }
0x177: {  	s15 =	sadd.s32 $0x56200, s31;
	[sflag:s10] =	ssyncadd.s32 $0xFFFFF000  }
0x178: {  	[hbm4b:s15+s3] =	stream.linear.scatter [tilespmem:s7], [sflag:$0x3], $0x1000, $0x38;
	[tilespmem:$0x5000] =	vst v63  }
0x179: {  	s16 =	sadd.s32 $0x2E00, s0  }
0x17a: {  	[tilespmem:s5], [sflag:$0x4] =	stream.linear.gather [hbm4b:s16+s3], $0x1000, $0x38;
	[tilespmem:$0x5000] =	vst v63  }
0x17b: {  	_ =	swait.ge [sflag:s4], $0x1000  }
0x17c: {  	[sflag:s4] =	ssyncset.done $0x0  }
0x17d: {  	[sflag:s4] =	ssyncadd.s32 $0xFFFFF000  }
0x17e: {  	_ =	swait.ge [sflag:s9], $0x1000  }
0x17f: {  	[sflag:s9] =	ssyncset.done $0x0  }
0x180: {  	s17 =	sadd.s32 $0x12B6400, s23;
	[sflag:s9] =	ssyncadd.s32 $0xFFFFF000  }
0x181: {  	[tilespmem:s7], [sflag:$0x2] =	stream.indirect.gather [hbm4b:s17+s5], $0x1, s5, s5, $0xb8;
	[tilespmem:$0x5000] =	vst v63  }
0x182: {  	_ =	swait.ge [sflag:s8], $0x1000  }
0x183: {  	[sflag:s8] =	ssyncset.done $0x0  }
0x184: {  	s18 =	sadd.s32 $0x5A200, s31;
	[sflag:s8] =	ssyncadd.s32 $0xFFFFF000  }
0x185: {  	[hbm4b:s18+s3] =	stream.linear.scatter [tilespmem:s6], [sflag:$0x3], $0x1000, $0x38;
	[tilespmem:$0x5000] =	vst v63  }
0x186: {  	s19 =	sadd.s32 $0x3000, s0  }
0x187: {  	[tilespmem:s3], [sflag:$0x4] =	stream.linear.gather [hbm4b:s19+s3], $0x1000, $0x38;
	[tilespmem:$0x5000] =	vst v63  }
0x188: {  	_ =	swait.ge [sflag:s4], $0x1000  }
0x189: {  	[sflag:s4] =	ssyncset.done $0x0  }
0x18a: {  	[sflag:s4] =	ssyncadd.s32 $0xFFFFF000  }
0x18b: {  	_ =	swait.ge [sflag:s9], $0x1000  }
0x18c: {  	[sflag:s9] =	ssyncset.done $0x0  }
0x18d: {  	s20 =	sadd.s32 $0x1318000, s23;
	[sflag:s9] =	ssyncadd.s32 $0xFFFFF000  }
0x18e: {  	[tilespmem:s6], [sflag:$0x1] =	stream.indirect.gather [hbm4b:s20+s5], $0x1, s3, s5, $0xb8;
	[tilespmem:$0x5000] =	vst v63  }
0x18f: {  	_ =	swait.ge [sflag:s10], $0x1000  }
0x190: {  	[sflag:s10] =	ssyncset.done $0x0  }
0x191: {  	s21 =	sadd.s32 $0x5E200, s31;
	[sflag:s10] =	ssyncadd.s32 $0xFFFFF000  }
0x192: {  	[hbm4b:s21+s3] =	stream.linear.scatter [tilespmem:s7], [sflag:$0x3], $0x1000, $0x38;
	[tilespmem:$0x5000] =	vst v63  }
0x193: {  	s22 =	sadd.s32 $0x3200, s0  }
0x194: {  	[tilespmem:s5], [sflag:$0x4] =	stream.linear.gather [hbm4b:s22+s3], $0x1000, $0x38;
	[tilespmem:$0x5000] =	vst v63  }
0x195: {  	_ =	swait.ge [sflag:s4], $0x1000  }
0x196: {  	[sflag:s4] =	ssyncset.done $0x0  }
0x197: {  	[sflag:s4] =	ssyncadd.s32 $0xFFFFF000  }
0x198: {  	_ =	swait.ge [sflag:s9], $0x1000  }
0x199: {  	[sflag:s9] =	ssyncset.done $0x0  }
0x19a: {  	s23 =	sadd.s32 $0x1379C00, s23;
	[sflag:s9] =	ssyncadd.s32 $0xFFFFF000  }
0x19b: {  	[tilespmem:s7], [sflag:$0x2] =	stream.indirect.gather [hbm4b:s23+s5], $0x1, s5, s5, $0xb8;
	[tilespmem:$0x5000] =	vst v63  }
0x19c: {  	_ =	swait.ge [sflag:s8], $0x1000  }
0x19d: {  	[sflag:s8] =	ssyncset.done $0x0  }
0x19e: {  	s24 =	sadd.s32 $0x62200, s31;
	[sflag:s8] =	ssyncadd.s32 $0xFFFFF000  }
0x19f: {  	[hbm4b:s24+s3] =	stream.linear.scatter [tilespmem:s6], [sflag:$0x3], $0x1000, $0x38;
	[tilespmem:$0x5000] =	vst v63  }
0x1a0: {  	_ =	swait.ge [sflag:s10], $0x1000  }
0x1a1: {  	p0 =	sgt.u32 s25, $0xC;
	[sflag:s10] =	ssyncset.done $0x0  }
0x1a2: {  	s28 =	simm.s32 @!p0 $0x0;
	s25 =	sadd.s32 $0x66200, s31;
	[sflag:s10] =	ssyncadd.s32 $0xFFFFF000  }
0x1a3: {  	[hbm4b:s25+s3] =	stream.linear.scatter [tilespmem:s7], [sflag:$0x3], $0x1000, $0x38;
	[tilespmem:$0x5000] =	vst v63  }
0x1a4: {  	s29 =	simm.s32 @!p0 $0x4000;
	s30 =	simm.s32 @!p0 $0x4;
	s26 =	sadd.s32 $0x800, s31  }
0x1a5: {  	[tilespmem:s29], [sflag:$0x4] =	stream.linear.gather @!p0 [hbm4b:s26+s28], $0x1000, $0x38;
	[tilespmem:$0x5000] =	vst v63  }
0x1a6: {  	s1 =	ssub.s32 $0x2, s1;
	_ =	swait.ge @!p0 [sflag:s30], $0x1000  }
0x1a7: {  	s2 =	sshrl.u32 s1, $0x1;
	[sflag:s30] =	ssyncset.done @!p0 $0x0  }
0x1a8: {  	s0 =	ssub.s32 s1, s2;
	s31 =	sadd.s32 $0x6A200, s31;
	[sflag:s30] =	ssyncadd.s32 @!p0 $0xFFFFF000  }
0x1a9: {  	[hbm4b:s31+s28] =	stream.linear.scatter @!p0 [tilespmem:s29], [sflag:$0x4], $0x1000, $0x38;
	[tilespmem:$0x5000] =	vst v63  }
0x1aa: {  	s0 =	smax.u32 s0, $0x1;
	_ =	swait.ge @!p0 [sflag:s30], $0x1000  }
0x1ab: {  	s1 =	sadd.s32 $0xFFFFFFFF, s0;
	[sflag:s30] =	ssyncset.done @!p0 $0x0  }
0x1ac: {  	p1 =	sne.s32 s1, $0x0;
	[sflag:s30] =	ssyncadd.s32 @!p0 $0xFFFFF000  }
.Ltmp0:
0x1ad: {  	_ =	swait.ge [sflag:s9], $0x1000;
	(pc) =	sbr.rel @!p1 .LBB2_2-.Ltmp0, $4  }
0x1ae: {  	[sflag:s9] =	ssyncset.done $0x0  }
0x1af: {  	[sflag:s9] =	ssyncadd.s32 $0xFFFFF000  }
0x1b0: {  	_ =	swait.ge [sflag:s9], $0x1000  }
0x1b1: {  	[sflag:s9] =	ssyncset.done $0x0  }
.LBB2_1:
0x1b2: {  	[sflag:s9] =	ssyncadd.s32 $0xFFFFF000  }
0x1b3: {  	s0 =	rddreg [dreg:$0x0]  }
0x1b4: {  	[tilespmem:s3], [sflag:$0x4] =	stream.linear.gather [hbm4b:s0+s3], $0x1000, $0x38;
	[tilespmem:$0x5000] =	vst v63  }
0x1b5: {  	_ =	swait.ge [sflag:s4], $0x1000  }
0x1b6: {  	[sflag:s4] =	ssyncset.done $0x0  }
0x1b7: {  	s0 =	rddreg [dreg:$0x3];
	[sflag:s4] =	ssyncadd.s32 $0xFFFFF000  }
0x1b8: {  	[tilespmem:s6], [sflag:$0x1] =	stream.indirect.gather [hbm4b:s0+s5], $0x1, s3, s5, $0xb8;
	[tilespmem:$0x5000] =	vst v63  }
0x1b9: {  	s2 =	rddreg [dreg:$0x4]  }
0x1ba: {  	[tilespmem:s5], [sflag:$0x4] =	stream.linear.gather [hbm4b:s2+s3], $0x1000, $0x38;
	[tilespmem:$0x5000] =	vst v63  }
0x1bb: {  	_ =	swait.ge [sflag:s4], $0x1000  }
0x1bc: {  	[sflag:s4] =	ssyncset.done $0x0  }
0x1bd: {  	s2 =	rddreg [dreg:$0x5];
	[sflag:s4] =	ssyncadd.s32 $0xFFFFF000  }
0x1be: {  	[tilespmem:s7], [sflag:$0x2] =	stream.indirect.gather [hbm4b:s2+s5], $0x1, s5, s5, $0xb8;
	[tilespmem:$0x5000] =	vst v63  }
0x1bf: {  	_ =	swait.ge [sflag:s8], $0x1000  }
0x1c0: {  	[sflag:s8] =	ssyncset.done $0x0  }
0x1c1: {  	s0 =	rddreg [dreg:$0x6];
	[sflag:s8] =	ssyncadd.s32 $0xFFFFF000  }
0x1c2: {  	[hbm4b:s0+s3] =	stream.linear.scatter [tilespmem:s6], [sflag:$0x3], $0x1000, $0x38;
	[tilespmem:$0x5000] =	vst v63  }
0x1c3: {  	s2 =	rddreg [dreg:$0x7]  }
0x1c4: {  	[tilespmem:s3], [sflag:$0x4] =	stream.linear.gather [hbm4b:s2+s3], $0x1000, $0x38;
	[tilespmem:$0x5000] =	vst v63  }
0x1c5: {  	_ =	swait.ge [sflag:s4], $0x1000  }
0x1c6: {  	[sflag:s4] =	ssyncset.done $0x0  }
0x1c7: {  	[sflag:s4] =	ssyncadd.s32 $0xFFFFF000  }
0x1c8: {  	_ =	swait.ge [sflag:s9], $0x1000  }
0x1c9: {  	[sflag:s9] =	ssyncset.done $0x0  }
0x1ca: {  	s2 =	rddreg [dreg:$0x8];
	[sflag:s9] =	ssyncadd.s32 $0xFFFFF000  }
0x1cb: {  	[tilespmem:s6], [sflag:$0x1] =	stream.indirect.gather [hbm4b:s2+s5], $0x1, s3, s5, $0xb8;
	[tilespmem:$0x5000] =	vst v63  }
0x1cc: {  	_ =	swait.ge [sflag:s10], $0x1000  }
0x1cd: {  	[sflag:s10] =	ssyncset.done $0x0  }
0x1ce: {  	s0 =	rddreg [dreg:$0x9];
	[sflag:s10] =	ssyncadd.s32 $0xFFFFF000  }
0x1cf: {  	[hbm4b:s0+s3] =	stream.linear.scatter [tilespmem:s7], [sflag:$0x3], $0x1000, $0x38;
	[tilespmem:$0x5000] =	vst v63  }
0x1d0: {  	s2 =	rddreg [dreg:$0xa]  }
0x1d1: {  	[tilespmem:s5], [sflag:$0x4] =	stream.linear.gather [hbm4b:s2+s3], $0x1000, $0x38;
	[tilespmem:$0x5000] =	vst v63  }
0x1d2: {  	_ =	swait.ge [sflag:s4], $0x1000  }
0x1d3: {  	[sflag:s4] =	ssyncset.done $0x0  }
0x1d4: {  	[sflag:s4] =	ssyncadd.s32 $0xFFFFF000  }
0x1d5: {  	_ =	swait.ge [sflag:s9], $0x1000  }
0x1d6: {  	[sflag:s9] =	ssyncset.done $0x0  }
0x1d7: {  	s2 =	rddreg [dreg:$0xb];
	[sflag:s9] =	ssyncadd.s32 $0xFFFFF000  }
0x1d8: {  	[tilespmem:s7], [sflag:$0x2] =	stream.indirect.gather [hbm4b:s2+s5], $0x1, s5, s5, $0xb8;
	[tilespmem:$0x5000] =	vst v63  }
0x1d9: {  	_ =	swait.ge [sflag:s8], $0x1000  }
0x1da: {  	[sflag:s8] =	ssyncset.done $0x0  }
0x1db: {  	s0 =	rddreg [dreg:$0xc];
	[sflag:s8] =	ssyncadd.s32 $0xFFFFF000  }
0x1dc: {  	[hbm4b:s0+s3] =	stream.linear.scatter [tilespmem:s6], [sflag:$0x3], $0x1000, $0x38;
	[tilespmem:$0x5000] =	vst v63  }
0x1dd: {  	s2 =	rddreg [dreg:$0xd]  }
0x1de: {  	[tilespmem:s3], [sflag:$0x4] =	stream.linear.gather [hbm4b:s2+s3], $0x1000, $0x38;
	[tilespmem:$0x5000] =	vst v63  }
0x1df: {  	_ =	swait.ge [sflag:s4], $0x1000  }
0x1e0: {  	[sflag:s4] =	ssyncset.done $0x0  }
0x1e1: {  	[sflag:s4] =	ssyncadd.s32 $0xFFFFF000  }
0x1e2: {  	_ =	swait.ge [sflag:s9], $0x1000  }
0x1e3: {  	[sflag:s9] =	ssyncset.done $0x0  }
0x1e4: {  	s2 =	rddreg [dreg:$0xe];
	[sflag:s9] =	ssyncadd.s32 $0xFFFFF000  }
0x1e5: {  	[tilespmem:s6], [sflag:$0x1] =	stream.indirect.gather [hbm4b:s2+s5], $0x1, s3, s5, $0xb8;
	[tilespmem:$0x5000] =	vst v63  }
0x1e6: {  	_ =	swait.ge [sflag:s10], $0x1000  }
0x1e7: {  	[sflag:s10] =	ssyncset.done $0x0  }
0x1e8: {  	s0 =	rddreg [dreg:$0xf];
	[sflag:s10] =	ssyncadd.s32 $0xFFFFF000  }
0x1e9: {  	[hbm4b:s0+s3] =	stream.linear.scatter [tilespmem:s7], [sflag:$0x3], $0x1000, $0x38;
	[tilespmem:$0x5000] =	vst v63  }
0x1ea: {  	s2 =	rddreg [dreg:$0x10]  }
0x1eb: {  	[tilespmem:s5], [sflag:$0x4] =	stream.linear.gather [hbm4b:s2+s3], $0x1000, $0x38;
	[tilespmem:$0x5000] =	vst v63  }
0x1ec: {  	_ =	swait.ge [sflag:s4], $0x1000  }
0x1ed: {  	[sflag:s4] =	ssyncset.done $0x0  }
0x1ee: {  	[sflag:s4] =	ssyncadd.s32 $0xFFFFF000  }
0x1ef: {  	_ =	swait.ge [sflag:s9], $0x1000  }
0x1f0: {  	[sflag:s9] =	ssyncset.done $0x0  }
0x1f1: {  	s2 =	rddreg [dreg:$0x11];
	[sflag:s9] =	ssyncadd.s32 $0xFFFFF000  }
0x1f2: {  	[tilespmem:s7], [sflag:$0x2] =	stream.indirect.gather [hbm4b:s2+s5], $0x1, s5, s5, $0xb8;
	[tilespmem:$0x5000] =	vst v63  }
0x1f3: {  	_ =	swait.ge [sflag:s8], $0x1000  }
0x1f4: {  	[sflag:s8] =	ssyncset.done $0x0  }
0x1f5: {  	s0 =	rddreg [dreg:$0x12];
	[sflag:s8] =	ssyncadd.s32 $0xFFFFF000  }
0x1f6: {  	[hbm4b:s0+s3] =	stream.linear.scatter [tilespmem:s6], [sflag:$0x3], $0x1000, $0x38;
	[tilespmem:$0x5000] =	vst v63  }
0x1f7: {  	s2 =	rddreg [dreg:$0x13]  }
0x1f8: {  	[tilespmem:s3], [sflag:$0x4] =	stream.linear.gather [hbm4b:s2+s3], $0x1000, $0x38;
	[tilespmem:$0x5000] =	vst v63  }
0x1f9: {  	_ =	swait.ge [sflag:s4], $0x1000  }
0x1fa: {  	[sflag:s4] =	ssyncset.done $0x0  }
0x1fb: {  	[sflag:s4] =	ssyncadd.s32 $0xFFFFF000  }
0x1fc: {  	_ =	swait.ge [sflag:s9], $0x1000  }
0x1fd: {  	[sflag:s9] =	ssyncset.done $0x0  }
0x1fe: {  	s2 =	rddreg [dreg:$0x14];
	[sflag:s9] =	ssyncadd.s32 $0xFFFFF000  }
0x1ff: {  	[tilespmem:s6], [sflag:$0x1] =	stream.indirect.gather [hbm4b:s2+s5], $0x1, s3, s5, $0xb8;
	[tilespmem:$0x5000] =	vst v63  }
0x200: {  	_ =	swait.ge [sflag:s10], $0x1000  }
0x201: {  	[sflag:s10] =	ssyncset.done $0x0  }
0x202: {  	s0 =	rddreg [dreg:$0x15];
	[sflag:s10] =	ssyncadd.s32 $0xFFFFF000  }
0x203: {  	[hbm4b:s0+s3] =	stream.linear.scatter [tilespmem:s7], [sflag:$0x3], $0x1000, $0x38;
	[tilespmem:$0x5000] =	vst v63  }
0x204: {  	s2 =	rddreg [dreg:$0x16]  }
0x205: {  	[tilespmem:s5], [sflag:$0x4] =	stream.linear.gather [hbm4b:s2+s3], $0x1000, $0x38;
	[tilespmem:$0x5000] =	vst v63  }
0x206: {  	_ =	swait.ge [sflag:s4], $0x1000  }
0x207: {  	[sflag:s4] =	ssyncset.done $0x0  }
0x208: {  	[sflag:s4] =	ssyncadd.s32 $0xFFFFF000  }
0x209: {  	_ =	swait.ge [sflag:s9], $0x1000  }
0x20a: {  	[sflag:s9] =	ssyncset.done $0x0  }
0x20b: {  	s2 =	rddreg [dreg:$0x17];
	[sflag:s9] =	ssyncadd.s32 $0xFFFFF000  }
0x20c: {  	[tilespmem:s7], [sflag:$0x2] =	stream.indirect.gather [hbm4b:s2+s5], $0x1, s5, s5, $0xb8;
	[tilespmem:$0x5000] =	vst v63  }
0x20d: {  	_ =	swait.ge [sflag:s8], $0x1000  }
0x20e: {  	[sflag:s8] =	ssyncset.done $0x0  }
0x20f: {  	s0 =	rddreg [dreg:$0x18];
	[sflag:s8] =	ssyncadd.s32 $0xFFFFF000  }
0x210: {  	[hbm4b:s0+s3] =	stream.linear.scatter [tilespmem:s6], [sflag:$0x3], $0x1000, $0x38;
	[tilespmem:$0x5000] =	vst v63  }
0x211: {  	s2 =	rddreg [dreg:$0x19]  }
0x212: {  	[tilespmem:s3], [sflag:$0x4] =	stream.linear.gather [hbm4b:s2+s3], $0x1000, $0x38;
	[tilespmem:$0x5000] =	vst v63  }
0x213: {  	_ =	swait.ge [sflag:s4], $0x1000  }
0x214: {  	[sflag:s4] =	ssyncset.done $0x0  }
0x215: {  	[sflag:s4] =	ssyncadd.s32 $0xFFFFF000  }
0x216: {  	_ =	swait.ge [sflag:s9], $0x1000  }
0x217: {  	[sflag:s9] =	ssyncset.done $0x0  }
0x218: {  	s2 =	rddreg [dreg:$0x1a];
	[sflag:s9] =	ssyncadd.s32 $0xFFFFF000  }
0x219: {  	[tilespmem:s6], [sflag:$0x1] =	stream.indirect.gather [hbm4b:s2+s5], $0x1, s3, s5, $0xb8;
	[tilespmem:$0x5000] =	vst v63  }
0x21a: {  	_ =	swait.ge [sflag:s10], $0x1000  }
0x21b: {  	[sflag:s10] =	ssyncset.done $0x0  }
0x21c: {  	s0 =	rddreg [dreg:$0x1b];
	[sflag:s10] =	ssyncadd.s32 $0xFFFFF000  }
0x21d: {  	[hbm4b:s0+s3] =	stream.linear.scatter [tilespmem:s7], [sflag:$0x3], $0x1000, $0x38;
	[tilespmem:$0x5000] =	vst v63  }
0x21e: {  	s2 =	rddreg [dreg:$0x1c]  }
0x21f: {  	[tilespmem:s5], [sflag:$0x4] =	stream.linear.gather [hbm4b:s2+s3], $0x1000, $0x38;
	[tilespmem:$0x5000] =	vst v63  }
0x220: {  	_ =	swait.ge [sflag:s4], $0x1000  }
0x221: {  	[sflag:s4] =	ssyncset.done $0x0  }
0x222: {  	[sflag:s4] =	ssyncadd.s32 $0xFFFFF000  }
0x223: {  	_ =	swait.ge [sflag:s9], $0x1000  }
0x224: {  	[sflag:s9] =	ssyncset.done $0x0  }
0x225: {  	s2 =	rddreg [dreg:$0x1d];
	[sflag:s9] =	ssyncadd.s32 $0xFFFFF000  }
0x226: {  	[tilespmem:s7], [sflag:$0x2] =	stream.indirect.gather [hbm4b:s2+s5], $0x1, s5, s5, $0xb8;
	[tilespmem:$0x5000] =	vst v63  }
0x227: {  	_ =	swait.ge [sflag:s8], $0x1000  }
0x228: {  	[sflag:s8] =	ssyncset.done $0x0  }
0x229: {  	s0 =	rddreg [dreg:$0x1e];
	[sflag:s8] =	ssyncadd.s32 $0xFFFFF000  }
0x22a: {  	[hbm4b:s0+s3] =	stream.linear.scatter [tilespmem:s6], [sflag:$0x3], $0x1000, $0x38;
	[tilespmem:$0x5000] =	vst v63  }
0x22b: {  	s2 =	rddreg [dreg:$0x1f]  }
0x22c: {  	[tilespmem:s3], [sflag:$0x4] =	stream.linear.gather [hbm4b:s2+s3], $0x1000, $0x38;
	[tilespmem:$0x5000] =	vst v63  }
0x22d: {  	_ =	swait.ge [sflag:s4], $0x1000  }
0x22e: {  	[sflag:s4] =	ssyncset.done $0x0  }
0x22f: {  	[sflag:s4] =	ssyncadd.s32 $0xFFFFF000  }
0x230: {  	_ =	swait.ge [sflag:s9], $0x1000  }
0x231: {  	s2 =	sld [smem:$0x7DD]  }
0x232: {  	[sflag:s9] =	ssyncset.done $0x0  }
0x233: {  	[sflag:s9] =	ssyncadd.s32 $0xFFFFF000  }
0x234: {  	[tilespmem:s6], [sflag:$0x1] =	stream.indirect.gather [hbm4b:s2+s5], $0x1, s3, s5, $0xb8;
	[tilespmem:$0x5000] =	vst v63  }
0x235: {  	_ =	swait.ge [sflag:s10], $0x1000  }
0x236: {  	s0 =	sld [smem:$0x7DE]  }
0x237: {  	[sflag:s10] =	ssyncset.done $0x0  }
0x238: {  	s2 =	sld [smem:$0x7DF];
	[sflag:s10] =	ssyncadd.s32 $0xFFFFF000  }
0x239: {  	[hbm4b:s0+s3] =	stream.linear.scatter [tilespmem:s7], [sflag:$0x3], $0x1000, $0x38;
	[tilespmem:$0x5000] =	vst v63  }
0x23a: {  	_ = 	snop  }
0x23b: {  	[tilespmem:s5], [sflag:$0x4] =	stream.linear.gather [hbm4b:s2+s3], $0x1000, $0x38;
	[tilespmem:$0x5000] =	vst v63  }
0x23c: {  	_ =	swait.ge [sflag:s4], $0x1000  }
0x23d: {  	[sflag:s4] =	ssyncset.done $0x0  }
0x23e: {  	[sflag:s4] =	ssyncadd.s32 $0xFFFFF000  }
0x23f: {  	_ =	swait.ge [sflag:s9], $0x1000  }
0x240: {  	s2 =	sld [smem:$0x7E0]  }
0x241: {  	[sflag:s9] =	ssyncset.done $0x0  }
0x242: {  	[sflag:s9] =	ssyncadd.s32 $0xFFFFF000  }
0x243: {  	[tilespmem:s7], [sflag:$0x2] =	stream.indirect.gather [hbm4b:s2+s5], $0x1, s5, s5, $0xb8;
	[tilespmem:$0x5000] =	vst v63  }
0x244: {  	_ =	swait.ge [sflag:s8], $0x1000  }
0x245: {  	s0 =	sld [smem:$0x7E1]  }
0x246: {  	[sflag:s8] =	ssyncset.done $0x0  }
0x247: {  	s2 =	sld [smem:$0x7E2];
	[sflag:s8] =	ssyncadd.s32 $0xFFFFF000  }
0x248: {  	[hbm4b:s0+s3] =	stream.linear.scatter [tilespmem:s6], [sflag:$0x3], $0x1000, $0x38;
	[tilespmem:$0x5000] =	vst v63  }
0x249: {  	_ = 	snop  }
0x24a: {  	[tilespmem:s3], [sflag:$0x4] =	stream.linear.gather [hbm4b:s2+s3], $0x1000, $0x38;
	[tilespmem:$0x5000] =	vst v63  }
0x24b: {  	_ =	swait.ge [sflag:s4], $0x1000  }
0x24c: {  	[sflag:s4] =	ssyncset.done $0x0  }
0x24d: {  	[sflag:s4] =	ssyncadd.s32 $0xFFFFF000  }
0x24e: {  	_ =	swait.ge [sflag:s9], $0x1000  }
0x24f: {  	s2 =	sld [smem:$0x7E3]  }
0x250: {  	[sflag:s9] =	ssyncset.done $0x0  }
0x251: {  	[sflag:s9] =	ssyncadd.s32 $0xFFFFF000  }
0x252: {  	[tilespmem:s6], [sflag:$0x1] =	stream.indirect.gather [hbm4b:s2+s5], $0x1, s3, s5, $0xb8;
	[tilespmem:$0x5000] =	vst v63  }
0x253: {  	_ =	swait.ge [sflag:s10], $0x1000  }
0x254: {  	s0 =	sld [smem:$0x7E4]  }
0x255: {  	[sflag:s10] =	ssyncset.done $0x0  }
0x256: {  	s2 =	sld [smem:$0x7E5];
	[sflag:s10] =	ssyncadd.s32 $0xFFFFF000  }
0x257: {  	[hbm4b:s0+s3] =	stream.linear.scatter [tilespmem:s7], [sflag:$0x3], $0x1000, $0x38;
	[tilespmem:$0x5000] =	vst v63  }
0x258: {  	_ = 	snop  }
0x259: {  	[tilespmem:s5], [sflag:$0x4] =	stream.linear.gather [hbm4b:s2+s3], $0x1000, $0x38;
	[tilespmem:$0x5000] =	vst v63  }
0x25a: {  	_ =	swait.ge [sflag:s4], $0x1000  }
0x25b: {  	[sflag:s4] =	ssyncset.done $0x0  }
0x25c: {  	[sflag:s4] =	ssyncadd.s32 $0xFFFFF000  }
0x25d: {  	_ =	swait.ge [sflag:s9], $0x1000  }
0x25e: {  	s2 =	sld [smem:$0x7E6]  }
0x25f: {  	[sflag:s9] =	ssyncset.done $0x0  }
0x260: {  	[sflag:s9] =	ssyncadd.s32 $0xFFFFF000  }
0x261: {  	[tilespmem:s7], [sflag:$0x2] =	stream.indirect.gather [hbm4b:s2+s5], $0x1, s5, s5, $0xb8;
	[tilespmem:$0x5000] =	vst v63  }
0x262: {  	_ =	swait.ge [sflag:s8], $0x1000  }
0x263: {  	s0 =	sld [smem:$0x7E7]  }
0x264: {  	[sflag:s8] =	ssyncset.done $0x0  }
0x265: {  	s2 =	sld [smem:$0x7E8];
	[sflag:s8] =	ssyncadd.s32 $0xFFFFF000  }
0x266: {  	[hbm4b:s0+s3] =	stream.linear.scatter [tilespmem:s6], [sflag:$0x3], $0x1000, $0x38;
	[tilespmem:$0x5000] =	vst v63  }
0x267: {  	_ = 	snop  }
0x268: {  	[tilespmem:s3], [sflag:$0x4] =	stream.linear.gather [hbm4b:s2+s3], $0x1000, $0x38;
	[tilespmem:$0x5000] =	vst v63  }
0x269: {  	_ =	swait.ge [sflag:s4], $0x1000  }
0x26a: {  	[sflag:s4] =	ssyncset.done $0x0  }
0x26b: {  	[sflag:s4] =	ssyncadd.s32 $0xFFFFF000  }
0x26c: {  	_ =	swait.ge [sflag:s9], $0x1000  }
0x26d: {  	s2 =	sld [smem:$0x7E9]  }
0x26e: {  	[sflag:s9] =	ssyncset.done $0x0  }
0x26f: {  	[sflag:s9] =	ssyncadd.s32 $0xFFFFF000  }
0x270: {  	[tilespmem:s6], [sflag:$0x1] =	stream.indirect.gather [hbm4b:s2+s5], $0x1, s3, s5, $0xb8;
	[tilespmem:$0x5000] =	vst v63  }
0x271: {  	_ =	swait.ge [sflag:s10], $0x1000  }
0x272: {  	s0 =	sld [smem:$0x7EA]  }
0x273: {  	[sflag:s10] =	ssyncset.done $0x0  }
0x274: {  	s2 =	sld [smem:$0x7EB];
	[sflag:s10] =	ssyncadd.s32 $0xFFFFF000  }
0x275: {  	[hbm4b:s0+s3] =	stream.linear.scatter [tilespmem:s7], [sflag:$0x3], $0x1000, $0x38;
	[tilespmem:$0x5000] =	vst v63  }
0x276: {  	_ = 	snop  }
0x277: {  	[tilespmem:s5], [sflag:$0x4] =	stream.linear.gather [hbm4b:s2+s3], $0x1000, $0x38;
	[tilespmem:$0x5000] =	vst v63  }
0x278: {  	_ =	swait.ge [sflag:s4], $0x1000  }
0x279: {  	[sflag:s4] =	ssyncset.done $0x0  }
0x27a: {  	[sflag:s4] =	ssyncadd.s32 $0xFFFFF000  }
0x27b: {  	_ =	swait.ge [sflag:s9], $0x1000  }
0x27c: {  	s2 =	sld [smem:$0x7EC]  }
0x27d: {  	[sflag:s9] =	ssyncset.done $0x0  }
0x27e: {  	[sflag:s9] =	ssyncadd.s32 $0xFFFFF000  }
0x27f: {  	[tilespmem:s7], [sflag:$0x2] =	stream.indirect.gather [hbm4b:s2+s5], $0x1, s5, s5, $0xb8;
	[tilespmem:$0x5000] =	vst v63  }
0x280: {  	_ =	swait.ge [sflag:s8], $0x1000  }
0x281: {  	s0 =	sld [smem:$0x7ED]  }
0x282: {  	[sflag:s8] =	ssyncset.done $0x0  }
0x283: {  	s2 =	sld [smem:$0x7EE];
	[sflag:s8] =	ssyncadd.s32 $0xFFFFF000  }
0x284: {  	[hbm4b:s0+s3] =	stream.linear.scatter [tilespmem:s6], [sflag:$0x3], $0x1000, $0x38;
	[tilespmem:$0x5000] =	vst v63  }
0x285: {  	_ = 	snop  }
0x286: {  	[tilespmem:s3], [sflag:$0x4] =	stream.linear.gather [hbm4b:s2+s3], $0x1000, $0x38;
	[tilespmem:$0x5000] =	vst v63  }
0x287: {  	_ =	swait.ge [sflag:s4], $0x1000  }
0x288: {  	[sflag:s4] =	ssyncset.done $0x0  }
0x289: {  	[sflag:s4] =	ssyncadd.s32 $0xFFFFF000  }
0x28a: {  	_ =	swait.ge [sflag:s9], $0x1000  }
0x28b: {  	s2 =	sld [smem:$0x7EF]  }
0x28c: {  	[sflag:s9] =	ssyncset.done $0x0  }
0x28d: {  	[sflag:s9] =	ssyncadd.s32 $0xFFFFF000  }
0x28e: {  	[tilespmem:s6], [sflag:$0x1] =	stream.indirect.gather [hbm4b:s2+s5], $0x1, s3, s5, $0xb8;
	[tilespmem:$0x5000] =	vst v63  }
0x28f: {  	_ =	swait.ge [sflag:s10], $0x1000  }
0x290: {  	s0 =	sld [smem:$0x7F0]  }
0x291: {  	[sflag:s10] =	ssyncset.done $0x0  }
0x292: {  	s2 =	sld [smem:$0x7F1];
	[sflag:s10] =	ssyncadd.s32 $0xFFFFF000  }
0x293: {  	[hbm4b:s0+s3] =	stream.linear.scatter [tilespmem:s7], [sflag:$0x3], $0x1000, $0x38;
	[tilespmem:$0x5000] =	vst v63  }
0x294: {  	_ = 	snop  }
0x295: {  	[tilespmem:s5], [sflag:$0x4] =	stream.linear.gather [hbm4b:s2+s3], $0x1000, $0x38;
	[tilespmem:$0x5000] =	vst v63  }
0x296: {  	_ =	swait.ge [sflag:s4], $0x1000  }
0x297: {  	[sflag:s4] =	ssyncset.done $0x0  }
0x298: {  	[sflag:s4] =	ssyncadd.s32 $0xFFFFF000  }
0x299: {  	_ =	swait.ge [sflag:s9], $0x1000  }
0x29a: {  	s2 =	sld [smem:$0x7F2]  }
0x29b: {  	[sflag:s9] =	ssyncset.done $0x0  }
0x29c: {  	[sflag:s9] =	ssyncadd.s32 $0xFFFFF000  }
0x29d: {  	[tilespmem:s7], [sflag:$0x2] =	stream.indirect.gather [hbm4b:s2+s5], $0x1, s5, s5, $0xb8;
	[tilespmem:$0x5000] =	vst v63  }
0x29e: {  	_ =	swait.ge [sflag:s8], $0x1000  }
0x29f: {  	s0 =	sld [smem:$0x7F3]  }
0x2a0: {  	[sflag:s8] =	ssyncset.done $0x0  }
0x2a1: {  	s2 =	sld [smem:$0x7F4];
	[sflag:s8] =	ssyncadd.s32 $0xFFFFF000  }
0x2a2: {  	[hbm4b:s0+s3] =	stream.linear.scatter [tilespmem:s6], [sflag:$0x3], $0x1000, $0x38;
	[tilespmem:$0x5000] =	vst v63  }
0x2a3: {  	_ = 	snop  }
0x2a4: {  	[tilespmem:s3], [sflag:$0x4] =	stream.linear.gather [hbm4b:s2+s3], $0x1000, $0x38;
	[tilespmem:$0x5000] =	vst v63  }
0x2a5: {  	_ =	swait.ge [sflag:s4], $0x1000  }
0x2a6: {  	[sflag:s4] =	ssyncset.done $0x0  }
0x2a7: {  	[sflag:s4] =	ssyncadd.s32 $0xFFFFF000  }
0x2a8: {  	_ =	swait.ge [sflag:s9], $0x1000  }
0x2a9: {  	s2 =	sld [smem:$0x7F5]  }
0x2aa: {  	[sflag:s9] =	ssyncset.done $0x0  }
0x2ab: {  	[sflag:s9] =	ssyncadd.s32 $0xFFFFF000  }
0x2ac: {  	[tilespmem:s6], [sflag:$0x1] =	stream.indirect.gather [hbm4b:s2+s5], $0x1, s3, s5, $0xb8;
	[tilespmem:$0x5000] =	vst v63  }
0x2ad: {  	_ =	swait.ge [sflag:s10], $0x1000  }
0x2ae: {  	s0 =	sld [smem:$0x7F6]  }
0x2af: {  	[sflag:s10] =	ssyncset.done $0x0  }
0x2b0: {  	s2 =	sld [smem:$0x7F7];
	[sflag:s10] =	ssyncadd.s32 $0xFFFFF000  }
0x2b1: {  	[hbm4b:s0+s3] =	stream.linear.scatter [tilespmem:s7], [sflag:$0x3], $0x1000, $0x38;
	[tilespmem:$0x5000] =	vst v63  }
0x2b2: {  	_ = 	snop  }
0x2b3: {  	[tilespmem:s5], [sflag:$0x4] =	stream.linear.gather [hbm4b:s2+s3], $0x1000, $0x38;
	[tilespmem:$0x5000] =	vst v63  }
0x2b4: {  	_ =	swait.ge [sflag:s4], $0x1000  }
0x2b5: {  	[sflag:s4] =	ssyncset.done $0x0  }
0x2b6: {  	[sflag:s4] =	ssyncadd.s32 $0xFFFFF000  }
0x2b7: {  	_ =	swait.ge [sflag:s9], $0x1000  }
0x2b8: {  	s2 =	sld [smem:$0x7F8]  }
0x2b9: {  	[sflag:s9] =	ssyncset.done $0x0  }
0x2ba: {  	[sflag:s9] =	ssyncadd.s32 $0xFFFFF000  }
0x2bb: {  	[tilespmem:s7], [sflag:$0x2] =	stream.indirect.gather [hbm4b:s2+s5], $0x1, s5, s5, $0xb8;
	[tilespmem:$0x5000] =	vst v63  }
0x2bc: {  	_ =	swait.ge [sflag:s8], $0x1000  }
0x2bd: {  	s0 =	sld [smem:$0x7F9]  }
0x2be: {  	[sflag:s8] =	ssyncset.done $0x0  }
0x2bf: {  	s2 =	sld [smem:$0x7FA];
	[sflag:s8] =	ssyncadd.s32 $0xFFFFF000  }
0x2c0: {  	[hbm4b:s0+s3] =	stream.linear.scatter [tilespmem:s6], [sflag:$0x3], $0x1000, $0x38;
	[tilespmem:$0x5000] =	vst v63  }
0x2c1: {  	_ = 	snop  }
0x2c2: {  	[tilespmem:s3], [sflag:$0x4] =	stream.linear.gather [hbm4b:s2+s3], $0x1000, $0x38;
	[tilespmem:$0x5000] =	vst v63  }
0x2c3: {  	_ =	swait.ge [sflag:s4], $0x1000  }
0x2c4: {  	[sflag:s4] =	ssyncset.done $0x0  }
0x2c5: {  	[sflag:s4] =	ssyncadd.s32 $0xFFFFF000  }
0x2c6: {  	_ =	swait.ge [sflag:s9], $0x1000  }
0x2c7: {  	s2 =	sld [smem:$0x7FB]  }
0x2c8: {  	[sflag:s9] =	ssyncset.done $0x0  }
0x2c9: {  	[sflag:s9] =	ssyncadd.s32 $0xFFFFF000  }
0x2ca: {  	[tilespmem:s6], [sflag:$0x1] =	stream.indirect.gather [hbm4b:s2+s5], $0x1, s3, s5, $0xb8;
	[tilespmem:$0x5000] =	vst v63  }
0x2cb: {  	_ =	swait.ge [sflag:s10], $0x1000  }
0x2cc: {  	s0 =	sld [smem:$0x7FC]  }
0x2cd: {  	[sflag:s10] =	ssyncset.done $0x0  }
0x2ce: {  	s2 =	sld [smem:$0x7FD];
	[sflag:s10] =	ssyncadd.s32 $0xFFFFF000  }
0x2cf: {  	[hbm4b:s0+s3] =	stream.linear.scatter [tilespmem:s7], [sflag:$0x3], $0x1000, $0x38;
	[tilespmem:$0x5000] =	vst v63  }
0x2d0: {  	_ = 	snop  }
0x2d1: {  	[tilespmem:s5], [sflag:$0x4] =	stream.linear.gather [hbm4b:s2+s3], $0x1000, $0x38;
	[tilespmem:$0x5000] =	vst v63  }
0x2d2: {  	_ =	swait.ge [sflag:s4], $0x1000  }
0x2d3: {  	[sflag:s4] =	ssyncset.done $0x0  }
0x2d4: {  	[sflag:s4] =	ssyncadd.s32 $0xFFFFF000  }
0x2d5: {  	_ =	swait.ge [sflag:s9], $0x1000  }
0x2d6: {  	[sflag:s9] =	ssyncset.done $0x0  }
0x2d7: {  	[sflag:s9] =	ssyncadd.s32 $0xFFFFF000  }
0x2d8: {  	[tilespmem:s7], [sflag:$0x2] =	stream.indirect.gather [hbm4b:s11+s5], $0x1, s5, s5, $0xb8;
	[tilespmem:$0x5000] =	vst v63  }
0x2d9: {  	_ =	swait.ge [sflag:s8], $0x1000  }
0x2da: {  	[sflag:s8] =	ssyncset.done $0x0  }
0x2db: {  	[sflag:s8] =	ssyncadd.s32 $0xFFFFF000  }
0x2dc: {  	[hbm4b:s12+s3] =	stream.linear.scatter [tilespmem:s6], [sflag:$0x3], $0x1000, $0x38;
	[tilespmem:$0x5000] =	vst v63  }
0x2dd: {  	_ = 	snop  }
0x2de: {  	[tilespmem:s3], [sflag:$0x4] =	stream.linear.gather [hbm4b:s13+s3], $0x1000, $0x38;
	[tilespmem:$0x5000] =	vst v63  }
0x2df: {  	_ =	swait.ge [sflag:s4], $0x1000  }
0x2e0: {  	[sflag:s4] =	ssyncset.done $0x0  }
0x2e1: {  	[sflag:s4] =	ssyncadd.s32 $0xFFFFF000  }
0x2e2: {  	_ =	swait.ge [sflag:s9], $0x1000  }
0x2e3: {  	[sflag:s9] =	ssyncset.done $0x0  }
0x2e4: {  	[sflag:s9] =	ssyncadd.s32 $0xFFFFF000  }
0x2e5: {  	[tilespmem:s6], [sflag:$0x1] =	stream.indirect.gather [hbm4b:s14+s5], $0x1, s3, s5, $0xb8;
	[tilespmem:$0x5000] =	vst v63  }
0x2e6: {  	_ =	swait.ge [sflag:s10], $0x1000  }
0x2e7: {  	[sflag:s10] =	ssyncset.done $0x0  }
0x2e8: {  	[sflag:s10] =	ssyncadd.s32 $0xFFFFF000  }
0x2e9: {  	[hbm4b:s15+s3] =	stream.linear.scatter [tilespmem:s7], [sflag:$0x3], $0x1000, $0x38;
	[tilespmem:$0x5000] =	vst v63  }
0x2ea: {  	_ = 	snop  }
0x2eb: {  	[tilespmem:s5], [sflag:$0x4] =	stream.linear.gather [hbm4b:s16+s3], $0x1000, $0x38;
	[tilespmem:$0x5000] =	vst v63  }
0x2ec: {  	_ =	swait.ge [sflag:s4], $0x1000  }
0x2ed: {  	[sflag:s4] =	ssyncset.done $0x0  }
0x2ee: {  	[sflag:s4] =	ssyncadd.s32 $0xFFFFF000  }
0x2ef: {  	_ =	swait.ge [sflag:s9], $0x1000  }
0x2f0: {  	[sflag:s9] =	ssyncset.done $0x0  }
0x2f1: {  	[sflag:s9] =	ssyncadd.s32 $0xFFFFF000  }
0x2f2: {  	[tilespmem:s7], [sflag:$0x2] =	stream.indirect.gather [hbm4b:s17+s5], $0x1, s5, s5, $0xb8;
	[tilespmem:$0x5000] =	vst v63  }
0x2f3: {  	_ =	swait.ge [sflag:s8], $0x1000  }
0x2f4: {  	[sflag:s8] =	ssyncset.done $0x0  }
0x2f5: {  	[sflag:s8] =	ssyncadd.s32 $0xFFFFF000  }
0x2f6: {  	[hbm4b:s18+s3] =	stream.linear.scatter [tilespmem:s6], [sflag:$0x3], $0x1000, $0x38;
	[tilespmem:$0x5000] =	vst v63  }
0x2f7: {  	_ = 	snop  }
0x2f8: {  	[tilespmem:s3], [sflag:$0x4] =	stream.linear.gather [hbm4b:s19+s3], $0x1000, $0x38;
	[tilespmem:$0x5000] =	vst v63  }
0x2f9: {  	_ =	swait.ge [sflag:s4], $0x1000  }
0x2fa: {  	[sflag:s4] =	ssyncset.done $0x0  }
0x2fb: {  	[sflag:s4] =	ssyncadd.s32 $0xFFFFF000  }
0x2fc: {  	_ =	swait.ge [sflag:s9], $0x1000  }
0x2fd: {  	[sflag:s9] =	ssyncset.done $0x0  }
0x2fe: {  	[sflag:s9] =	ssyncadd.s32 $0xFFFFF000  }
0x2ff: {  	[tilespmem:s6], [sflag:$0x1] =	stream.indirect.gather [hbm4b:s20+s5], $0x1, s3, s5, $0xb8;
	[tilespmem:$0x5000] =	vst v63  }
0x300: {  	_ =	swait.ge [sflag:s10], $0x1000  }
0x301: {  	[sflag:s10] =	ssyncset.done $0x0  }
0x302: {  	[sflag:s10] =	ssyncadd.s32 $0xFFFFF000  }
0x303: {  	[hbm4b:s21+s3] =	stream.linear.scatter [tilespmem:s7], [sflag:$0x3], $0x1000, $0x38;
	[tilespmem:$0x5000] =	vst v63  }
0x304: {  	_ = 	snop  }
0x305: {  	[tilespmem:s5], [sflag:$0x4] =	stream.linear.gather [hbm4b:s22+s3], $0x1000, $0x38;
	[tilespmem:$0x5000] =	vst v63  }
0x306: {  	_ =	swait.ge [sflag:s4], $0x1000  }
0x307: {  	[sflag:s4] =	ssyncset.done $0x0  }
0x308: {  	[sflag:s4] =	ssyncadd.s32 $0xFFFFF000  }
0x309: {  	_ =	swait.ge [sflag:s9], $0x1000  }
0x30a: {  	[sflag:s9] =	ssyncset.done $0x0  }
0x30b: {  	[sflag:s9] =	ssyncadd.s32 $0xFFFFF000  }
0x30c: {  	[tilespmem:s7], [sflag:$0x2] =	stream.indirect.gather [hbm4b:s23+s5], $0x1, s5, s5, $0xb8;
	[tilespmem:$0x5000] =	vst v63  }
0x30d: {  	_ =	swait.ge [sflag:s8], $0x1000  }
0x30e: {  	[sflag:s8] =	ssyncset.done $0x0  }
0x30f: {  	[sflag:s8] =	ssyncadd.s32 $0xFFFFF000  }
0x310: {  	[hbm4b:s24+s3] =	stream.linear.scatter [tilespmem:s6], [sflag:$0x3], $0x1000, $0x38;
	[tilespmem:$0x5000] =	vst v63  }
0x311: {  	_ =	swait.ge [sflag:s10], $0x1000  }
0x312: {  	[sflag:s10] =	ssyncset.done $0x0  }
0x313: {  	[sflag:s10] =	ssyncadd.s32 $0xFFFFF000  }
0x314: {  	[hbm4b:s25+s3] =	stream.linear.scatter [tilespmem:s7], [sflag:$0x3], $0x1000, $0x38;
	[tilespmem:$0x5000] =	vst v63  }
0x315: {  	_ = 	snop  }
0x316: {  	[tilespmem:s29], [sflag:$0x4] =	stream.linear.gather @!p0 [hbm4b:s26+s28], $0x1000, $0x38;
	[tilespmem:$0x5000] =	vst v63  }
0x317: {  	_ =	swait.ge @!p0 [sflag:s30], $0x1000  }
0x318: {  	[sflag:s30] =	ssyncset.done @!p0 $0x0  }
0x319: {  	[sflag:s30] =	ssyncadd.s32 @!p0 $0xFFFFF000  }
0x31a: {  	[hbm4b:s31+s28] =	stream.linear.scatter @!p0 [tilespmem:s29], [sflag:$0x4], $0x1000, $0x38;
	[tilespmem:$0x5000] =	vst v63  }
0x31b: {  	_ =	swait.ge @!p0 [sflag:s30], $0x1000  }
0x31c: {  	s1 =	sadd.s32 $0xFFFFFFFF, s1;
	[sflag:s30] =	ssyncset.done @!p0 $0x0  }
0x31d: {  	p1 =	sne.s32 s1, $0x0;
	[sflag:s30] =	ssyncadd.s32 @!p0 $0xFFFFF000  }
.Ltmp1:
0x31e: {  	_ =	swait.ge [sflag:s9], $0x1000;
	(pc) =	sbr.rel @p1 .LBB2_1-.Ltmp1, $4  }
0x31f: {  	[sflag:s9] =	ssyncset.done $0x0  }
0x320: {  	[sflag:s9] =	ssyncadd.s32 $0xFFFFF000  }
0x321: {  	_ =	swait.ge [sflag:s9], $0x1000  }
0x322: {  	[sflag:s9] =	ssyncset.done $0x0  }
.LBB2_2:
0x323: {  	[sflag:s9] =	ssyncadd.s32 $0xFFFFF000  }
0x324: {  	_ =	sfence.sel $0x180000  }
0x325: {  	[bflag:$0x0] =	sbarrier.arrive $0xFFFF  }
0x326: {  	_ =	strace $0x90000047  }
0x327: {  	s0 =	stileid.u32;
	[bflag:$0x2] =	sbarrier.arrive $0xFFFF  }
0x328: {  	p0 =	sne.s32 s0, $0x0;
	s0 =	rddreg [dreg:$0x2]  }
0x329: {  	s0 =	sadd.s32 @!p0 $0x100000, s0  }
0x32a: {  	[sflag:s0] =	ssyncadd.tile.s32 @!p0 $0x1;
	_ =	shalt  }
.Lfunc_end2:
_tile_overlayer_lowered:
.L_overlay_start_2:
0x32b: {  	(tag) =	ssettag $0x2  }
0x32c: {  	s0 =	rddreg [dreg:$0x0];
	s2 =	stileid.u32  }
0x32d: {  	s1 =	rddreg [dreg:$0x1];
	p0 =	sne.s32 s2, $0x0  }
0x32e: {  	s3 =	rddreg [dreg:$0x2];
	[bflag:$0x3] =	sbarrier.arrive $0xFFFF;
	s2 =	simm.s32 @!p0 $0x1C04  }
0x32f: {  	[timem:s3], [sflag:s2] =	dma.local @!p0 [hbm:s0], s1  }
0x330: {  	s0 =	simm.s32 @!p0 $0x4  }
0x331: {  	_ =	swait.ge @!p0 [sflag:s0], s1  }
0x332: {  	s1 =	ssub.s32 @!p0 $0x0, s1;
	[sflag:s0] =	ssyncset.done @!p0 $0x0  }
0x333: {  	[sflag:s0] =	ssyncadd.s32 @!p0 s1  }
0x334: {  	[bflag:$0x3] =	sbarrier.arrive $0xFFFF  }
0x335: {  	_ =	shalt  }

</sc_bundles>
